<compile_context>
chip_gen: v7x
topology: tpu7x:2x2x1
jax: 0.10.2.dev20260603
libtpu: 0.0.44.dev20260713+nightly
codegen_flags: <defaults>
</compile_context>

<pallas_src>
import functools

import jax
import jax.numpy as jnp
from jax import lax
from jax.experimental import pallas as pl
from jax.experimental.pallas import tpu as pltpu
from jax.experimental.pallas import tpu_sc as plsc

_ROUTE_FRAC = 0.15
_ENTROPY_WEIGHT = 0.4
_COHERENCE_WEIGHT = 0.4
_LEARNED_WEIGHT = 0.2
_WINDOW = 8


def _moving_avg(x, window):
    pad_l = window // 2
    pad_r = window - 1 - pad_l
    xp = jnp.pad(x, ((0, 0), (pad_l, pad_r)), mode='edge')
    cs = jnp.cumsum(xp, axis=1)
    cs = jnp.pad(cs, ((0, 0), (1, 0)))
    return (cs[:, window:] - cs[:, :-window]) / window


def _routing_scores(hidden_states, W_route, b_route):
    variance = jnp.var(hidden_states, axis=-1, ddof=1)
    entropy_score = jax.nn.sigmoid(variance)
    scores = _ENTROPY_WEIGHT * entropy_score
    c = jnp.mean(jnp.cos(hidden_states), axis=-1)
    s = jnp.mean(jnp.sin(hidden_states), axis=-1)
    token_coh = jnp.sqrt(c * c + s * s + 1e-12)
    ca = _moving_avg(c, _WINDOW)
    sa = _moving_avg(s, _WINDOW)
    local_coh = jnp.sqrt(ca * ca + sa * sa + 1e-12)
    coherence = 0.5 * token_coh + 0.5 * local_coh
    scores = scores + _COHERENCE_WEIGHT * coherence
    learned = jax.nn.sigmoid(
        jnp.squeeze(hidden_states @ W_route + b_route, axis=-1))
    scores = scores + _LEARNED_WEIGHT * learned
    return scores


def _sc_select(scores, k):
    b, l = scores.shape
    nchunk = l // 16
    mesh = plsc.VectorSubcoreMesh(core_axis_name="c", subcore_axis_name="s")

    @functools.partial(
        pl.kernel,
        mesh=mesh,
        out_type=[jax.ShapeDtypeStruct((b, l), jnp.int32)] * 2,
        compiler_params=pltpu.CompilerParams(needs_layout_passes=False),
        scratch_types=[
            pltpu.VMEM((l,), jnp.float32),
            pltpu.VMEM((l,), jnp.int32),
            pltpu.VMEM((l,), jnp.int32),
            pltpu.VMEM((l,), jnp.int32),
            pltpu.VMEM((256,), jnp.int32),
            pltpu.VMEM((l + 16,), jnp.int32),
            pltpu.VMEM((l + 16,), jnp.int32),
            pltpu.VMEM((l + 16,), jnp.int32),
            pltpu.VMEM((l + 16,), jnp.int32),
        ],
    )
    def sel(scores_hbm, attn_hbm, mix_hbm, row_v, key_v, attn_v,
            mix_v, hist_v, ckey_a, cidx_a, ckey_b, cidx_b):
        ncores = 2
        wid = lax.axis_index("s") * ncores + lax.axis_index("c")
        minint = jnp.int32(-(2 ** 31))

        @pl.when(wid < b)
        def _():
            pltpu.sync_copy(scores_hbm.at[wid], row_v)
            lanes = lax.iota(jnp.int32, 16)
            ones = jnp.ones((16,), jnp.int32)
            zeros16 = jnp.zeros((16,), jnp.int32)
            i255 = jnp.int32(255)

            def zero_hist(t, carry):
                hist_v[pl.ds(t * 16, 16)] = zeros16
                return carry

            def scan_hist(r):
                def scan(i2, carry):
                    total, bsel, rr, found = carry
                    h = hist_v[pl.ds(i2 * 16, 16)]
                    gcum = plsc.cumsum(h) + total
                    ge = gcum >= r
                    ge_i = jnp.where(ge, jnp.int32(1), jnp.int32(0))
                    n_ge = jnp.sum(ge_i)
                    pre = jnp.sum(h * (jnp.int32(1) - ge_i))
                    crossed = (jnp.int32(1) - found) * jnp.where(
                        n_ge > 0, jnp.int32(1), jnp.int32(0))
                    bsel = jnp.where(
                        crossed == 1, i2 * 16 + (16 - n_ge), bsel)
                    rr = jnp.where(crossed == 1, r - (total + pre), rr)
                    found = found | crossed
                    return total + jnp.sum(h), bsel, rr, found

                _, bsel, rr, _ = lax.fori_loop(
                    0, 16, scan,
                    (jnp.int32(0), jnp.int32(0), r, jnp.int32(0)))
                return bsel, rr

            def mk(j, carry):
                mn, mx = carry
                for u in range(4):
                    c = (j * 4 + u) * 16
                    v = row_v[pl.ds(c, 16)]
                    iv = plsc.bitcast(v, jnp.int32)
                    kk = jnp.where(
                        iv < 0,
                        jnp.bitwise_xor(jnp.bitwise_not(iv), minint), iv)
                    key_v[pl.ds(c, 16)] = kk
                    mn = jnp.minimum(mn, jnp.min(kk))
                    mx = jnp.maximum(mx, jnp.max(kk))
                return mn, mx

            big = jnp.int32(2 ** 31 - 1)
            mn, mx = lax.fori_loop(0, nchunk // 4, mk, (big, minint))
            xdiff = jnp.bitwise_xor(mn, mx)

            def findbit(t, carry):
                found, hb = carry
                bit = 31 - t
                isset = jnp.bitwise_and(
                    jnp.right_shift(xdiff, bit), jnp.int32(1))
                take = (jnp.int32(1) - found) * isset
                hb = jnp.where(take == 1, bit, hb)
                return found | isset, hb

            _, hb = lax.fori_loop(
                0, 32, findbit, (jnp.int32(0), jnp.int32(0)))
            s0 = jnp.maximum(hb - 7, jnp.int32(0))
            flip = jnp.where(hb == 31, jnp.int32(128), jnp.int32(0))
            p = jnp.bitwise_and(mn, jnp.left_shift(jnp.int32(-256), s0))

            lax.fori_loop(0, 16, zero_hist, jnp.int32(0))

            def acc1(j, carry):
                for u in range(4):
                    kk = key_v[pl.ds((j * 4 + u) * 16, 16)]
                    digit = jnp.bitwise_xor(
                        jnp.bitwise_and(jnp.right_shift(kk, s0), i255),
                        flip)
                    plsc.addupdate_scatter(hist_v, [digit], ones)
                return carry

            lax.fori_loop(0, nchunk // 4, acc1, jnp.int32(0))
            b1, r = scan_hist(jnp.int32(k))
            p = jnp.bitwise_or(
                p, jnp.left_shift(jnp.bitwise_xor(b1, flip), s0))

            def compact0(j, off):
                for u in range(4):
                    c = (j * 4 + u) * 16
                    kk = key_v[pl.ds(c, 16)]
                    idxv = lanes + c
                    dj = jnp.bitwise_xor(
                        jnp.bitwise_and(jnp.right_shift(kk, s0), i255),
                        flip)
                    inb = dj == b1
                    ai = jnp.where(dj < b1, jnp.int32(1), jnp.int32(0))
                    attn_v[pl.ds(c, 16)] = ai
                    mix_v[pl.ds(c, 16)] = jnp.int32(1) - ai
                    plsc.store_compressed(
                        ckey_a.at[pl.ds(off, 16)], kk, mask=inb)
                    plsc.store_compressed(
                        cidx_a.at[pl.ds(off, 16)], idxv, mask=inb)
                    off = off + jnp.sum(
                        jnp.where(inb, jnp.int32(1), jnp.int32(0)))
                return off

            n_in = lax.fori_loop(0, nchunk // 4, compact0, jnp.int32(0))

            shift = s0
            bufs = [(ckey_a, cidx_a, ckey_b, cidx_b),
                    (ckey_b, cidx_b, ckey_a, cidx_a)]
            for lev in range(3):
                shift = jnp.maximum(shift - 8, jnp.int32(0))
                src_k, src_i, dst_k, dst_i = bufs[lev % 2]
                nch_c = (n_in + 15) // 16
                lax.fori_loop(0, 16, zero_hist, jnp.int32(0))

                def acc(j, carry, sk=src_k, sh=shift, ni=n_in):
                    valid = (lanes + j * 16) < ni
                    kk = sk[pl.ds(j * 16, 16)]
                    digit = jnp.bitwise_and(jnp.right_shift(kk, sh), i255)
                    plsc.addupdate_scatter(hist_v, [digit], ones,
                                           mask=valid)
                    return carry

                lax.fori_loop(0, nch_c, acc, jnp.int32(0))
                bsel, r = scan_hist(r)
                p = jnp.bitwise_or(p, jnp.left_shift(bsel, shift))

                def compact(j, off, sk=src_k, si=src_i, dk=dst_k,
                            di=dst_i, sh=shift, bs=bsel, ni=n_in):
                    valid = (lanes + j * 16) < ni
                    kk = sk[pl.ds(j * 16, 16)]
                    idxv = si[pl.ds(j * 16, 16)]
                    digit = jnp.bitwise_and(jnp.right_shift(kk, sh), i255)
                    sel_lo = valid & (digit < bs)
                    plsc.store_scatter(attn_v, [idxv], ones, mask=sel_lo)
                    plsc.store_scatter(mix_v, [idxv], zeros16,
                                       mask=sel_lo)
                    inb = valid & (digit == bs)
                    plsc.store_compressed(
                        dk.at[pl.ds(off, 16)], kk, mask=inb)
                    plsc.store_compressed(
                        di.at[pl.ds(off, 16)], idxv, mask=inb)
                    return off + jnp.sum(
                        jnp.where(inb, jnp.int32(1), jnp.int32(0)))

                n_in = lax.fori_loop(0, nch_c, compact, jnp.int32(0))

            jsel = jnp.int32(0)
            for lev in range(2):
                shift = jnp.int32(8 - 8 * lev)
                src_k, src_i, dst_k, dst_i = bufs[(3 + lev) % 2]
                nch_c = (n_in + 15) // 16
                lax.fori_loop(0, 16, zero_hist, jnp.int32(0))

                def acci(j, carry, si=src_i, sh=shift, ni=n_in):
                    valid = (lanes + j * 16) < ni
                    idxv = si[pl.ds(j * 16, 16)]
                    digit = jnp.bitwise_and(
                        jnp.right_shift(idxv, sh), i255)
                    plsc.addupdate_scatter(hist_v, [digit], ones,
                                           mask=valid)
                    return carry

                lax.fori_loop(0, nch_c, acci, jnp.int32(0))
                bsel, r = scan_hist(r)
                jsel = jnp.bitwise_or(jsel, jnp.left_shift(bsel, shift))

                def compacti(j, off, sk=src_k, si=src_i, dk=dst_k,
                             di=dst_i, sh=shift, bs=bsel, ni=n_in):
                    valid = (lanes + j * 16) < ni
                    kk = sk[pl.ds(j * 16, 16)]
                    idxv = si[pl.ds(j * 16, 16)]
                    digit = jnp.bitwise_and(
                        jnp.right_shift(idxv, sh), i255)
                    sel_lo = valid & (digit < bs)
                    plsc.store_scatter(attn_v, [idxv], ones, mask=sel_lo)
                    plsc.store_scatter(mix_v, [idxv], zeros16,
                                       mask=sel_lo)
                    inb = valid & (digit == bs)
                    plsc.store_compressed(
                        dk.at[pl.ds(off, 16)], kk, mask=inb)
                    plsc.store_compressed(
                        di.at[pl.ds(off, 16)], idxv, mask=inb)
                    return off + jnp.sum(
                        jnp.where(inb, jnp.int32(1), jnp.int32(0)))

                n_in = lax.fori_loop(0, nch_c, compacti, jnp.int32(0))

            fin_i = bufs[1][1]

            def fin(j, carry, si=fin_i, ni=n_in):
                valid = (lanes + j * 16) < ni
                idxv = si[pl.ds(j * 16, 16)]
                a = valid & (idxv <= jsel)
                plsc.store_scatter(attn_v, [idxv], ones, mask=a)
                plsc.store_scatter(mix_v, [idxv], zeros16, mask=a)
                return carry

            lax.fori_loop(0, (n_in + 15) // 16, fin, jnp.int32(0))
            pltpu.sync_copy(attn_v, attn_hbm.at[wid])
            pltpu.sync_copy(mix_v, mix_hbm.at[wid])

    return sel(scores)


def kernel(hidden_states, W_route, b_route):
    b, l, d = hidden_states.shape
    scores = _routing_scores(hidden_states, W_route, b_route)
    n_attn = max(1, int(l * _ROUTE_FRAC))
    attn_i, mix_i = _sc_select(scores, n_attn)
    attn_mask = attn_i.astype(bool)
    mix_mask = mix_i.astype(bool)
    return (attn_mask, mix_mask, scores)

# --- scband reference (transcript-rebuilt; emitter-appended) ---
"""Pipeline reference for scband-coherent-router-20658792694407 (READ-ONLY COPY).

The authoritative reference and input builder live on the scoring server;
editing this copy changes nothing except your own understanding.
"""

import jax, jax.numpy as jnp
import numpy as np

ROUTE_FRAC = 0.15
ENTROPY_WEIGHT = 0.4
COHERENCE_WEIGHT = 0.4
LEARNED_WEIGHT = 0.2
COHERENCE_WINDOW = 8

B, L, D = 4, 8192, 768


def compute_phase_coherence(h):
    # Treat hidden values as phases; mean resultant length (R-bar) over feature dim.
    c = jnp.mean(jnp.cos(h), axis=-1)
    s = jnp.mean(jnp.sin(h), axis=-1)
    return jnp.sqrt(c * c + s * s + 1e-12)


def compute_local_coherence(h, window=COHERENCE_WINDOW):
    # Per-token complex mean phase, then sliding-window average along sequence.
    c = jnp.mean(jnp.cos(h), axis=-1)  # [B, L]
    s = jnp.mean(jnp.sin(h), axis=-1)  # [B, L]
    pad_l = window // 2
    pad_r = window - 1 - pad_l

    def moving_avg(x):
        xp = jnp.pad(x, ((0, 0), (pad_l, pad_r)), mode='edge')  # [B, L+window-1]
        cs = jnp.cumsum(xp, axis=1)
        cs = jnp.pad(cs, ((0, 0), (1, 0)))  # [B, L+window]
        return (cs[:, window:] - cs[:, :-window]) / window  # [B, L]

    ca = moving_avg(c)
    sa = moving_avg(s)
    return jnp.sqrt(ca * ca + sa * sa + 1e-12)


def _compute_routing_scores(hidden_states, W_route, b_route):
    # entropy score: sigmoid of per-token variance (torch.var uses ddof=1)
    variance = jnp.var(hidden_states, axis=-1, ddof=1)
    entropy_score = jax.nn.sigmoid(variance)
    scores = ENTROPY_WEIGHT * entropy_score
    # combined coherence: 0.5*token + 0.5*local
    token_coh = compute_phase_coherence(hidden_states)
    local_coh = compute_local_coherence(hidden_states, COHERENCE_WINDOW)
    coherence = 0.5 * token_coh + 0.5 * local_coh
    scores = scores + COHERENCE_WEIGHT * coherence
    # learned routing score
    learned = jax.nn.sigmoid(jnp.squeeze(hidden_states @ W_route + b_route, axis=-1))
    scores = scores + LEARNED_WEIGHT * learned
    return scores


def setup_inputs(seed: int = 0) -> dict:
    key = jax.random.key(seed)
    k1, k2 = jax.random.split(key)
    hidden_states = jax.random.normal(k1, (B, L, D), dtype=jnp.float32)
    W_route = jax.random.normal(k2, (D, 1), dtype=jnp.float32) * (1.0 / np.sqrt(D))
    b_route = jnp.zeros((1,), dtype=jnp.float32)
    return {"hidden_states": hidden_states, "W_route": W_route, "b_route": b_route}


def reference(hidden_states, W_route, b_route):
    b, l, d = hidden_states.shape
    scores = _compute_routing_scores(hidden_states, W_route, b_route)  # [B, L]
    n_attn = max(1, int(l * ROUTE_FRAC))
    # smallest-k == top-k of negated scores
    _, attn_indices = jax.lax.top_k(-scores, n_attn)  # [B, n_attn]
    attn_mask = jnp.zeros((b, l), dtype=bool).at[
        jnp.arange(b)[:, None], attn_indices
    ].set(True)
    mix_mask = ~attn_mask
    return (attn_mask, mix_mask, scores)

if __name__ == "__main__":
    import jax
    _d = setup_inputs()
    print(jax.jit(kernel)(*tuple(_d.values())))

</pallas_src>

<mosaic_0001>
#map = affine_map<(d0, d1) -> (0, 0)>
module attributes {stable_mosaic.version = 14 : i64} {
  func.func @sel(%arg0: i32, %arg1: i32, %arg2: memref<4x8192xf32, #tpu.memory_space<hbm>>, %arg3: memref<4x8192xi32, #tpu.memory_space<hbm>>, %arg4: memref<4x8192xi32, #tpu.memory_space<hbm>>, %arg5: memref<8192xf32, #tpu.memory_space<vmem>>, %arg6: memref<8192xi32, #tpu.memory_space<vmem>>, %arg7: memref<8192xi32, #tpu.memory_space<vmem>>, %arg8: memref<8192xi32, #tpu.memory_space<vmem>>, %arg9: memref<256xi32, #tpu.memory_space<vmem>>, %arg10: memref<8208xi32, #tpu.memory_space<vmem>>, %arg11: memref<8208xi32, #tpu.memory_space<vmem>>, %arg12: memref<8208xi32, #tpu.memory_space<vmem>>, %arg13: memref<8208xi32, #tpu.memory_space<vmem>>) attributes {dimension_semantics = [#tpu.dimension_semantics<core_parallel>, #tpu.dimension_semantics<subcore_parallel>], iteration_bounds = array<i64: 2, 16>, scalar_prefetch = 0 : i64, scratch_operands = 9 : i64, tpu.core_type = #tpu.core_type<sc_vector_subcore>, window_params = [{transform_indices = #map}, {transform_indices = #map}, {transform_indices = #map}]} {
    %mul3A = arith.constant 2 : i32
    %mul3A_0 = arith.muli %arg1, %mul3A : i32
    %add3A = arith.addi %mul3A_0, %arg0 : i32
    %lt3A = arith.constant 4 : i32
    %lt3A_1 = arith.cmpi slt, %add3A, %lt3A : i32
    %convert_element_type3A = arith.extui %lt3A_1 : i1 to i32
    %cond3A = arith.constant -2147483648 : i32
    %cond3A_2 = arith.constant 0 : i32
    %cond3A_3 = arith.cmpi ne, %convert_element_type3A, %cond3A_2 : i32
    scf.if %cond3A_3 {
      "tpu.region"() ({
        %run_scoped3A = tpu.sem_alloc : memref<!tpu.dma_semaphore, #tpu.memory_space<semaphore_mem>>
        %dma_start3A = arith.constant 0 : i32
        %dma_start3A_445 = tpu.memref_slice %arg2[%add3A, %dma_start3A] : memref<4x8192xf32, #tpu.memory_space<hbm>> -> memref<1x8192xf32, #tpu.memory_space<hbm>>
        %dma_start3A_446 = tpu.memref_squeeze %dma_start3A_445 : memref<1x8192xf32, #tpu.memory_space<hbm>> -> memref<8192xf32, #tpu.memory_space<hbm>>
        %dma_start3A_447 = arith.constant 0 : i32
        %dma_start3A_448 = tpu.memref_slice %arg2[%add3A, %dma_start3A_447] : memref<4x8192xf32, #tpu.memory_space<hbm>> -> memref<1x8192xf32, #tpu.memory_space<hbm>>
        %dma_start3A_449 = tpu.memref_squeeze %dma_start3A_448 : memref<1x8192xf32, #tpu.memory_space<hbm>> -> memref<8192xf32, #tpu.memory_space<hbm>>
        tpu.enqueue_dma source(%dma_start3A_449 : memref<8192xf32, #tpu.memory_space<hbm>>) target(%arg5 : memref<8192xf32, #tpu.memory_space<vmem>>) target_semaphore(%run_scoped3A : memref<!tpu.dma_semaphore, #tpu.memory_space<semaphore_mem>>)
        %dma_wait3A = arith.constant 0 : i32
        %dma_wait3A_450 = tpu.memref_slice %arg2[%add3A, %dma_wait3A] : memref<4x8192xf32, #tpu.memory_space<hbm>> -> memref<1x8192xf32, #tpu.memory_space<hbm>>
        %dma_wait3A_451 = tpu.memref_squeeze %dma_wait3A_450 : memref<1x8192xf32, #tpu.memory_space<hbm>> -> memref<8192xf32, #tpu.memory_space<hbm>>
        %dma_wait3A_452 = arith.constant 0 : i32
        %dma_wait3A_453 = tpu.memref_slice %arg2[%add3A, %dma_wait3A_452] : memref<4x8192xf32, #tpu.memory_space<hbm>> -> memref<1x8192xf32, #tpu.memory_space<hbm>>
        %dma_wait3A_454 = tpu.memref_squeeze %dma_wait3A_453 : memref<1x8192xf32, #tpu.memory_space<hbm>> -> memref<8192xf32, #tpu.memory_space<hbm>>
        tpu.wait_dma2 semaphore(%run_scoped3A : memref<!tpu.dma_semaphore, #tpu.memory_space<semaphore_mem>>) src(%dma_wait3A_454 : memref<8192xf32, #tpu.memory_space<hbm>>) dst(%arg5 : memref<8192xf32, #tpu.memory_space<vmem>>)
        tpu.yield
      }) : () -> ()
      %iota3A = tpu.iota {dimensions = array<i32: 0>} : vector<16xi32>
      %broadcast_in_dim3A = arith.constant 1 : i32
      %broadcast_in_dim3A_4 = vector.broadcast %broadcast_in_dim3A : i32 to vector<16xi32>
      %broadcast_in_dim3A_5 = arith.constant 0 : i32
      %broadcast_in_dim3A_6 = vector.broadcast %broadcast_in_dim3A_5 : i32 to vector<16xi32>
      %scan3A = arith.constant 2147483647 : i32
      %scan3A_7 = arith.constant 0 : i32
      %scan3A_8 = arith.constant 128 : i32
      %scan3A_9 = arith.addi %scan3A_7, %scan3A_8 : i32
      %scan3A_10 = arith.constant 1 : i32
      %scan3A_11:2 = scf.for %scan3A_445 = %scan3A_7 to %scan3A_9 step %scan3A_10 iter_args(%scan3A_446 = %scan3A, %scan3A_447 = %cond3A) -> (i32, i32)  : i32 {
        %mul3A_448 = arith.constant 4 : i32
        %mul3A_449 = arith.muli %scan3A_445, %mul3A_448 : i32
        %add3A_450 = arith.constant 0 : i32
        %add3A_451 = arith.addi %mul3A_449, %add3A_450 : i32
        %mul3A_452 = arith.constant 16 : i32
        %mul3A_453 = arith.muli %add3A_451, %mul3A_452 : i32
        %get3A = arith.index_cast %mul3A_453 : i32 to index
        %get3A_454 = tpu.vector_load %arg5[%get3A] {strides = array<i32>} : memref<8192xf32, #tpu.memory_space<vmem>>, vector<16xf32>,
        %bitcast3A = vector.bitcast %get3A_454 : vector<16xf32> to vector<16xi32>
        %lt3A_455 = arith.constant 0 : i32
        %lt3A_456 = vector.broadcast %lt3A_455 : i32 to vector<16xi32>
        %lt3A_457 = arith.cmpi slt, %bitcast3A, %lt3A_456 : vector<16xi32>
        %not3A = arith.constant dense<-1> : vector<16xi32>
        %not3A_458 = arith.xori %bitcast3A, %not3A : vector<16xi32>
        %xor3A_459 = vector.broadcast %cond3A : i32 to vector<16xi32>
        %xor3A_460 = arith.xori %not3A_458, %xor3A_459 : vector<16xi32>
        %select_n3A_461 = arith.select %lt3A_457, %xor3A_460, %bitcast3A : vector<16xi1>, vector<16xi32>
        %swap3A = arith.index_cast %mul3A_453 : i32 to index
        %swap3A_462 = tpu.vector_load %arg6[%swap3A] {strides = array<i32>} : memref<8192xi32, #tpu.memory_space<vmem>>, vector<16xi32>,
        tpu.vector_store %arg6[%swap3A], %select_n3A_461 {strides = array<i32>} : memref<8192xi32, #tpu.memory_space<vmem>>, vector<16xi32>,
        %reduce_min3A = arith.constant true
        %reduce_min3A_463 = vector.broadcast %reduce_min3A : i1 to vector<16xi1>
        %reduce_min3A_464 = arith.constant -2147483648 : i32
        %reduce_min3A_465 = vector.broadcast %reduce_min3A_464 : i32 to vector<16xi32>
        %reduce_min3A_466 = arith.xori %select_n3A_461, %reduce_min3A_465 : vector<16xi32>
        %reduce_min3A_467 = tpu.scan <min>, %reduce_min3A_466 masked %reduce_min3A_463 : vector<16xi32>, vector<16xi1> -> vector<16xi32>
        %reduce_min3A_468 = arith.xori %reduce_min3A_467, %reduce_min3A_465 : vector<16xi32>
        %reduce_min3A_469 = vector.extract %reduce_min3A_468[15] : i32 from vector<16xi32>
        %min3A = arith.minsi %scan3A_446, %reduce_min3A_469 : i32
        %reduce_max3A = arith.constant true
        %reduce_max3A_470 = vector.broadcast %reduce_max3A : i1 to vector<16xi1>
        %reduce_max3A_471 = arith.constant -2147483648 : i32
        %reduce_max3A_472 = vector.broadcast %reduce_max3A_471 : i32 to vector<16xi32>
        %reduce_max3A_473 = arith.xori %select_n3A_461, %reduce_max3A_472 : vector<16xi32>
        %reduce_max3A_474 = tpu.scan <max>, %reduce_max3A_473 masked %reduce_max3A_470 : vector<16xi32>, vector<16xi1> -> vector<16xi32>
        %reduce_max3A_475 = arith.xori %reduce_max3A_474, %reduce_max3A_472 : vector<16xi32>
        %reduce_max3A_476 = vector.extract %reduce_max3A_475[15] : i32 from vector<16xi32>
        %max3A_477 = arith.maxsi %scan3A_447, %reduce_max3A_476 : i32
        %mul3A_478 = arith.constant 4 : i32
        %mul3A_479 = arith.muli %scan3A_445, %mul3A_478 : i32
        %add3A_480 = arith.constant 1 : i32
        %add3A_481 = arith.addi %mul3A_479, %add3A_480 : i32
        %mul3A_482 = arith.constant 16 : i32
        %mul3A_483 = arith.muli %add3A_481, %mul3A_482 : i32
        %get3A_484 = arith.index_cast %mul3A_483 : i32 to index
        %get3A_485 = tpu.vector_load %arg5[%get3A_484] {strides = array<i32>} : memref<8192xf32, #tpu.memory_space<vmem>>, vector<16xf32>,
        %bitcast3A_486 = vector.bitcast %get3A_485 : vector<16xf32> to vector<16xi32>
        %lt3A_487 = arith.constant 0 : i32
        %lt3A_488 = vector.broadcast %lt3A_487 : i32 to vector<16xi32>
        %lt3A_489 = arith.cmpi slt, %bitcast3A_486, %lt3A_488 : vector<16xi32>
        %not3A_490 = arith.constant dense<-1> : vector<16xi32>
        %not3A_491 = arith.xori %bitcast3A_486, %not3A_490 : vector<16xi32>
        %xor3A_492 = vector.broadcast %cond3A : i32 to vector<16xi32>
        %xor3A_493 = arith.xori %not3A_491, %xor3A_492 : vector<16xi32>
        %select_n3A_494 = arith.select %lt3A_489, %xor3A_493, %bitcast3A_486 : vector<16xi1>, vector<16xi32>
        %swap3A_495 = arith.index_cast %mul3A_483 : i32 to index
        %swap3A_496 = tpu.vector_load %arg6[%swap3A_495] {strides = array<i32>} : memref<8192xi32, #tpu.memory_space<vmem>>, vector<16xi32>,
        tpu.vector_store %arg6[%swap3A_495], %select_n3A_494 {strides = array<i32>} : memref<8192xi32, #tpu.memory_space<vmem>>, vector<16xi32>,
        %reduce_min3A_497 = arith.constant true
        %reduce_min3A_498 = vector.broadcast %reduce_min3A_497 : i1 to vector<16xi1>
        %reduce_min3A_499 = arith.constant -2147483648 : i32
        %reduce_min3A_500 = vector.broadcast %reduce_min3A_499 : i32 to vector<16xi32>
        %reduce_min3A_501 = arith.xori %select_n3A_494, %reduce_min3A_500 : vector<16xi32>
        %reduce_min3A_502 = tpu.scan <min>, %reduce_min3A_501 masked %reduce_min3A_498 : vector<16xi32>, vector<16xi1> -> vector<16xi32>
        %reduce_min3A_503 = arith.xori %reduce_min3A_502, %reduce_min3A_500 : vector<16xi32>
        %reduce_min3A_504 = vector.extract %reduce_min3A_503[15] : i32 from vector<16xi32>
        %min3A_505 = arith.minsi %min3A, %reduce_min3A_504 : i32
        %reduce_max3A_506 = arith.constant true
        %reduce_max3A_507 = vector.broadcast %reduce_max3A_506 : i1 to vector<16xi1>
        %reduce_max3A_508 = arith.constant -2147483648 : i32
        %reduce_max3A_509 = vector.broadcast %reduce_max3A_508 : i32 to vector<16xi32>
        %reduce_max3A_510 = arith.xori %select_n3A_494, %reduce_max3A_509 : vector<16xi32>
        %reduce_max3A_511 = tpu.scan <max>, %reduce_max3A_510 masked %reduce_max3A_507 : vector<16xi32>, vector<16xi1> -> vector<16xi32>
        %reduce_max3A_512 = arith.xori %reduce_max3A_511, %reduce_max3A_509 : vector<16xi32>
        %reduce_max3A_513 = vector.extract %reduce_max3A_512[15] : i32 from vector<16xi32>
        %max3A_514 = arith.maxsi %max3A_477, %reduce_max3A_513 : i32
        %mul3A_515 = arith.constant 4 : i32
        %mul3A_516 = arith.muli %scan3A_445, %mul3A_515 : i32
        %add3A_517 = arith.constant 2 : i32
        %add3A_518 = arith.addi %mul3A_516, %add3A_517 : i32
        %mul3A_519 = arith.constant 16 : i32
        %mul3A_520 = arith.muli %add3A_518, %mul3A_519 : i32
        %get3A_521 = arith.index_cast %mul3A_520 : i32 to index
        %get3A_522 = tpu.vector_load %arg5[%get3A_521] {strides = array<i32>} : memref<8192xf32, #tpu.memory_space<vmem>>, vector<16xf32>,
        %bitcast3A_523 = vector.bitcast %get3A_522 : vector<16xf32> to vector<16xi32>
        %lt3A_524 = arith.constant 0 : i32
        %lt3A_525 = vector.broadcast %lt3A_524 : i32 to vector<16xi32>
        %lt3A_526 = arith.cmpi slt, %bitcast3A_523, %lt3A_525 : vector<16xi32>
        %not3A_527 = arith.constant dense<-1> : vector<16xi32>
        %not3A_528 = arith.xori %bitcast3A_523, %not3A_527 : vector<16xi32>
        %xor3A_529 = vector.broadcast %cond3A : i32 to vector<16xi32>
        %xor3A_530 = arith.xori %not3A_528, %xor3A_529 : vector<16xi32>
        %select_n3A_531 = arith.select %lt3A_526, %xor3A_530, %bitcast3A_523 : vector<16xi1>, vector<16xi32>
        %swap3A_532 = arith.index_cast %mul3A_520 : i32 to index
        %swap3A_533 = tpu.vector_load %arg6[%swap3A_532] {strides = array<i32>} : memref<8192xi32, #tpu.memory_space<vmem>>, vector<16xi32>,
        tpu.vector_store %arg6[%swap3A_532], %select_n3A_531 {strides = array<i32>} : memref<8192xi32, #tpu.memory_space<vmem>>, vector<16xi32>,
        %reduce_min3A_534 = arith.constant true
        %reduce_min3A_535 = vector.broadcast %reduce_min3A_534 : i1 to vector<16xi1>
        %reduce_min3A_536 = arith.constant -2147483648 : i32
        %reduce_min3A_537 = vector.broadcast %reduce_min3A_536 : i32 to vector<16xi32>
        %reduce_min3A_538 = arith.xori %select_n3A_531, %reduce_min3A_537 : vector<16xi32>
        %reduce_min3A_539 = tpu.scan <min>, %reduce_min3A_538 masked %reduce_min3A_535 : vector<16xi32>, vector<16xi1> -> vector<16xi32>
        %reduce_min3A_540 = arith.xori %reduce_min3A_539, %reduce_min3A_537 : vector<16xi32>
        %reduce_min3A_541 = vector.extract %reduce_min3A_540[15] : i32 from vector<16xi32>
        %min3A_542 = arith.minsi %min3A_505, %reduce_min3A_541 : i32
        %reduce_max3A_543 = arith.constant true
        %reduce_max3A_544 = vector.broadcast %reduce_max3A_543 : i1 to vector<16xi1>
        %reduce_max3A_545 = arith.constant -2147483648 : i32
        %reduce_max3A_546 = vector.broadcast %reduce_max3A_545 : i32 to vector<16xi32>
        %reduce_max3A_547 = arith.xori %select_n3A_531, %reduce_max3A_546 : vector<16xi32>
        %reduce_max3A_548 = tpu.scan <max>, %reduce_max3A_547 masked %reduce_max3A_544 : vector<16xi32>, vector<16xi1> -> vector<16xi32>
        %reduce_max3A_549 = arith.xori %reduce_max3A_548, %reduce_max3A_546 : vector<16xi32>
        %reduce_max3A_550 = vector.extract %reduce_max3A_549[15] : i32 from vector<16xi32>
        %max3A_551 = arith.maxsi %max3A_514, %reduce_max3A_550 : i32
        %mul3A_552 = arith.constant 4 : i32
        %mul3A_553 = arith.muli %scan3A_445, %mul3A_552 : i32
        %add3A_554 = arith.constant 3 : i32
        %add3A_555 = arith.addi %mul3A_553, %add3A_554 : i32
        %mul3A_556 = arith.constant 16 : i32
        %mul3A_557 = arith.muli %add3A_555, %mul3A_556 : i32
        %get3A_558 = arith.index_cast %mul3A_557 : i32 to index
        %get3A_559 = tpu.vector_load %arg5[%get3A_558] {strides = array<i32>} : memref<8192xf32, #tpu.memory_space<vmem>>, vector<16xf32>,
        %bitcast3A_560 = vector.bitcast %get3A_559 : vector<16xf32> to vector<16xi32>
        %lt3A_561 = arith.constant 0 : i32
        %lt3A_562 = vector.broadcast %lt3A_561 : i32 to vector<16xi32>
        %lt3A_563 = arith.cmpi slt, %bitcast3A_560, %lt3A_562 : vector<16xi32>
        %not3A_564 = arith.constant dense<-1> : vector<16xi32>
        %not3A_565 = arith.xori %bitcast3A_560, %not3A_564 : vector<16xi32>
        %xor3A_566 = vector.broadcast %cond3A : i32 to vector<16xi32>
        %xor3A_567 = arith.xori %not3A_565, %xor3A_566 : vector<16xi32>
        %select_n3A_568 = arith.select %lt3A_563, %xor3A_567, %bitcast3A_560 : vector<16xi1>, vector<16xi32>
        %swap3A_569 = arith.index_cast %mul3A_557 : i32 to index
        %swap3A_570 = tpu.vector_load %arg6[%swap3A_569] {strides = array<i32>} : memref<8192xi32, #tpu.memory_space<vmem>>, vector<16xi32>,
        tpu.vector_store %arg6[%swap3A_569], %select_n3A_568 {strides = array<i32>} : memref<8192xi32, #tpu.memory_space<vmem>>, vector<16xi32>,
        %reduce_min3A_571 = arith.constant true
        %reduce_min3A_572 = vector.broadcast %reduce_min3A_571 : i1 to vector<16xi1>
        %reduce_min3A_573 = arith.constant -2147483648 : i32
        %reduce_min3A_574 = vector.broadcast %reduce_min3A_573 : i32 to vector<16xi32>
        %reduce_min3A_575 = arith.xori %select_n3A_568, %reduce_min3A_574 : vector<16xi32>
        %reduce_min3A_576 = tpu.scan <min>, %reduce_min3A_575 masked %reduce_min3A_572 : vector<16xi32>, vector<16xi1> -> vector<16xi32>
        %reduce_min3A_577 = arith.xori %reduce_min3A_576, %reduce_min3A_574 : vector<16xi32>
        %reduce_min3A_578 = vector.extract %reduce_min3A_577[15] : i32 from vector<16xi32>
        %min3A_579 = arith.minsi %min3A_542, %reduce_min3A_578 : i32
        %reduce_max3A_580 = arith.constant true
        %reduce_max3A_581 = vector.broadcast %reduce_max3A_580 : i1 to vector<16xi1>
        %reduce_max3A_582 = arith.constant -2147483648 : i32
        %reduce_max3A_583 = vector.broadcast %reduce_max3A_582 : i32 to vector<16xi32>
        %reduce_max3A_584 = arith.xori %select_n3A_568, %reduce_max3A_583 : vector<16xi32>
        %reduce_max3A_585 = tpu.scan <max>, %reduce_max3A_584 masked %reduce_max3A_581 : vector<16xi32>, vector<16xi1> -> vector<16xi32>
        %reduce_max3A_586 = arith.xori %reduce_max3A_585, %reduce_max3A_583 : vector<16xi32>
        %reduce_max3A_587 = vector.extract %reduce_max3A_586[15] : i32 from vector<16xi32>
        %max3A_588 = arith.maxsi %max3A_551, %reduce_max3A_587 : i32
        scf.yield %min3A_579, %max3A_588 : i32, i32
      }
      %scan3A_12 = arith.constant 128 : i32
      %xor3A = arith.xori %scan3A_11#0, %scan3A_11#1 : i32
      %scan3A_13 = arith.constant 0 : i32
      %scan3A_14 = arith.constant 0 : i32
      %scan3A_15 = arith.constant 0 : i32
      %scan3A_16 = arith.constant 32 : i32
      %scan3A_17 = arith.addi %scan3A_15, %scan3A_16 : i32
      %scan3A_18 = arith.constant 1 : i32
      %scan3A_19:2 = scf.for %scan3A_445 = %scan3A_15 to %scan3A_17 step %scan3A_18 iter_args(%scan3A_446 = %scan3A_13, %scan3A_447 = %scan3A_14) -> (i32, i32)  : i32 {
        %sub3A_448 = arith.constant 31 : i32
        %sub3A_449 = arith.subi %sub3A_448, %scan3A_445 : i32
        %shift_right_arithmetic3A = arith.shrsi %xor3A, %sub3A_449 : i32
        %and3A_450 = arith.constant 1 : i32
        %and3A_451 = arith.andi %shift_right_arithmetic3A, %and3A_450 : i32
        %sub3A_452 = arith.constant 1 : i32
        %sub3A_453 = arith.subi %sub3A_452, %scan3A_446 : i32
        %mul3A_454 = arith.muli %sub3A_453, %and3A_451 : i32
        %eq3A_455 = arith.constant 1 : i32
        %eq3A_456 = arith.cmpi eq, %mul3A_454, %eq3A_455 : i32
        %select_n3A_457 = arith.select %eq3A_456, %sub3A_449, %scan3A_447 : i32
        %or3A_458 = arith.ori %scan3A_446, %and3A_451 : i32
        scf.yield %or3A_458, %select_n3A_457 : i32, i32
      }
      %scan3A_20 = arith.constant 32 : i32
      %sub3A = arith.constant 7 : i32
      %sub3A_21 = arith.subi %scan3A_19#1, %sub3A : i32
      %max3A = arith.constant 0 : i32
      %max3A_22 = arith.maxsi %sub3A_21, %max3A : i32
      %eq3A = arith.constant 31 : i32
      %eq3A_23 = arith.cmpi eq, %scan3A_19#1, %eq3A : i32
      %jit3A = arith.constant 128 : i32
      %jit3A_24 = arith.constant 0 : i32
      %select_n3A = arith.select %eq3A_23, %jit3A, %jit3A_24 : i32
      %shift_left3A = arith.constant -256 : i32
      %shift_left3A_25 = arith.shli %shift_left3A, %max3A_22 : i32
      %and3A = arith.andi %scan3A_11#0, %shift_left3A_25 : i32
      %scan3A_26 = arith.constant 0 : i32
      %scan3A_27 = arith.constant 0 : i32
      %scan3A_28 = arith.constant 16 : i32
      %scan3A_29 = arith.addi %scan3A_27, %scan3A_28 : i32
      %scan3A_30 = arith.constant 1 : i32
      scf.for %scan3A_445 = %scan3A_27 to %scan3A_29 step %scan3A_30  : i32 {
        %mul3A_446 = arith.constant 16 : i32
        %mul3A_447 = arith.muli %scan3A_445, %mul3A_446 : i32
        %swap3A = arith.index_cast %mul3A_447 : i32 to index
        %swap3A_448 = tpu.vector_load %arg9[%swap3A] {strides = array<i32>} : memref<256xi32, #tpu.memory_space<vmem>>, vector<16xi32>,
        tpu.vector_store %arg9[%swap3A], %broadcast_in_dim3A_6 {strides = array<i32>} : memref<256xi32, #tpu.memory_space<vmem>>, vector<16xi32>,
      }
      %scan3A_31 = arith.constant 16 : i32
      %scan3A_32 = arith.constant 0 : i32
      %scan3A_33 = arith.constant 255 : i32
      %scan3A_34 = arith.constant 0 : i32
      %scan3A_35 = arith.constant 128 : i32
      %scan3A_36 = arith.addi %scan3A_34, %scan3A_35 : i32
      %scan3A_37 = arith.constant 1 : i32
      scf.for %scan3A_445 = %scan3A_34 to %scan3A_36 step %scan3A_37  : i32 {
        %mul3A_446 = arith.constant 4 : i32
        %mul3A_447 = arith.muli %scan3A_445, %mul3A_446 : i32
        %add3A_448 = arith.constant 0 : i32
        %add3A_449 = arith.addi %mul3A_447, %add3A_448 : i32
        %mul3A_450 = arith.constant 16 : i32
        %mul3A_451 = arith.muli %add3A_449, %mul3A_450 : i32
        %get3A = arith.index_cast %mul3A_451 : i32 to index
        %get3A_452 = tpu.vector_load %arg6[%get3A] {strides = array<i32>} : memref<8192xi32, #tpu.memory_space<vmem>>, vector<16xi32>,
        %shift_right_arithmetic3A = vector.broadcast %max3A_22 : i32 to vector<16xi32>
        %shift_right_arithmetic3A_453 = arith.shrsi %get3A_452, %shift_right_arithmetic3A : vector<16xi32>
        %and3A_454 = vector.broadcast %scan3A_33 : i32 to vector<16xi32>
        %and3A_455 = arith.andi %shift_right_arithmetic3A_453, %and3A_454 : vector<16xi32>
        %xor3A_456 = vector.broadcast %select_n3A : i32 to vector<16xi32>
        %xor3A_457 = arith.xori %and3A_455, %xor3A_456 : vector<16xi32>
        tpu.vector_store_idx %arg9[%xor3A_457], %broadcast_in_dim3A_4 {add = true} : memref<256xi32, #tpu.memory_space<vmem>>[vector<16xi32>], vector<16xi32>,
        %mul3A_458 = arith.constant 4 : i32
        %mul3A_459 = arith.muli %scan3A_445, %mul3A_458 : i32
        %add3A_460 = arith.constant 1 : i32
        %add3A_461 = arith.addi %mul3A_459, %add3A_460 : i32
        %mul3A_462 = arith.constant 16 : i32
        %mul3A_463 = arith.muli %add3A_461, %mul3A_462 : i32
        %get3A_464 = arith.index_cast %mul3A_463 : i32 to index
        %get3A_465 = tpu.vector_load %arg6[%get3A_464] {strides = array<i32>} : memref<8192xi32, #tpu.memory_space<vmem>>, vector<16xi32>,
        %shift_right_arithmetic3A_466 = vector.broadcast %max3A_22 : i32 to vector<16xi32>
        %shift_right_arithmetic3A_467 = arith.shrsi %get3A_465, %shift_right_arithmetic3A_466 : vector<16xi32>
        %and3A_468 = vector.broadcast %scan3A_33 : i32 to vector<16xi32>
        %and3A_469 = arith.andi %shift_right_arithmetic3A_467, %and3A_468 : vector<16xi32>
        %xor3A_470 = vector.broadcast %select_n3A : i32 to vector<16xi32>
        %xor3A_471 = arith.xori %and3A_469, %xor3A_470 : vector<16xi32>
        tpu.vector_store_idx %arg9[%xor3A_471], %broadcast_in_dim3A_4 {add = true} : memref<256xi32, #tpu.memory_space<vmem>>[vector<16xi32>], vector<16xi32>,
        %mul3A_472 = arith.constant 4 : i32
        %mul3A_473 = arith.muli %scan3A_445, %mul3A_472 : i32
        %add3A_474 = arith.constant 2 : i32
        %add3A_475 = arith.addi %mul3A_473, %add3A_474 : i32
        %mul3A_476 = arith.constant 16 : i32
        %mul3A_477 = arith.muli %add3A_475, %mul3A_476 : i32
        %get3A_478 = arith.index_cast %mul3A_477 : i32 to index
        %get3A_479 = tpu.vector_load %arg6[%get3A_478] {strides = array<i32>} : memref<8192xi32, #tpu.memory_space<vmem>>, vector<16xi32>,
        %shift_right_arithmetic3A_480 = vector.broadcast %max3A_22 : i32 to vector<16xi32>
        %shift_right_arithmetic3A_481 = arith.shrsi %get3A_479, %shift_right_arithmetic3A_480 : vector<16xi32>
        %and3A_482 = vector.broadcast %scan3A_33 : i32 to vector<16xi32>
        %and3A_483 = arith.andi %shift_right_arithmetic3A_481, %and3A_482 : vector<16xi32>
        %xor3A_484 = vector.broadcast %select_n3A : i32 to vector<16xi32>
        %xor3A_485 = arith.xori %and3A_483, %xor3A_484 : vector<16xi32>
        tpu.vector_store_idx %arg9[%xor3A_485], %broadcast_in_dim3A_4 {add = true} : memref<256xi32, #tpu.memory_space<vmem>>[vector<16xi32>], vector<16xi32>,
        %mul3A_486 = arith.constant 4 : i32
        %mul3A_487 = arith.muli %scan3A_445, %mul3A_486 : i32
        %add3A_488 = arith.constant 3 : i32
        %add3A_489 = arith.addi %mul3A_487, %add3A_488 : i32
        %mul3A_490 = arith.constant 16 : i32
        %mul3A_491 = arith.muli %add3A_489, %mul3A_490 : i32
        %get3A_492 = arith.index_cast %mul3A_491 : i32 to index
        %get3A_493 = tpu.vector_load %arg6[%get3A_492] {strides = array<i32>} : memref<8192xi32, #tpu.memory_space<vmem>>, vector<16xi32>,
        %shift_right_arithmetic3A_494 = vector.broadcast %max3A_22 : i32 to vector<16xi32>
        %shift_right_arithmetic3A_495 = arith.shrsi %get3A_493, %shift_right_arithmetic3A_494 : vector<16xi32>
        %and3A_496 = vector.broadcast %scan3A_33 : i32 to vector<16xi32>
        %and3A_497 = arith.andi %shift_right_arithmetic3A_495, %and3A_496 : vector<16xi32>
        %xor3A_498 = vector.broadcast %select_n3A : i32 to vector<16xi32>
        %xor3A_499 = arith.xori %and3A_497, %xor3A_498 : vector<16xi32>
        tpu.vector_store_idx %arg9[%xor3A_499], %broadcast_in_dim3A_4 {add = true} : memref<256xi32, #tpu.memory_space<vmem>>[vector<16xi32>], vector<16xi32>,
      }
      %scan3A_38 = arith.constant 128 : i32
      %scan3A_39 = arith.constant 1228 : i32
      %scan3A_40 = arith.constant 0 : i32
      %scan3A_41 = arith.constant 0 : i32
      %scan3A_42 = arith.constant 1228 : i32
      %scan3A_43 = arith.constant 0 : i32
      %scan3A_44 = arith.constant 0 : i32
      %scan3A_45 = arith.constant 16 : i32
      %scan3A_46 = arith.addi %scan3A_44, %scan3A_45 : i32
      %scan3A_47 = arith.constant 1 : i32
      %scan3A_48:4 = scf.for %scan3A_445 = %scan3A_44 to %scan3A_46 step %scan3A_47 iter_args(%scan3A_446 = %scan3A_40, %scan3A_447 = %scan3A_41, %scan3A_448 = %scan3A_42, %scan3A_449 = %scan3A_43) -> (i32, i32, i32, i32)  : i32 {
        %mul3A_450 = arith.constant 16 : i32
        %mul3A_451 = arith.muli %scan3A_445, %mul3A_450 : i32
        %get3A = arith.index_cast %mul3A_451 : i32 to index
        %get3A_452 = tpu.vector_load %arg9[%get3A] {strides = array<i32>} : memref<256xi32, #tpu.memory_space<vmem>>, vector<16xi32>,
        %broadcast_in_dim3A_453 = arith.constant true
        %broadcast_in_dim3A_454 = vector.broadcast %broadcast_in_dim3A_453 : i1 to vector<16xi1>
        %masked_cumsum3A = tpu.scan <sum>, %get3A_452 masked %broadcast_in_dim3A_454 : vector<16xi32>, vector<16xi1> -> vector<16xi32>
        %add3A_455 = vector.broadcast %scan3A_446 : i32 to vector<16xi32>
        %add3A_456 = arith.addi %masked_cumsum3A, %add3A_455 : vector<16xi32>
        %ge3A = vector.broadcast %scan3A_39 : i32 to vector<16xi32>
        %ge3A_457 = arith.cmpi sge, %add3A_456, %ge3A : vector<16xi32>
        %jit3A_458 = arith.constant 1 : i32
        %jit3A_459 = arith.constant 0 : i32
        %broadcast_in_dim3A_460 = vector.broadcast %jit3A_458 : i32 to vector<16xi32>
        %broadcast_in_dim3A_461 = vector.broadcast %jit3A_459 : i32 to vector<16xi32>
        %select_n3A_462 = arith.select %ge3A_457, %broadcast_in_dim3A_460, %broadcast_in_dim3A_461 : vector<16xi1>, vector<16xi32>
        %reduce_sum3A = arith.constant true
        %reduce_sum3A_463 = vector.broadcast %reduce_sum3A : i1 to vector<16xi1>
        %reduce_sum3A_464 = tpu.scan <sum>, %select_n3A_462 masked %reduce_sum3A_463 : vector<16xi32>, vector<16xi1> -> vector<16xi32>
        %reduce_sum3A_465 = vector.extract %reduce_sum3A_464[15] : i32 from vector<16xi32>
        %sub3A_466 = arith.constant 1 : i32
        %sub3A_467 = vector.broadcast %sub3A_466 : i32 to vector<16xi32>
        %sub3A_468 = arith.subi %sub3A_467, %select_n3A_462 : vector<16xi32>
        %mul3A_469 = arith.muli %get3A_452, %sub3A_468 : vector<16xi32>
        %reduce_sum3A_470 = arith.constant true
        %reduce_sum3A_471 = vector.broadcast %reduce_sum3A_470 : i1 to vector<16xi1>
        %reduce_sum3A_472 = tpu.scan <sum>, %mul3A_469 masked %reduce_sum3A_471 : vector<16xi32>, vector<16xi1> -> vector<16xi32>
        %reduce_sum3A_473 = vector.extract %reduce_sum3A_472[15] : i32 from vector<16xi32>
        %sub3A_474 = arith.constant 1 : i32
        %sub3A_475 = arith.subi %sub3A_474, %scan3A_449 : i32
        %gt3A = arith.constant 0 : i32
        %gt3A_476 = arith.cmpi sgt, %reduce_sum3A_465, %gt3A : i32
        %jit3A_477 = arith.constant 1 : i32
        %jit3A_478 = arith.constant 0 : i32
        %select_n3A_479 = arith.select %gt3A_476, %jit3A_477, %jit3A_478 : i32
        %mul3A_480 = arith.muli %sub3A_475, %select_n3A_479 : i32
        %eq3A_481 = arith.constant 1 : i32
        %eq3A_482 = arith.cmpi eq, %mul3A_480, %eq3A_481 : i32
        %mul3A_483 = arith.constant 16 : i32
        %mul3A_484 = arith.muli %scan3A_445, %mul3A_483 : i32
        %sub3A_485 = arith.constant 16 : i32
        %sub3A_486 = arith.subi %sub3A_485, %reduce_sum3A_465 : i32
        %add3A_487 = arith.addi %mul3A_484, %sub3A_486 : i32
        %select_n3A_488 = arith.select %eq3A_482, %add3A_487, %scan3A_447 : i32
        %eq3A_489 = arith.constant 1 : i32
        %eq3A_490 = arith.cmpi eq, %mul3A_480, %eq3A_489 : i32
        %add3A_491 = arith.addi %scan3A_446, %reduce_sum3A_473 : i32
        %sub3A_492 = arith.subi %scan3A_39, %add3A_491 : i32
        %select_n3A_493 = arith.select %eq3A_490, %sub3A_492, %scan3A_448 : i32
        %or3A_494 = arith.ori %scan3A_449, %mul3A_480 : i32
        %reduce_sum3A_495 = arith.constant true
        %reduce_sum3A_496 = vector.broadcast %reduce_sum3A_495 : i1 to vector<16xi1>
        %reduce_sum3A_497 = tpu.scan <sum>, %get3A_452 masked %reduce_sum3A_496 : vector<16xi32>, vector<16xi1> -> vector<16xi32>
        %reduce_sum3A_498 = vector.extract %reduce_sum3A_497[15] : i32 from vector<16xi32>
        %add3A_499 = arith.addi %scan3A_446, %reduce_sum3A_498 : i32
        scf.yield %add3A_499, %select_n3A_488, %select_n3A_493, %or3A_494 : i32, i32, i32, i32
      }
      %scan3A_49 = arith.constant 16 : i32
      %xor3A_50 = arith.xori %scan3A_48#1, %select_n3A : i32
      %shift_left3A_51 = arith.shli %xor3A_50, %max3A_22 : i32
      %or3A = arith.ori %and3A, %shift_left3A_51 : i32
      %scan3A_52 = arith.constant 255 : i32
      %scan3A_53 = arith.constant 0 : i32
      %scan3A_54 = arith.constant 0 : i32
      %scan3A_55 = arith.constant 128 : i32
      %scan3A_56 = arith.addi %scan3A_54, %scan3A_55 : i32
      %scan3A_57 = arith.constant 1 : i32
      %scan3A_58 = scf.for %scan3A_445 = %scan3A_54 to %scan3A_56 step %scan3A_57 iter_args(%scan3A_446 = %scan3A_53) -> (i32)  : i32 {
        %mul3A_447 = arith.constant 4 : i32
        %mul3A_448 = arith.muli %scan3A_445, %mul3A_447 : i32
        %add3A_449 = arith.constant 0 : i32
        %add3A_450 = arith.addi %mul3A_448, %add3A_449 : i32
        %mul3A_451 = arith.constant 16 : i32
        %mul3A_452 = arith.muli %add3A_450, %mul3A_451 : i32
        %get3A = arith.index_cast %mul3A_452 : i32 to index
        %get3A_453 = tpu.vector_load %arg6[%get3A] {strides = array<i32>} : memref<8192xi32, #tpu.memory_space<vmem>>, vector<16xi32>,
        %add3A_454 = vector.broadcast %mul3A_452 : i32 to vector<16xi32>
        %add3A_455 = arith.addi %iota3A, %add3A_454 : vector<16xi32>
        %shift_right_arithmetic3A = vector.broadcast %max3A_22 : i32 to vector<16xi32>
        %shift_right_arithmetic3A_456 = arith.shrsi %get3A_453, %shift_right_arithmetic3A : vector<16xi32>
        %and3A_457 = vector.broadcast %scan3A_52 : i32 to vector<16xi32>
        %and3A_458 = arith.andi %shift_right_arithmetic3A_456, %and3A_457 : vector<16xi32>
        %xor3A_459 = vector.broadcast %select_n3A : i32 to vector<16xi32>
        %xor3A_460 = arith.xori %and3A_458, %xor3A_459 : vector<16xi32>
        %eq3A_461 = vector.broadcast %scan3A_48#1 : i32 to vector<16xi32>
        %eq3A_462 = arith.cmpi eq, %xor3A_460, %eq3A_461 : vector<16xi32>
        %lt3A_463 = vector.broadcast %scan3A_48#1 : i32 to vector<16xi32>
        %lt3A_464 = arith.cmpi slt, %xor3A_460, %lt3A_463 : vector<16xi32>
        %jit3A_465 = arith.constant 1 : i32
        %jit3A_466 = arith.constant 0 : i32
        %broadcast_in_dim3A_467 = vector.broadcast %jit3A_465 : i32 to vector<16xi32>
        %broadcast_in_dim3A_468 = vector.broadcast %jit3A_466 : i32 to vector<16xi32>
        %select_n3A_469 = arith.select %lt3A_464, %broadcast_in_dim3A_467, %broadcast_in_dim3A_468 : vector<16xi1>, vector<16xi32>
        %swap3A = arith.index_cast %mul3A_452 : i32 to index
        %swap3A_470 = tpu.vector_load %arg7[%swap3A] {strides = array<i32>} : memref<8192xi32, #tpu.memory_space<vmem>>, vector<16xi32>,
        tpu.vector_store %arg7[%swap3A], %select_n3A_469 {strides = array<i32>} : memref<8192xi32, #tpu.memory_space<vmem>>, vector<16xi32>,
        %sub3A_471 = arith.constant 1 : i32
        %sub3A_472 = vector.broadcast %sub3A_471 : i32 to vector<16xi32>
        %sub3A_473 = arith.subi %sub3A_472, %select_n3A_469 : vector<16xi32>
        %swap3A_474 = arith.index_cast %mul3A_452 : i32 to index
        %swap3A_475 = tpu.vector_load %arg8[%swap3A_474] {strides = array<i32>} : memref<8192xi32, #tpu.memory_space<vmem>>, vector<16xi32>,
        tpu.vector_store %arg8[%swap3A_474], %sub3A_473 {strides = array<i32>} : memref<8192xi32, #tpu.memory_space<vmem>>, vector<16xi32>,
        %swap3A_476 = arith.index_cast %scan3A_446 : i32 to index
        %swap3A_477 = tpu.vector_load %arg10[%swap3A_476] masked %eq3A_462 {strides = array<i32>} : memref<8208xi32, #tpu.memory_space<vmem>>, vector<16xi32>, vector<16xi1>
        tpu.vector_store %arg10[%swap3A_476], %get3A_453 masked %eq3A_462 {strides = array<i32>} : memref<8208xi32, #tpu.memory_space<vmem>>, vector<16xi32>, vector<16xi1>
        %swap3A_478 = arith.index_cast %scan3A_446 : i32 to index
        %swap3A_479 = tpu.vector_load %arg11[%swap3A_478] masked %eq3A_462 {strides = array<i32>} : memref<8208xi32, #tpu.memory_space<vmem>>, vector<16xi32>, vector<16xi1>
        tpu.vector_store %arg11[%swap3A_478], %add3A_455 masked %eq3A_462 {strides = array<i32>} : memref<8208xi32, #tpu.memory_space<vmem>>, vector<16xi32>, vector<16xi1>
        %jit3A_480 = arith.constant 1 : i32
        %jit3A_481 = arith.constant 0 : i32
        %broadcast_in_dim3A_482 = vector.broadcast %jit3A_480 : i32 to vector<16xi32>
        %broadcast_in_dim3A_483 = vector.broadcast %jit3A_481 : i32 to vector<16xi32>
        %select_n3A_484 = arith.select %eq3A_462, %broadcast_in_dim3A_482, %broadcast_in_dim3A_483 : vector<16xi1>, vector<16xi32>
        %reduce_sum3A = arith.constant true
        %reduce_sum3A_485 = vector.broadcast %reduce_sum3A : i1 to vector<16xi1>
        %reduce_sum3A_486 = tpu.scan <sum>, %select_n3A_484 masked %reduce_sum3A_485 : vector<16xi32>, vector<16xi1> -> vector<16xi32>
        %reduce_sum3A_487 = vector.extract %reduce_sum3A_486[15] : i32 from vector<16xi32>
        %add3A_488 = arith.addi %scan3A_446, %reduce_sum3A_487 : i32
        %mul3A_489 = arith.constant 4 : i32
        %mul3A_490 = arith.muli %scan3A_445, %mul3A_489 : i32
        %add3A_491 = arith.constant 1 : i32
        %add3A_492 = arith.addi %mul3A_490, %add3A_491 : i32
        %mul3A_493 = arith.constant 16 : i32
        %mul3A_494 = arith.muli %add3A_492, %mul3A_493 : i32
        %get3A_495 = arith.index_cast %mul3A_494 : i32 to index
        %get3A_496 = tpu.vector_load %arg6[%get3A_495] {strides = array<i32>} : memref<8192xi32, #tpu.memory_space<vmem>>, vector<16xi32>,
        %add3A_497 = vector.broadcast %mul3A_494 : i32 to vector<16xi32>
        %add3A_498 = arith.addi %iota3A, %add3A_497 : vector<16xi32>
        %shift_right_arithmetic3A_499 = vector.broadcast %max3A_22 : i32 to vector<16xi32>
        %shift_right_arithmetic3A_500 = arith.shrsi %get3A_496, %shift_right_arithmetic3A_499 : vector<16xi32>
        %and3A_501 = vector.broadcast %scan3A_52 : i32 to vector<16xi32>
        %and3A_502 = arith.andi %shift_right_arithmetic3A_500, %and3A_501 : vector<16xi32>
        %xor3A_503 = vector.broadcast %select_n3A : i32 to vector<16xi32>
        %xor3A_504 = arith.xori %and3A_502, %xor3A_503 : vector<16xi32>
        %eq3A_505 = vector.broadcast %scan3A_48#1 : i32 to vector<16xi32>
        %eq3A_506 = arith.cmpi eq, %xor3A_504, %eq3A_505 : vector<16xi32>
        %lt3A_507 = vector.broadcast %scan3A_48#1 : i32 to vector<16xi32>
        %lt3A_508 = arith.cmpi slt, %xor3A_504, %lt3A_507 : vector<16xi32>
        %jit3A_509 = arith.constant 1 : i32
        %jit3A_510 = arith.constant 0 : i32
        %broadcast_in_dim3A_511 = vector.broadcast %jit3A_509 : i32 to vector<16xi32>
        %broadcast_in_dim3A_512 = vector.broadcast %jit3A_510 : i32 to vector<16xi32>
        %select_n3A_513 = arith.select %lt3A_508, %broadcast_in_dim3A_511, %broadcast_in_dim3A_512 : vector<16xi1>, vector<16xi32>
        %swap3A_514 = arith.index_cast %mul3A_494 : i32 to index
        %swap3A_515 = tpu.vector_load %arg7[%swap3A_514] {strides = array<i32>} : memref<8192xi32, #tpu.memory_space<vmem>>, vector<16xi32>,
        tpu.vector_store %arg7[%swap3A_514], %select_n3A_513 {strides = array<i32>} : memref<8192xi32, #tpu.memory_space<vmem>>, vector<16xi32>,
        %sub3A_516 = arith.constant 1 : i32
        %sub3A_517 = vector.broadcast %sub3A_516 : i32 to vector<16xi32>
        %sub3A_518 = arith.subi %sub3A_517, %select_n3A_513 : vector<16xi32>
        %swap3A_519 = arith.index_cast %mul3A_494 : i32 to index
        %swap3A_520 = tpu.vector_load %arg8[%swap3A_519] {strides = array<i32>} : memref<8192xi32, #tpu.memory_space<vmem>>, vector<16xi32>,
        tpu.vector_store %arg8[%swap3A_519], %sub3A_518 {strides = array<i32>} : memref<8192xi32, #tpu.memory_space<vmem>>, vector<16xi32>,
        %swap3A_521 = arith.index_cast %add3A_488 : i32 to index
        %swap3A_522 = tpu.vector_load %arg10[%swap3A_521] masked %eq3A_506 {strides = array<i32>} : memref<8208xi32, #tpu.memory_space<vmem>>, vector<16xi32>, vector<16xi1>
        tpu.vector_store %arg10[%swap3A_521], %get3A_496 masked %eq3A_506 {strides = array<i32>} : memref<8208xi32, #tpu.memory_space<vmem>>, vector<16xi32>, vector<16xi1>
        %swap3A_523 = arith.index_cast %add3A_488 : i32 to index
        %swap3A_524 = tpu.vector_load %arg11[%swap3A_523] masked %eq3A_506 {strides = array<i32>} : memref<8208xi32, #tpu.memory_space<vmem>>, vector<16xi32>, vector<16xi1>
        tpu.vector_store %arg11[%swap3A_523], %add3A_498 masked %eq3A_506 {strides = array<i32>} : memref<8208xi32, #tpu.memory_space<vmem>>, vector<16xi32>, vector<16xi1>
        %jit3A_525 = arith.constant 1 : i32
        %jit3A_526 = arith.constant 0 : i32
        %broadcast_in_dim3A_527 = vector.broadcast %jit3A_525 : i32 to vector<16xi32>
        %broadcast_in_dim3A_528 = vector.broadcast %jit3A_526 : i32 to vector<16xi32>
        %select_n3A_529 = arith.select %eq3A_506, %broadcast_in_dim3A_527, %broadcast_in_dim3A_528 : vector<16xi1>, vector<16xi32>
        %reduce_sum3A_530 = arith.constant true
        %reduce_sum3A_531 = vector.broadcast %reduce_sum3A_530 : i1 to vector<16xi1>
        %reduce_sum3A_532 = tpu.scan <sum>, %select_n3A_529 masked %reduce_sum3A_531 : vector<16xi32>, vector<16xi1> -> vector<16xi32>
        %reduce_sum3A_533 = vector.extract %reduce_sum3A_532[15] : i32 from vector<16xi32>
        %add3A_534 = arith.addi %add3A_488, %reduce_sum3A_533 : i32
        %mul3A_535 = arith.constant 4 : i32
        %mul3A_536 = arith.muli %scan3A_445, %mul3A_535 : i32
        %add3A_537 = arith.constant 2 : i32
        %add3A_538 = arith.addi %mul3A_536, %add3A_537 : i32
        %mul3A_539 = arith.constant 16 : i32
        %mul3A_540 = arith.muli %add3A_538, %mul3A_539 : i32
        %get3A_541 = arith.index_cast %mul3A_540 : i32 to index
        %get3A_542 = tpu.vector_load %arg6[%get3A_541] {strides = array<i32>} : memref<8192xi32, #tpu.memory_space<vmem>>, vector<16xi32>,
        %add3A_543 = vector.broadcast %mul3A_540 : i32 to vector<16xi32>
        %add3A_544 = arith.addi %iota3A, %add3A_543 : vector<16xi32>
        %shift_right_arithmetic3A_545 = vector.broadcast %max3A_22 : i32 to vector<16xi32>
        %shift_right_arithmetic3A_546 = arith.shrsi %get3A_542, %shift_right_arithmetic3A_545 : vector<16xi32>
        %and3A_547 = vector.broadcast %scan3A_52 : i32 to vector<16xi32>
        %and3A_548 = arith.andi %shift_right_arithmetic3A_546, %and3A_547 : vector<16xi32>
        %xor3A_549 = vector.broadcast %select_n3A : i32 to vector<16xi32>
        %xor3A_550 = arith.xori %and3A_548, %xor3A_549 : vector<16xi32>
        %eq3A_551 = vector.broadcast %scan3A_48#1 : i32 to vector<16xi32>
        %eq3A_552 = arith.cmpi eq, %xor3A_550, %eq3A_551 : vector<16xi32>
        %lt3A_553 = vector.broadcast %scan3A_48#1 : i32 to vector<16xi32>
        %lt3A_554 = arith.cmpi slt, %xor3A_550, %lt3A_553 : vector<16xi32>
        %jit3A_555 = arith.constant 1 : i32
        %jit3A_556 = arith.constant 0 : i32
        %broadcast_in_dim3A_557 = vector.broadcast %jit3A_555 : i32 to vector<16xi32>
        %broadcast_in_dim3A_558 = vector.broadcast %jit3A_556 : i32 to vector<16xi32>
        %select_n3A_559 = arith.select %lt3A_554, %broadcast_in_dim3A_557, %broadcast_in_dim3A_558 : vector<16xi1>, vector<16xi32>
        %swap3A_560 = arith.index_cast %mul3A_540 : i32 to index
        %swap3A_561 = tpu.vector_load %arg7[%swap3A_560] {strides = array<i32>} : memref<8192xi32, #tpu.memory_space<vmem>>, vector<16xi32>,
        tpu.vector_store %arg7[%swap3A_560], %select_n3A_559 {strides = array<i32>} : memref<8192xi32, #tpu.memory_space<vmem>>, vector<16xi32>,
        %sub3A_562 = arith.constant 1 : i32
        %sub3A_563 = vector.broadcast %sub3A_562 : i32 to vector<16xi32>
        %sub3A_564 = arith.subi %sub3A_563, %select_n3A_559 : vector<16xi32>
        %swap3A_565 = arith.index_cast %mul3A_540 : i32 to index
        %swap3A_566 = tpu.vector_load %arg8[%swap3A_565] {strides = array<i32>} : memref<8192xi32, #tpu.memory_space<vmem>>, vector<16xi32>,
        tpu.vector_store %arg8[%swap3A_565], %sub3A_564 {strides = array<i32>} : memref<8192xi32, #tpu.memory_space<vmem>>, vector<16xi32>,
        %swap3A_567 = arith.index_cast %add3A_534 : i32 to index
        %swap3A_568 = tpu.vector_load %arg10[%swap3A_567] masked %eq3A_552 {strides = array<i32>} : memref<8208xi32, #tpu.memory_space<vmem>>, vector<16xi32>, vector<16xi1>
        tpu.vector_store %arg10[%swap3A_567], %get3A_542 masked %eq3A_552 {strides = array<i32>} : memref<8208xi32, #tpu.memory_space<vmem>>, vector<16xi32>, vector<16xi1>
        %swap3A_569 = arith.index_cast %add3A_534 : i32 to index
        %swap3A_570 = tpu.vector_load %arg11[%swap3A_569] masked %eq3A_552 {strides = array<i32>} : memref<8208xi32, #tpu.memory_space<vmem>>, vector<16xi32>, vector<16xi1>
        tpu.vector_store %arg11[%swap3A_569], %add3A_544 masked %eq3A_552 {strides = array<i32>} : memref<8208xi32, #tpu.memory_space<vmem>>, vector<16xi32>, vector<16xi1>
        %jit3A_571 = arith.constant 1 : i32
        %jit3A_572 = arith.constant 0 : i32
        %broadcast_in_dim3A_573 = vector.broadcast %jit3A_571 : i32 to vector<16xi32>
        %broadcast_in_dim3A_574 = vector.broadcast %jit3A_572 : i32 to vector<16xi32>
        %select_n3A_575 = arith.select %eq3A_552, %broadcast_in_dim3A_573, %broadcast_in_dim3A_574 : vector<16xi1>, vector<16xi32>
        %reduce_sum3A_576 = arith.constant true
        %reduce_sum3A_577 = vector.broadcast %reduce_sum3A_576 : i1 to vector<16xi1>
        %reduce_sum3A_578 = tpu.scan <sum>, %select_n3A_575 masked %reduce_sum3A_577 : vector<16xi32>, vector<16xi1> -> vector<16xi32>
        %reduce_sum3A_579 = vector.extract %reduce_sum3A_578[15] : i32 from vector<16xi32>
        %add3A_580 = arith.addi %add3A_534, %reduce_sum3A_579 : i32
        %mul3A_581 = arith.constant 4 : i32
        %mul3A_582 = arith.muli %scan3A_445, %mul3A_581 : i32
        %add3A_583 = arith.constant 3 : i32
        %add3A_584 = arith.addi %mul3A_582, %add3A_583 : i32
        %mul3A_585 = arith.constant 16 : i32
        %mul3A_586 = arith.muli %add3A_584, %mul3A_585 : i32
        %get3A_587 = arith.index_cast %mul3A_586 : i32 to index
        %get3A_588 = tpu.vector_load %arg6[%get3A_587] {strides = array<i32>} : memref<8192xi32, #tpu.memory_space<vmem>>, vector<16xi32>,
        %add3A_589 = vector.broadcast %mul3A_586 : i32 to vector<16xi32>
        %add3A_590 = arith.addi %iota3A, %add3A_589 : vector<16xi32>
        %shift_right_arithmetic3A_591 = vector.broadcast %max3A_22 : i32 to vector<16xi32>
        %shift_right_arithmetic3A_592 = arith.shrsi %get3A_588, %shift_right_arithmetic3A_591 : vector<16xi32>
        %and3A_593 = vector.broadcast %scan3A_52 : i32 to vector<16xi32>
        %and3A_594 = arith.andi %shift_right_arithmetic3A_592, %and3A_593 : vector<16xi32>
        %xor3A_595 = vector.broadcast %select_n3A : i32 to vector<16xi32>
        %xor3A_596 = arith.xori %and3A_594, %xor3A_595 : vector<16xi32>
        %eq3A_597 = vector.broadcast %scan3A_48#1 : i32 to vector<16xi32>
        %eq3A_598 = arith.cmpi eq, %xor3A_596, %eq3A_597 : vector<16xi32>
        %lt3A_599 = vector.broadcast %scan3A_48#1 : i32 to vector<16xi32>
        %lt3A_600 = arith.cmpi slt, %xor3A_596, %lt3A_599 : vector<16xi32>
        %jit3A_601 = arith.constant 1 : i32
        %jit3A_602 = arith.constant 0 : i32
        %broadcast_in_dim3A_603 = vector.broadcast %jit3A_601 : i32 to vector<16xi32>
        %broadcast_in_dim3A_604 = vector.broadcast %jit3A_602 : i32 to vector<16xi32>
        %select_n3A_605 = arith.select %lt3A_600, %broadcast_in_dim3A_603, %broadcast_in_dim3A_604 : vector<16xi1>, vector<16xi32>
        %swap3A_606 = arith.index_cast %mul3A_586 : i32 to index
        %swap3A_607 = tpu.vector_load %arg7[%swap3A_606] {strides = array<i32>} : memref<8192xi32, #tpu.memory_space<vmem>>, vector<16xi32>,
        tpu.vector_store %arg7[%swap3A_606], %select_n3A_605 {strides = array<i32>} : memref<8192xi32, #tpu.memory_space<vmem>>, vector<16xi32>,
        %sub3A_608 = arith.constant 1 : i32
        %sub3A_609 = vector.broadcast %sub3A_608 : i32 to vector<16xi32>
        %sub3A_610 = arith.subi %sub3A_609, %select_n3A_605 : vector<16xi32>
        %swap3A_611 = arith.index_cast %mul3A_586 : i32 to index
        %swap3A_612 = tpu.vector_load %arg8[%swap3A_611] {strides = array<i32>} : memref<8192xi32, #tpu.memory_space<vmem>>, vector<16xi32>,
        tpu.vector_store %arg8[%swap3A_611], %sub3A_610 {strides = array<i32>} : memref<8192xi32, #tpu.memory_space<vmem>>, vector<16xi32>,
        %swap3A_613 = arith.index_cast %add3A_580 : i32 to index
        %swap3A_614 = tpu.vector_load %arg10[%swap3A_613] masked %eq3A_598 {strides = array<i32>} : memref<8208xi32, #tpu.memory_space<vmem>>, vector<16xi32>, vector<16xi1>
        tpu.vector_store %arg10[%swap3A_613], %get3A_588 masked %eq3A_598 {strides = array<i32>} : memref<8208xi32, #tpu.memory_space<vmem>>, vector<16xi32>, vector<16xi1>
        %swap3A_615 = arith.index_cast %add3A_580 : i32 to index
        %swap3A_616 = tpu.vector_load %arg11[%swap3A_615] masked %eq3A_598 {strides = array<i32>} : memref<8208xi32, #tpu.memory_space<vmem>>, vector<16xi32>, vector<16xi1>
        tpu.vector_store %arg11[%swap3A_615], %add3A_590 masked %eq3A_598 {strides = array<i32>} : memref<8208xi32, #tpu.memory_space<vmem>>, vector<16xi32>, vector<16xi1>
        %jit3A_617 = arith.constant 1 : i32
        %jit3A_618 = arith.constant 0 : i32
        %broadcast_in_dim3A_619 = vector.broadcast %jit3A_617 : i32 to vector<16xi32>
        %broadcast_in_dim3A_620 = vector.broadcast %jit3A_618 : i32 to vector<16xi32>
        %select_n3A_621 = arith.select %eq3A_598, %broadcast_in_dim3A_619, %broadcast_in_dim3A_620 : vector<16xi1>, vector<16xi32>
        %reduce_sum3A_622 = arith.constant true
        %reduce_sum3A_623 = vector.broadcast %reduce_sum3A_622 : i1 to vector<16xi1>
        %reduce_sum3A_624 = tpu.scan <sum>, %select_n3A_621 masked %reduce_sum3A_623 : vector<16xi32>, vector<16xi1> -> vector<16xi32>
        %reduce_sum3A_625 = vector.extract %reduce_sum3A_624[15] : i32 from vector<16xi32>
        %add3A_626 = arith.addi %add3A_580, %reduce_sum3A_625 : i32
        scf.yield %add3A_626 : i32
      }
      %scan3A_59 = arith.constant 128 : i32
      %sub3A_60 = arith.constant 8 : i32
      %sub3A_61 = arith.subi %max3A_22, %sub3A_60 : i32
      %max3A_62 = arith.constant 0 : i32
      %max3A_63 = arith.maxsi %sub3A_61, %max3A_62 : i32
      %add3A_64 = arith.constant 15 : i32
      %add3A_65 = arith.addi %scan3A_58, %add3A_64 : i32
      %jit3A_66 = arith.constant 16 : i32
      %div3A = arith.divsi %add3A_65, %jit3A_66 : i32
      %sign3A = arith.constant 0 : i32
      %sign3A_67 = arith.cmpi sgt, %add3A_65, %sign3A : i32
      %sign3A_68 = arith.extui %sign3A_67 : i1 to i32
      %sign3A_69 = arith.constant 0 : i32
      %sign3A_70 = arith.cmpi slt, %add3A_65, %sign3A_69 : i32
      %sign3A_71 = arith.extui %sign3A_70 : i1 to i32
      %sign3A_72 = arith.subi %sign3A_68, %sign3A_71 : i32
      %sign3A_73 = arith.constant 0 : i32
      %sign3A_74 = arith.cmpi sgt, %jit3A_66, %sign3A_73 : i32
      %sign3A_75 = arith.extui %sign3A_74 : i1 to i32
      %sign3A_76 = arith.constant 0 : i32
      %sign3A_77 = arith.cmpi slt, %jit3A_66, %sign3A_76 : i32
      %sign3A_78 = arith.extui %sign3A_77 : i1 to i32
      %sign3A_79 = arith.subi %sign3A_75, %sign3A_78 : i32
      %ne3A = arith.cmpi ne, %sign3A_72, %sign3A_79 : i32
      %rem3A = arith.remsi %add3A_65, %jit3A_66 : i32
      %ne3A_80 = arith.constant 0 : i32
      %ne3A_81 = arith.cmpi ne, %rem3A, %ne3A_80 : i32
      %and3A_82 = arith.andi %ne3A, %ne3A_81 : i1
      %sub3A_83 = arith.constant 1 : i32
      %sub3A_84 = arith.subi %div3A, %sub3A_83 : i32
      %select_n3A_85 = arith.select %and3A_82, %sub3A_84, %div3A : i32
      %scan3A_86 = arith.constant 0 : i32
      %scan3A_87 = arith.constant 0 : i32
      %scan3A_88 = arith.constant 16 : i32
      %scan3A_89 = arith.addi %scan3A_87, %scan3A_88 : i32
      %scan3A_90 = arith.constant 1 : i32
      scf.for %scan3A_445 = %scan3A_87 to %scan3A_89 step %scan3A_90  : i32 {
        %mul3A_446 = arith.constant 16 : i32
        %mul3A_447 = arith.muli %scan3A_445, %mul3A_446 : i32
        %swap3A = arith.index_cast %mul3A_447 : i32 to index
        %swap3A_448 = tpu.vector_load %arg9[%swap3A] {strides = array<i32>} : memref<256xi32, #tpu.memory_space<vmem>>, vector<16xi32>,
        tpu.vector_store %arg9[%swap3A], %broadcast_in_dim3A_6 {strides = array<i32>} : memref<256xi32, #tpu.memory_space<vmem>>, vector<16xi32>,
      }
      %scan3A_91 = arith.constant 16 : i32
      %while3A = arith.constant 0 : i32
      %while3A_92 = arith.constant 255 : i32
      %while3A_93 = arith.constant 0 : i32
      %while3A_94 = arith.subi %select_n3A_85, %while3A_93 : i32
      %while3A_95 = arith.addi %while3A_93, %while3A_94 : i32
      %while3A_96 = arith.constant 1 : i32
      %while3A_97 = arith.divsi %while3A_94, %while3A_96 : i32
      %while3A_98 = arith.muli %while3A_97, %while3A_96 : i32
      %while3A_99 = arith.addi %while3A_93, %while3A_98 : i32
      %while3A_100 = arith.constant 1 : i32
      scf.for %while3A_445 = %while3A_93 to %while3A_99 step %while3A_100  : i32 {
        %mul3A_446 = arith.constant 16 : i32
        %mul3A_447 = arith.muli %while3A_445, %mul3A_446 : i32
        %add3A_448 = vector.broadcast %mul3A_447 : i32 to vector<16xi32>
        %add3A_449 = arith.addi %iota3A, %add3A_448 : vector<16xi32>
        %lt3A_450 = vector.broadcast %scan3A_58 : i32 to vector<16xi32>
        %lt3A_451 = arith.cmpi slt, %add3A_449, %lt3A_450 : vector<16xi32>
        %mul3A_452 = arith.constant 16 : i32
        %mul3A_453 = arith.muli %while3A_445, %mul3A_452 : i32
        %get3A = arith.index_cast %mul3A_453 : i32 to index
        %get3A_454 = tpu.vector_load %arg10[%get3A] {strides = array<i32>} : memref<8208xi32, #tpu.memory_space<vmem>>, vector<16xi32>,
        %shift_right_arithmetic3A = vector.broadcast %max3A_63 : i32 to vector<16xi32>
        %shift_right_arithmetic3A_455 = arith.shrsi %get3A_454, %shift_right_arithmetic3A : vector<16xi32>
        %and3A_456 = vector.broadcast %while3A_92 : i32 to vector<16xi32>
        %and3A_457 = arith.andi %shift_right_arithmetic3A_455, %and3A_456 : vector<16xi32>
        tpu.vector_store_idx %arg9[%and3A_457], %broadcast_in_dim3A_4 masked %lt3A_451 {add = true} : memref<256xi32, #tpu.memory_space<vmem>>[vector<16xi32>], vector<16xi32>, vector<16xi1>
      }
      %while3A_101 = arith.constant 1 : i32
      scf.for %while3A_445 = %while3A_99 to %while3A_95 step %while3A_101  : i32 {
        %mul3A_446 = arith.constant 16 : i32
        %mul3A_447 = arith.muli %while3A_445, %mul3A_446 : i32
        %add3A_448 = vector.broadcast %mul3A_447 : i32 to vector<16xi32>
        %add3A_449 = arith.addi %iota3A, %add3A_448 : vector<16xi32>
        %lt3A_450 = vector.broadcast %scan3A_58 : i32 to vector<16xi32>
        %lt3A_451 = arith.cmpi slt, %add3A_449, %lt3A_450 : vector<16xi32>
        %mul3A_452 = arith.constant 16 : i32
        %mul3A_453 = arith.muli %while3A_445, %mul3A_452 : i32
        %get3A = arith.index_cast %mul3A_453 : i32 to index
        %get3A_454 = tpu.vector_load %arg10[%get3A] {strides = array<i32>} : memref<8208xi32, #tpu.memory_space<vmem>>, vector<16xi32>,
        %shift_right_arithmetic3A = vector.broadcast %max3A_63 : i32 to vector<16xi32>
        %shift_right_arithmetic3A_455 = arith.shrsi %get3A_454, %shift_right_arithmetic3A : vector<16xi32>
        %and3A_456 = vector.broadcast %while3A_92 : i32 to vector<16xi32>
        %and3A_457 = arith.andi %shift_right_arithmetic3A_455, %and3A_456 : vector<16xi32>
        tpu.vector_store_idx %arg9[%and3A_457], %broadcast_in_dim3A_4 masked %lt3A_451 {add = true} : memref<256xi32, #tpu.memory_space<vmem>>[vector<16xi32>], vector<16xi32>, vector<16xi1>
      }
      %scan3A_102 = arith.constant 0 : i32
      %scan3A_103 = arith.constant 0 : i32
      %scan3A_104 = arith.constant 0 : i32
      %scan3A_105 = arith.constant 0 : i32
      %scan3A_106 = arith.constant 16 : i32
      %scan3A_107 = arith.addi %scan3A_105, %scan3A_106 : i32
      %scan3A_108 = arith.constant 1 : i32
      %scan3A_109:4 = scf.for %scan3A_445 = %scan3A_105 to %scan3A_107 step %scan3A_108 iter_args(%scan3A_446 = %scan3A_102, %scan3A_447 = %scan3A_103, %scan3A_448 = %scan3A_48#2, %scan3A_449 = %scan3A_104) -> (i32, i32, i32, i32)  : i32 {
        %mul3A_450 = arith.constant 16 : i32
        %mul3A_451 = arith.muli %scan3A_445, %mul3A_450 : i32
        %get3A = arith.index_cast %mul3A_451 : i32 to index
        %get3A_452 = tpu.vector_load %arg9[%get3A] {strides = array<i32>} : memref<256xi32, #tpu.memory_space<vmem>>, vector<16xi32>,
        %broadcast_in_dim3A_453 = arith.constant true
        %broadcast_in_dim3A_454 = vector.broadcast %broadcast_in_dim3A_453 : i1 to vector<16xi1>
        %masked_cumsum3A = tpu.scan <sum>, %get3A_452 masked %broadcast_in_dim3A_454 : vector<16xi32>, vector<16xi1> -> vector<16xi32>
        %add3A_455 = vector.broadcast %scan3A_446 : i32 to vector<16xi32>
        %add3A_456 = arith.addi %masked_cumsum3A, %add3A_455 : vector<16xi32>
        %ge3A = vector.broadcast %scan3A_48#2 : i32 to vector<16xi32>
        %ge3A_457 = arith.cmpi sge, %add3A_456, %ge3A : vector<16xi32>
        %jit3A_458 = arith.constant 1 : i32
        %jit3A_459 = arith.constant 0 : i32
        %broadcast_in_dim3A_460 = vector.broadcast %jit3A_458 : i32 to vector<16xi32>
        %broadcast_in_dim3A_461 = vector.broadcast %jit3A_459 : i32 to vector<16xi32>
        %select_n3A_462 = arith.select %ge3A_457, %broadcast_in_dim3A_460, %broadcast_in_dim3A_461 : vector<16xi1>, vector<16xi32>
        %reduce_sum3A = arith.constant true
        %reduce_sum3A_463 = vector.broadcast %reduce_sum3A : i1 to vector<16xi1>
        %reduce_sum3A_464 = tpu.scan <sum>, %select_n3A_462 masked %reduce_sum3A_463 : vector<16xi32>, vector<16xi1> -> vector<16xi32>
        %reduce_sum3A_465 = vector.extract %reduce_sum3A_464[15] : i32 from vector<16xi32>
        %sub3A_466 = arith.constant 1 : i32
        %sub3A_467 = vector.broadcast %sub3A_466 : i32 to vector<16xi32>
        %sub3A_468 = arith.subi %sub3A_467, %select_n3A_462 : vector<16xi32>
        %mul3A_469 = arith.muli %get3A_452, %sub3A_468 : vector<16xi32>
        %reduce_sum3A_470 = arith.constant true
        %reduce_sum3A_471 = vector.broadcast %reduce_sum3A_470 : i1 to vector<16xi1>
        %reduce_sum3A_472 = tpu.scan <sum>, %mul3A_469 masked %reduce_sum3A_471 : vector<16xi32>, vector<16xi1> -> vector<16xi32>
        %reduce_sum3A_473 = vector.extract %reduce_sum3A_472[15] : i32 from vector<16xi32>
        %sub3A_474 = arith.constant 1 : i32
        %sub3A_475 = arith.subi %sub3A_474, %scan3A_449 : i32
        %gt3A = arith.constant 0 : i32
        %gt3A_476 = arith.cmpi sgt, %reduce_sum3A_465, %gt3A : i32
        %jit3A_477 = arith.constant 1 : i32
        %jit3A_478 = arith.constant 0 : i32
        %select_n3A_479 = arith.select %gt3A_476, %jit3A_477, %jit3A_478 : i32
        %mul3A_480 = arith.muli %sub3A_475, %select_n3A_479 : i32
        %eq3A_481 = arith.constant 1 : i32
        %eq3A_482 = arith.cmpi eq, %mul3A_480, %eq3A_481 : i32
        %mul3A_483 = arith.constant 16 : i32
        %mul3A_484 = arith.muli %scan3A_445, %mul3A_483 : i32
        %sub3A_485 = arith.constant 16 : i32
        %sub3A_486 = arith.subi %sub3A_485, %reduce_sum3A_465 : i32
        %add3A_487 = arith.addi %mul3A_484, %sub3A_486 : i32
        %select_n3A_488 = arith.select %eq3A_482, %add3A_487, %scan3A_447 : i32
        %eq3A_489 = arith.constant 1 : i32
        %eq3A_490 = arith.cmpi eq, %mul3A_480, %eq3A_489 : i32
        %add3A_491 = arith.addi %scan3A_446, %reduce_sum3A_473 : i32
        %sub3A_492 = arith.subi %scan3A_48#2, %add3A_491 : i32
        %select_n3A_493 = arith.select %eq3A_490, %sub3A_492, %scan3A_448 : i32
        %or3A_494 = arith.ori %scan3A_449, %mul3A_480 : i32
        %reduce_sum3A_495 = arith.constant true
        %reduce_sum3A_496 = vector.broadcast %reduce_sum3A_495 : i1 to vector<16xi1>
        %reduce_sum3A_497 = tpu.scan <sum>, %get3A_452 masked %reduce_sum3A_496 : vector<16xi32>, vector<16xi1> -> vector<16xi32>
        %reduce_sum3A_498 = vector.extract %reduce_sum3A_497[15] : i32 from vector<16xi32>
        %add3A_499 = arith.addi %scan3A_446, %reduce_sum3A_498 : i32
        scf.yield %add3A_499, %select_n3A_488, %select_n3A_493, %or3A_494 : i32, i32, i32, i32
      }
      %scan3A_110 = arith.constant 16 : i32
      %shift_left3A_111 = arith.shli %scan3A_109#1, %max3A_63 : i32
      %or3A_112 = arith.ori %or3A, %shift_left3A_111 : i32
      %while3A_113 = arith.constant 255 : i32
      %while3A_114 = arith.constant 0 : i32
      %while3A_115 = arith.constant 0 : i32
      %while3A_116 = arith.subi %select_n3A_85, %while3A_114 : i32
      %while3A_117 = arith.addi %while3A_114, %while3A_116 : i32
      %while3A_118 = arith.constant 1 : i32
      %while3A_119 = arith.divsi %while3A_116, %while3A_118 : i32
      %while3A_120 = arith.muli %while3A_119, %while3A_118 : i32
      %while3A_121 = arith.addi %while3A_114, %while3A_120 : i32
      %while3A_122 = arith.constant 1 : i32
      %while3A_123 = scf.for %while3A_445 = %while3A_114 to %while3A_121 step %while3A_122 iter_args(%while3A_446 = %while3A_115) -> (i32)  : i32 {
        %mul3A_447 = arith.constant 16 : i32
        %mul3A_448 = arith.muli %while3A_445, %mul3A_447 : i32
        %add3A_449 = vector.broadcast %mul3A_448 : i32 to vector<16xi32>
        %add3A_450 = arith.addi %iota3A, %add3A_449 : vector<16xi32>
        %lt3A_451 = vector.broadcast %scan3A_58 : i32 to vector<16xi32>
        %lt3A_452 = arith.cmpi slt, %add3A_450, %lt3A_451 : vector<16xi32>
        %mul3A_453 = arith.constant 16 : i32
        %mul3A_454 = arith.muli %while3A_445, %mul3A_453 : i32
        %get3A = arith.index_cast %mul3A_454 : i32 to index
        %get3A_455 = tpu.vector_load %arg10[%get3A] {strides = array<i32>} : memref<8208xi32, #tpu.memory_space<vmem>>, vector<16xi32>,
        %mul3A_456 = arith.constant 16 : i32
        %mul3A_457 = arith.muli %while3A_445, %mul3A_456 : i32
        %get3A_458 = arith.index_cast %mul3A_457 : i32 to index
        %get3A_459 = tpu.vector_load %arg11[%get3A_458] {strides = array<i32>} : memref<8208xi32, #tpu.memory_space<vmem>>, vector<16xi32>,
        %shift_right_arithmetic3A = vector.broadcast %max3A_63 : i32 to vector<16xi32>
        %shift_right_arithmetic3A_460 = arith.shrsi %get3A_455, %shift_right_arithmetic3A : vector<16xi32>
        %and3A_461 = vector.broadcast %while3A_113 : i32 to vector<16xi32>
        %and3A_462 = arith.andi %shift_right_arithmetic3A_460, %and3A_461 : vector<16xi32>
        %lt3A_463 = vector.broadcast %scan3A_109#1 : i32 to vector<16xi32>
        %lt3A_464 = arith.cmpi slt, %and3A_462, %lt3A_463 : vector<16xi32>
        %and3A_465 = arith.andi %lt3A_452, %lt3A_464 : vector<16xi1>
        tpu.vector_store_idx %arg7[%get3A_459], %broadcast_in_dim3A_4 masked %and3A_465 : memref<8192xi32, #tpu.memory_space<vmem>>[vector<16xi32>], vector<16xi32>, vector<16xi1>
        tpu.vector_store_idx %arg8[%get3A_459], %broadcast_in_dim3A_6 masked %and3A_465 : memref<8192xi32, #tpu.memory_space<vmem>>[vector<16xi32>], vector<16xi32>, vector<16xi1>
        %eq3A_466 = vector.broadcast %scan3A_109#1 : i32 to vector<16xi32>
        %eq3A_467 = arith.cmpi eq, %and3A_462, %eq3A_466 : vector<16xi32>
        %and3A_468 = arith.andi %lt3A_452, %eq3A_467 : vector<16xi1>
        %swap3A = arith.index_cast %while3A_446 : i32 to index
        %swap3A_469 = tpu.vector_load %arg12[%swap3A] masked %and3A_468 {strides = array<i32>} : memref<8208xi32, #tpu.memory_space<vmem>>, vector<16xi32>, vector<16xi1>
        tpu.vector_store %arg12[%swap3A], %get3A_455 masked %and3A_468 {strides = array<i32>} : memref<8208xi32, #tpu.memory_space<vmem>>, vector<16xi32>, vector<16xi1>
        %swap3A_470 = arith.index_cast %while3A_446 : i32 to index
        %swap3A_471 = tpu.vector_load %arg13[%swap3A_470] masked %and3A_468 {strides = array<i32>} : memref<8208xi32, #tpu.memory_space<vmem>>, vector<16xi32>, vector<16xi1>
        tpu.vector_store %arg13[%swap3A_470], %get3A_459 masked %and3A_468 {strides = array<i32>} : memref<8208xi32, #tpu.memory_space<vmem>>, vector<16xi32>, vector<16xi1>
        %jit3A_472 = arith.constant 1 : i32
        %jit3A_473 = arith.constant 0 : i32
        %broadcast_in_dim3A_474 = vector.broadcast %jit3A_472 : i32 to vector<16xi32>
        %broadcast_in_dim3A_475 = vector.broadcast %jit3A_473 : i32 to vector<16xi32>
        %select_n3A_476 = arith.select %and3A_468, %broadcast_in_dim3A_474, %broadcast_in_dim3A_475 : vector<16xi1>, vector<16xi32>
        %reduce_sum3A = arith.constant true
        %reduce_sum3A_477 = vector.broadcast %reduce_sum3A : i1 to vector<16xi1>
        %reduce_sum3A_478 = tpu.scan <sum>, %select_n3A_476 masked %reduce_sum3A_477 : vector<16xi32>, vector<16xi1> -> vector<16xi32>
        %reduce_sum3A_479 = vector.extract %reduce_sum3A_478[15] : i32 from vector<16xi32>
        %add3A_480 = arith.addi %while3A_446, %reduce_sum3A_479 : i32
        scf.yield %add3A_480 : i32
      }
      %while3A_124 = arith.constant 1 : i32
      %while3A_125 = scf.for %while3A_445 = %while3A_121 to %while3A_117 step %while3A_124 iter_args(%while3A_446 = %while3A_123) -> (i32)  : i32 {
        %mul3A_447 = arith.constant 16 : i32
        %mul3A_448 = arith.muli %while3A_445, %mul3A_447 : i32
        %add3A_449 = vector.broadcast %mul3A_448 : i32 to vector<16xi32>
        %add3A_450 = arith.addi %iota3A, %add3A_449 : vector<16xi32>
        %lt3A_451 = vector.broadcast %scan3A_58 : i32 to vector<16xi32>
        %lt3A_452 = arith.cmpi slt, %add3A_450, %lt3A_451 : vector<16xi32>
        %mul3A_453 = arith.constant 16 : i32
        %mul3A_454 = arith.muli %while3A_445, %mul3A_453 : i32
        %get3A = arith.index_cast %mul3A_454 : i32 to index
        %get3A_455 = tpu.vector_load %arg10[%get3A] {strides = array<i32>} : memref<8208xi32, #tpu.memory_space<vmem>>, vector<16xi32>,
        %mul3A_456 = arith.constant 16 : i32
        %mul3A_457 = arith.muli %while3A_445, %mul3A_456 : i32
        %get3A_458 = arith.index_cast %mul3A_457 : i32 to index
        %get3A_459 = tpu.vector_load %arg11[%get3A_458] {strides = array<i32>} : memref<8208xi32, #tpu.memory_space<vmem>>, vector<16xi32>,
        %shift_right_arithmetic3A = vector.broadcast %max3A_63 : i32 to vector<16xi32>
        %shift_right_arithmetic3A_460 = arith.shrsi %get3A_455, %shift_right_arithmetic3A : vector<16xi32>
        %and3A_461 = vector.broadcast %while3A_113 : i32 to vector<16xi32>
        %and3A_462 = arith.andi %shift_right_arithmetic3A_460, %and3A_461 : vector<16xi32>
        %lt3A_463 = vector.broadcast %scan3A_109#1 : i32 to vector<16xi32>
        %lt3A_464 = arith.cmpi slt, %and3A_462, %lt3A_463 : vector<16xi32>
        %and3A_465 = arith.andi %lt3A_452, %lt3A_464 : vector<16xi1>
        tpu.vector_store_idx %arg7[%get3A_459], %broadcast_in_dim3A_4 masked %and3A_465 : memref<8192xi32, #tpu.memory_space<vmem>>[vector<16xi32>], vector<16xi32>, vector<16xi1>
        tpu.vector_store_idx %arg8[%get3A_459], %broadcast_in_dim3A_6 masked %and3A_465 : memref<8192xi32, #tpu.memory_space<vmem>>[vector<16xi32>], vector<16xi32>, vector<16xi1>
        %eq3A_466 = vector.broadcast %scan3A_109#1 : i32 to vector<16xi32>
        %eq3A_467 = arith.cmpi eq, %and3A_462, %eq3A_466 : vector<16xi32>
        %and3A_468 = arith.andi %lt3A_452, %eq3A_467 : vector<16xi1>
        %swap3A = arith.index_cast %while3A_446 : i32 to index
        %swap3A_469 = tpu.vector_load %arg12[%swap3A] masked %and3A_468 {strides = array<i32>} : memref<8208xi32, #tpu.memory_space<vmem>>, vector<16xi32>, vector<16xi1>
        tpu.vector_store %arg12[%swap3A], %get3A_455 masked %and3A_468 {strides = array<i32>} : memref<8208xi32, #tpu.memory_space<vmem>>, vector<16xi32>, vector<16xi1>
        %swap3A_470 = arith.index_cast %while3A_446 : i32 to index
        %swap3A_471 = tpu.vector_load %arg13[%swap3A_470] masked %and3A_468 {strides = array<i32>} : memref<8208xi32, #tpu.memory_space<vmem>>, vector<16xi32>, vector<16xi1>
        tpu.vector_store %arg13[%swap3A_470], %get3A_459 masked %and3A_468 {strides = array<i32>} : memref<8208xi32, #tpu.memory_space<vmem>>, vector<16xi32>, vector<16xi1>
        %jit3A_472 = arith.constant 1 : i32
        %jit3A_473 = arith.constant 0 : i32
        %broadcast_in_dim3A_474 = vector.broadcast %jit3A_472 : i32 to vector<16xi32>
        %broadcast_in_dim3A_475 = vector.broadcast %jit3A_473 : i32 to vector<16xi32>
        %select_n3A_476 = arith.select %and3A_468, %broadcast_in_dim3A_474, %broadcast_in_dim3A_475 : vector<16xi1>, vector<16xi32>
        %reduce_sum3A = arith.constant true
        %reduce_sum3A_477 = vector.broadcast %reduce_sum3A : i1 to vector<16xi1>
        %reduce_sum3A_478 = tpu.scan <sum>, %select_n3A_476 masked %reduce_sum3A_477 : vector<16xi32>, vector<16xi1> -> vector<16xi32>
        %reduce_sum3A_479 = vector.extract %reduce_sum3A_478[15] : i32 from vector<16xi32>
        %add3A_480 = arith.addi %while3A_446, %reduce_sum3A_479 : i32
        scf.yield %add3A_480 : i32
      }
      %sub3A_126 = arith.constant 8 : i32
      %sub3A_127 = arith.subi %max3A_63, %sub3A_126 : i32
      %max3A_128 = arith.constant 0 : i32
      %max3A_129 = arith.maxsi %sub3A_127, %max3A_128 : i32
      %add3A_130 = arith.constant 15 : i32
      %add3A_131 = arith.addi %while3A_125, %add3A_130 : i32
      %jit3A_132 = arith.constant 16 : i32
      %div3A_133 = arith.divsi %add3A_131, %jit3A_132 : i32
      %sign3A_134 = arith.constant 0 : i32
      %sign3A_135 = arith.cmpi sgt, %add3A_131, %sign3A_134 : i32
      %sign3A_136 = arith.extui %sign3A_135 : i1 to i32
      %sign3A_137 = arith.constant 0 : i32
      %sign3A_138 = arith.cmpi slt, %add3A_131, %sign3A_137 : i32
      %sign3A_139 = arith.extui %sign3A_138 : i1 to i32
      %sign3A_140 = arith.subi %sign3A_136, %sign3A_139 : i32
      %sign3A_141 = arith.constant 0 : i32
      %sign3A_142 = arith.cmpi sgt, %jit3A_132, %sign3A_141 : i32
      %sign3A_143 = arith.extui %sign3A_142 : i1 to i32
      %sign3A_144 = arith.constant 0 : i32
      %sign3A_145 = arith.cmpi slt, %jit3A_132, %sign3A_144 : i32
      %sign3A_146 = arith.extui %sign3A_145 : i1 to i32
      %sign3A_147 = arith.subi %sign3A_143, %sign3A_146 : i32
      %ne3A_148 = arith.cmpi ne, %sign3A_140, %sign3A_147 : i32
      %rem3A_149 = arith.remsi %add3A_131, %jit3A_132 : i32
      %ne3A_150 = arith.constant 0 : i32
      %ne3A_151 = arith.cmpi ne, %rem3A_149, %ne3A_150 : i32
      %and3A_152 = arith.andi %ne3A_148, %ne3A_151 : i1
      %sub3A_153 = arith.constant 1 : i32
      %sub3A_154 = arith.subi %div3A_133, %sub3A_153 : i32
      %select_n3A_155 = arith.select %and3A_152, %sub3A_154, %div3A_133 : i32
      %scan3A_156 = arith.constant 0 : i32
      %scan3A_157 = arith.constant 0 : i32
      %scan3A_158 = arith.constant 16 : i32
      %scan3A_159 = arith.addi %scan3A_157, %scan3A_158 : i32
      %scan3A_160 = arith.constant 1 : i32
      scf.for %scan3A_445 = %scan3A_157 to %scan3A_159 step %scan3A_160  : i32 {
        %mul3A_446 = arith.constant 16 : i32
        %mul3A_447 = arith.muli %scan3A_445, %mul3A_446 : i32
        %swap3A = arith.index_cast %mul3A_447 : i32 to index
        %swap3A_448 = tpu.vector_load %arg9[%swap3A] {strides = array<i32>} : memref<256xi32, #tpu.memory_space<vmem>>, vector<16xi32>,
        tpu.vector_store %arg9[%swap3A], %broadcast_in_dim3A_6 {strides = array<i32>} : memref<256xi32, #tpu.memory_space<vmem>>, vector<16xi32>,
      }
      %scan3A_161 = arith.constant 16 : i32
      %while3A_162 = arith.constant 0 : i32
      %while3A_163 = arith.constant 255 : i32
      %while3A_164 = arith.constant 0 : i32
      %while3A_165 = arith.subi %select_n3A_155, %while3A_164 : i32
      %while3A_166 = arith.addi %while3A_164, %while3A_165 : i32
      %while3A_167 = arith.constant 1 : i32
      %while3A_168 = arith.divsi %while3A_165, %while3A_167 : i32
      %while3A_169 = arith.muli %while3A_168, %while3A_167 : i32
      %while3A_170 = arith.addi %while3A_164, %while3A_169 : i32
      %while3A_171 = arith.constant 1 : i32
      scf.for %while3A_445 = %while3A_164 to %while3A_170 step %while3A_171  : i32 {
        %mul3A_446 = arith.constant 16 : i32
        %mul3A_447 = arith.muli %while3A_445, %mul3A_446 : i32
        %add3A_448 = vector.broadcast %mul3A_447 : i32 to vector<16xi32>
        %add3A_449 = arith.addi %iota3A, %add3A_448 : vector<16xi32>
        %lt3A_450 = vector.broadcast %while3A_125 : i32 to vector<16xi32>
        %lt3A_451 = arith.cmpi slt, %add3A_449, %lt3A_450 : vector<16xi32>
        %mul3A_452 = arith.constant 16 : i32
        %mul3A_453 = arith.muli %while3A_445, %mul3A_452 : i32
        %get3A = arith.index_cast %mul3A_453 : i32 to index
        %get3A_454 = tpu.vector_load %arg12[%get3A] {strides = array<i32>} : memref<8208xi32, #tpu.memory_space<vmem>>, vector<16xi32>,
        %shift_right_arithmetic3A = vector.broadcast %max3A_129 : i32 to vector<16xi32>
        %shift_right_arithmetic3A_455 = arith.shrsi %get3A_454, %shift_right_arithmetic3A : vector<16xi32>
        %and3A_456 = vector.broadcast %while3A_163 : i32 to vector<16xi32>
        %and3A_457 = arith.andi %shift_right_arithmetic3A_455, %and3A_456 : vector<16xi32>
        tpu.vector_store_idx %arg9[%and3A_457], %broadcast_in_dim3A_4 masked %lt3A_451 {add = true} : memref<256xi32, #tpu.memory_space<vmem>>[vector<16xi32>], vector<16xi32>, vector<16xi1>
      }
      %while3A_172 = arith.constant 1 : i32
      scf.for %while3A_445 = %while3A_170 to %while3A_166 step %while3A_172  : i32 {
        %mul3A_446 = arith.constant 16 : i32
        %mul3A_447 = arith.muli %while3A_445, %mul3A_446 : i32
        %add3A_448 = vector.broadcast %mul3A_447 : i32 to vector<16xi32>
        %add3A_449 = arith.addi %iota3A, %add3A_448 : vector<16xi32>
        %lt3A_450 = vector.broadcast %while3A_125 : i32 to vector<16xi32>
        %lt3A_451 = arith.cmpi slt, %add3A_449, %lt3A_450 : vector<16xi32>
        %mul3A_452 = arith.constant 16 : i32
        %mul3A_453 = arith.muli %while3A_445, %mul3A_452 : i32
        %get3A = arith.index_cast %mul3A_453 : i32 to index
        %get3A_454 = tpu.vector_load %arg12[%get3A] {strides = array<i32>} : memref<8208xi32, #tpu.memory_space<vmem>>, vector<16xi32>,
        %shift_right_arithmetic3A = vector.broadcast %max3A_129 : i32 to vector<16xi32>
        %shift_right_arithmetic3A_455 = arith.shrsi %get3A_454, %shift_right_arithmetic3A : vector<16xi32>
        %and3A_456 = vector.broadcast %while3A_163 : i32 to vector<16xi32>
        %and3A_457 = arith.andi %shift_right_arithmetic3A_455, %and3A_456 : vector<16xi32>
        tpu.vector_store_idx %arg9[%and3A_457], %broadcast_in_dim3A_4 masked %lt3A_451 {add = true} : memref<256xi32, #tpu.memory_space<vmem>>[vector<16xi32>], vector<16xi32>, vector<16xi1>
      }
      %scan3A_173 = arith.constant 0 : i32
      %scan3A_174 = arith.constant 0 : i32
      %scan3A_175 = arith.constant 0 : i32
      %scan3A_176 = arith.constant 0 : i32
      %scan3A_177 = arith.constant 16 : i32
      %scan3A_178 = arith.addi %scan3A_176, %scan3A_177 : i32
      %scan3A_179 = arith.constant 1 : i32
      %scan3A_180:4 = scf.for %scan3A_445 = %scan3A_176 to %scan3A_178 step %scan3A_179 iter_args(%scan3A_446 = %scan3A_173, %scan3A_447 = %scan3A_174, %scan3A_448 = %scan3A_109#2, %scan3A_449 = %scan3A_175) -> (i32, i32, i32, i32)  : i32 {
        %mul3A_450 = arith.constant 16 : i32
        %mul3A_451 = arith.muli %scan3A_445, %mul3A_450 : i32
        %get3A = arith.index_cast %mul3A_451 : i32 to index
        %get3A_452 = tpu.vector_load %arg9[%get3A] {strides = array<i32>} : memref<256xi32, #tpu.memory_space<vmem>>, vector<16xi32>,
        %broadcast_in_dim3A_453 = arith.constant true
        %broadcast_in_dim3A_454 = vector.broadcast %broadcast_in_dim3A_453 : i1 to vector<16xi1>
        %masked_cumsum3A = tpu.scan <sum>, %get3A_452 masked %broadcast_in_dim3A_454 : vector<16xi32>, vector<16xi1> -> vector<16xi32>
        %add3A_455 = vector.broadcast %scan3A_446 : i32 to vector<16xi32>
        %add3A_456 = arith.addi %masked_cumsum3A, %add3A_455 : vector<16xi32>
        %ge3A = vector.broadcast %scan3A_109#2 : i32 to vector<16xi32>
        %ge3A_457 = arith.cmpi sge, %add3A_456, %ge3A : vector<16xi32>
        %jit3A_458 = arith.constant 1 : i32
        %jit3A_459 = arith.constant 0 : i32
        %broadcast_in_dim3A_460 = vector.broadcast %jit3A_458 : i32 to vector<16xi32>
        %broadcast_in_dim3A_461 = vector.broadcast %jit3A_459 : i32 to vector<16xi32>
        %select_n3A_462 = arith.select %ge3A_457, %broadcast_in_dim3A_460, %broadcast_in_dim3A_461 : vector<16xi1>, vector<16xi32>
        %reduce_sum3A = arith.constant true
        %reduce_sum3A_463 = vector.broadcast %reduce_sum3A : i1 to vector<16xi1>
        %reduce_sum3A_464 = tpu.scan <sum>, %select_n3A_462 masked %reduce_sum3A_463 : vector<16xi32>, vector<16xi1> -> vector<16xi32>
        %reduce_sum3A_465 = vector.extract %reduce_sum3A_464[15] : i32 from vector<16xi32>
        %sub3A_466 = arith.constant 1 : i32
        %sub3A_467 = vector.broadcast %sub3A_466 : i32 to vector<16xi32>
        %sub3A_468 = arith.subi %sub3A_467, %select_n3A_462 : vector<16xi32>
        %mul3A_469 = arith.muli %get3A_452, %sub3A_468 : vector<16xi32>
        %reduce_sum3A_470 = arith.constant true
        %reduce_sum3A_471 = vector.broadcast %reduce_sum3A_470 : i1 to vector<16xi1>
        %reduce_sum3A_472 = tpu.scan <sum>, %mul3A_469 masked %reduce_sum3A_471 : vector<16xi32>, vector<16xi1> -> vector<16xi32>
        %reduce_sum3A_473 = vector.extract %reduce_sum3A_472[15] : i32 from vector<16xi32>
        %sub3A_474 = arith.constant 1 : i32
        %sub3A_475 = arith.subi %sub3A_474, %scan3A_449 : i32
        %gt3A = arith.constant 0 : i32
        %gt3A_476 = arith.cmpi sgt, %reduce_sum3A_465, %gt3A : i32
        %jit3A_477 = arith.constant 1 : i32
        %jit3A_478 = arith.constant 0 : i32
        %select_n3A_479 = arith.select %gt3A_476, %jit3A_477, %jit3A_478 : i32
        %mul3A_480 = arith.muli %sub3A_475, %select_n3A_479 : i32
        %eq3A_481 = arith.constant 1 : i32
        %eq3A_482 = arith.cmpi eq, %mul3A_480, %eq3A_481 : i32
        %mul3A_483 = arith.constant 16 : i32
        %mul3A_484 = arith.muli %scan3A_445, %mul3A_483 : i32
        %sub3A_485 = arith.constant 16 : i32
        %sub3A_486 = arith.subi %sub3A_485, %reduce_sum3A_465 : i32
        %add3A_487 = arith.addi %mul3A_484, %sub3A_486 : i32
        %select_n3A_488 = arith.select %eq3A_482, %add3A_487, %scan3A_447 : i32
        %eq3A_489 = arith.constant 1 : i32
        %eq3A_490 = arith.cmpi eq, %mul3A_480, %eq3A_489 : i32
        %add3A_491 = arith.addi %scan3A_446, %reduce_sum3A_473 : i32
        %sub3A_492 = arith.subi %scan3A_109#2, %add3A_491 : i32
        %select_n3A_493 = arith.select %eq3A_490, %sub3A_492, %scan3A_448 : i32
        %or3A_494 = arith.ori %scan3A_449, %mul3A_480 : i32
        %reduce_sum3A_495 = arith.constant true
        %reduce_sum3A_496 = vector.broadcast %reduce_sum3A_495 : i1 to vector<16xi1>
        %reduce_sum3A_497 = tpu.scan <sum>, %get3A_452 masked %reduce_sum3A_496 : vector<16xi32>, vector<16xi1> -> vector<16xi32>
        %reduce_sum3A_498 = vector.extract %reduce_sum3A_497[15] : i32 from vector<16xi32>
        %add3A_499 = arith.addi %scan3A_446, %reduce_sum3A_498 : i32
        scf.yield %add3A_499, %select_n3A_488, %select_n3A_493, %or3A_494 : i32, i32, i32, i32
      }
      %scan3A_181 = arith.constant 16 : i32
      %shift_left3A_182 = arith.shli %scan3A_180#1, %max3A_129 : i32
      %or3A_183 = arith.ori %or3A_112, %shift_left3A_182 : i32
      %while3A_184 = arith.constant 255 : i32
      %while3A_185 = arith.constant 0 : i32
      %while3A_186 = arith.constant 0 : i32
      %while3A_187 = arith.subi %select_n3A_155, %while3A_185 : i32
      %while3A_188 = arith.addi %while3A_185, %while3A_187 : i32
      %while3A_189 = arith.constant 1 : i32
      %while3A_190 = arith.divsi %while3A_187, %while3A_189 : i32
      %while3A_191 = arith.muli %while3A_190, %while3A_189 : i32
      %while3A_192 = arith.addi %while3A_185, %while3A_191 : i32
      %while3A_193 = arith.constant 1 : i32
      %while3A_194 = scf.for %while3A_445 = %while3A_185 to %while3A_192 step %while3A_193 iter_args(%while3A_446 = %while3A_186) -> (i32)  : i32 {
        %mul3A_447 = arith.constant 16 : i32
        %mul3A_448 = arith.muli %while3A_445, %mul3A_447 : i32
        %add3A_449 = vector.broadcast %mul3A_448 : i32 to vector<16xi32>
        %add3A_450 = arith.addi %iota3A, %add3A_449 : vector<16xi32>
        %lt3A_451 = vector.broadcast %while3A_125 : i32 to vector<16xi32>
        %lt3A_452 = arith.cmpi slt, %add3A_450, %lt3A_451 : vector<16xi32>
        %mul3A_453 = arith.constant 16 : i32
        %mul3A_454 = arith.muli %while3A_445, %mul3A_453 : i32
        %get3A = arith.index_cast %mul3A_454 : i32 to index
        %get3A_455 = tpu.vector_load %arg12[%get3A] {strides = array<i32>} : memref<8208xi32, #tpu.memory_space<vmem>>, vector<16xi32>,
        %mul3A_456 = arith.constant 16 : i32
        %mul3A_457 = arith.muli %while3A_445, %mul3A_456 : i32
        %get3A_458 = arith.index_cast %mul3A_457 : i32 to index
        %get3A_459 = tpu.vector_load %arg13[%get3A_458] {strides = array<i32>} : memref<8208xi32, #tpu.memory_space<vmem>>, vector<16xi32>,
        %shift_right_arithmetic3A = vector.broadcast %max3A_129 : i32 to vector<16xi32>
        %shift_right_arithmetic3A_460 = arith.shrsi %get3A_455, %shift_right_arithmetic3A : vector<16xi32>
        %and3A_461 = vector.broadcast %while3A_184 : i32 to vector<16xi32>
        %and3A_462 = arith.andi %shift_right_arithmetic3A_460, %and3A_461 : vector<16xi32>
        %lt3A_463 = vector.broadcast %scan3A_180#1 : i32 to vector<16xi32>
        %lt3A_464 = arith.cmpi slt, %and3A_462, %lt3A_463 : vector<16xi32>
        %and3A_465 = arith.andi %lt3A_452, %lt3A_464 : vector<16xi1>
        tpu.vector_store_idx %arg7[%get3A_459], %broadcast_in_dim3A_4 masked %and3A_465 : memref<8192xi32, #tpu.memory_space<vmem>>[vector<16xi32>], vector<16xi32>, vector<16xi1>
        tpu.vector_store_idx %arg8[%get3A_459], %broadcast_in_dim3A_6 masked %and3A_465 : memref<8192xi32, #tpu.memory_space<vmem>>[vector<16xi32>], vector<16xi32>, vector<16xi1>
        %eq3A_466 = vector.broadcast %scan3A_180#1 : i32 to vector<16xi32>
        %eq3A_467 = arith.cmpi eq, %and3A_462, %eq3A_466 : vector<16xi32>
        %and3A_468 = arith.andi %lt3A_452, %eq3A_467 : vector<16xi1>
        %swap3A = arith.index_cast %while3A_446 : i32 to index
        %swap3A_469 = tpu.vector_load %arg10[%swap3A] masked %and3A_468 {strides = array<i32>} : memref<8208xi32, #tpu.memory_space<vmem>>, vector<16xi32>, vector<16xi1>
        tpu.vector_store %arg10[%swap3A], %get3A_455 masked %and3A_468 {strides = array<i32>} : memref<8208xi32, #tpu.memory_space<vmem>>, vector<16xi32>, vector<16xi1>
        %swap3A_470 = arith.index_cast %while3A_446 : i32 to index
        %swap3A_471 = tpu.vector_load %arg11[%swap3A_470] masked %and3A_468 {strides = array<i32>} : memref<8208xi32, #tpu.memory_space<vmem>>, vector<16xi32>, vector<16xi1>
        tpu.vector_store %arg11[%swap3A_470], %get3A_459 masked %and3A_468 {strides = array<i32>} : memref<8208xi32, #tpu.memory_space<vmem>>, vector<16xi32>, vector<16xi1>
        %jit3A_472 = arith.constant 1 : i32
        %jit3A_473 = arith.constant 0 : i32
        %broadcast_in_dim3A_474 = vector.broadcast %jit3A_472 : i32 to vector<16xi32>
        %broadcast_in_dim3A_475 = vector.broadcast %jit3A_473 : i32 to vector<16xi32>
        %select_n3A_476 = arith.select %and3A_468, %broadcast_in_dim3A_474, %broadcast_in_dim3A_475 : vector<16xi1>, vector<16xi32>
        %reduce_sum3A = arith.constant true
        %reduce_sum3A_477 = vector.broadcast %reduce_sum3A : i1 to vector<16xi1>
        %reduce_sum3A_478 = tpu.scan <sum>, %select_n3A_476 masked %reduce_sum3A_477 : vector<16xi32>, vector<16xi1> -> vector<16xi32>
        %reduce_sum3A_479 = vector.extract %reduce_sum3A_478[15] : i32 from vector<16xi32>
        %add3A_480 = arith.addi %while3A_446, %reduce_sum3A_479 : i32
        scf.yield %add3A_480 : i32
      }
      %while3A_195 = arith.constant 1 : i32
      %while3A_196 = scf.for %while3A_445 = %while3A_192 to %while3A_188 step %while3A_195 iter_args(%while3A_446 = %while3A_194) -> (i32)  : i32 {
        %mul3A_447 = arith.constant 16 : i32
        %mul3A_448 = arith.muli %while3A_445, %mul3A_447 : i32
        %add3A_449 = vector.broadcast %mul3A_448 : i32 to vector<16xi32>
        %add3A_450 = arith.addi %iota3A, %add3A_449 : vector<16xi32>
        %lt3A_451 = vector.broadcast %while3A_125 : i32 to vector<16xi32>
        %lt3A_452 = arith.cmpi slt, %add3A_450, %lt3A_451 : vector<16xi32>
        %mul3A_453 = arith.constant 16 : i32
        %mul3A_454 = arith.muli %while3A_445, %mul3A_453 : i32
        %get3A = arith.index_cast %mul3A_454 : i32 to index
        %get3A_455 = tpu.vector_load %arg12[%get3A] {strides = array<i32>} : memref<8208xi32, #tpu.memory_space<vmem>>, vector<16xi32>,
        %mul3A_456 = arith.constant 16 : i32
        %mul3A_457 = arith.muli %while3A_445, %mul3A_456 : i32
        %get3A_458 = arith.index_cast %mul3A_457 : i32 to index
        %get3A_459 = tpu.vector_load %arg13[%get3A_458] {strides = array<i32>} : memref<8208xi32, #tpu.memory_space<vmem>>, vector<16xi32>,
        %shift_right_arithmetic3A = vector.broadcast %max3A_129 : i32 to vector<16xi32>
        %shift_right_arithmetic3A_460 = arith.shrsi %get3A_455, %shift_right_arithmetic3A : vector<16xi32>
        %and3A_461 = vector.broadcast %while3A_184 : i32 to vector<16xi32>
        %and3A_462 = arith.andi %shift_right_arithmetic3A_460, %and3A_461 : vector<16xi32>
        %lt3A_463 = vector.broadcast %scan3A_180#1 : i32 to vector<16xi32>
        %lt3A_464 = arith.cmpi slt, %and3A_462, %lt3A_463 : vector<16xi32>
        %and3A_465 = arith.andi %lt3A_452, %lt3A_464 : vector<16xi1>
        tpu.vector_store_idx %arg7[%get3A_459], %broadcast_in_dim3A_4 masked %and3A_465 : memref<8192xi32, #tpu.memory_space<vmem>>[vector<16xi32>], vector<16xi32>, vector<16xi1>
        tpu.vector_store_idx %arg8[%get3A_459], %broadcast_in_dim3A_6 masked %and3A_465 : memref<8192xi32, #tpu.memory_space<vmem>>[vector<16xi32>], vector<16xi32>, vector<16xi1>
        %eq3A_466 = vector.broadcast %scan3A_180#1 : i32 to vector<16xi32>
        %eq3A_467 = arith.cmpi eq, %and3A_462, %eq3A_466 : vector<16xi32>
        %and3A_468 = arith.andi %lt3A_452, %eq3A_467 : vector<16xi1>
        %swap3A = arith.index_cast %while3A_446 : i32 to index
        %swap3A_469 = tpu.vector_load %arg10[%swap3A] masked %and3A_468 {strides = array<i32>} : memref<8208xi32, #tpu.memory_space<vmem>>, vector<16xi32>, vector<16xi1>
        tpu.vector_store %arg10[%swap3A], %get3A_455 masked %and3A_468 {strides = array<i32>} : memref<8208xi32, #tpu.memory_space<vmem>>, vector<16xi32>, vector<16xi1>
        %swap3A_470 = arith.index_cast %while3A_446 : i32 to index
        %swap3A_471 = tpu.vector_load %arg11[%swap3A_470] masked %and3A_468 {strides = array<i32>} : memref<8208xi32, #tpu.memory_space<vmem>>, vector<16xi32>, vector<16xi1>
        tpu.vector_store %arg11[%swap3A_470], %get3A_459 masked %and3A_468 {strides = array<i32>} : memref<8208xi32, #tpu.memory_space<vmem>>, vector<16xi32>, vector<16xi1>
        %jit3A_472 = arith.constant 1 : i32
        %jit3A_473 = arith.constant 0 : i32
        %broadcast_in_dim3A_474 = vector.broadcast %jit3A_472 : i32 to vector<16xi32>
        %broadcast_in_dim3A_475 = vector.broadcast %jit3A_473 : i32 to vector<16xi32>
        %select_n3A_476 = arith.select %and3A_468, %broadcast_in_dim3A_474, %broadcast_in_dim3A_475 : vector<16xi1>, vector<16xi32>
        %reduce_sum3A = arith.constant true
        %reduce_sum3A_477 = vector.broadcast %reduce_sum3A : i1 to vector<16xi1>
        %reduce_sum3A_478 = tpu.scan <sum>, %select_n3A_476 masked %reduce_sum3A_477 : vector<16xi32>, vector<16xi1> -> vector<16xi32>
        %reduce_sum3A_479 = vector.extract %reduce_sum3A_478[15] : i32 from vector<16xi32>
        %add3A_480 = arith.addi %while3A_446, %reduce_sum3A_479 : i32
        scf.yield %add3A_480 : i32
      }
      %sub3A_197 = arith.constant 8 : i32
      %sub3A_198 = arith.subi %max3A_129, %sub3A_197 : i32
      %max3A_199 = arith.constant 0 : i32
      %max3A_200 = arith.maxsi %sub3A_198, %max3A_199 : i32
      %add3A_201 = arith.constant 15 : i32
      %add3A_202 = arith.addi %while3A_196, %add3A_201 : i32
      %jit3A_203 = arith.constant 16 : i32
      %div3A_204 = arith.divsi %add3A_202, %jit3A_203 : i32
      %sign3A_205 = arith.constant 0 : i32
      %sign3A_206 = arith.cmpi sgt, %add3A_202, %sign3A_205 : i32
      %sign3A_207 = arith.extui %sign3A_206 : i1 to i32
      %sign3A_208 = arith.constant 0 : i32
      %sign3A_209 = arith.cmpi slt, %add3A_202, %sign3A_208 : i32
      %sign3A_210 = arith.extui %sign3A_209 : i1 to i32
      %sign3A_211 = arith.subi %sign3A_207, %sign3A_210 : i32
      %sign3A_212 = arith.constant 0 : i32
      %sign3A_213 = arith.cmpi sgt, %jit3A_203, %sign3A_212 : i32
      %sign3A_214 = arith.extui %sign3A_213 : i1 to i32
      %sign3A_215 = arith.constant 0 : i32
      %sign3A_216 = arith.cmpi slt, %jit3A_203, %sign3A_215 : i32
      %sign3A_217 = arith.extui %sign3A_216 : i1 to i32
      %sign3A_218 = arith.subi %sign3A_214, %sign3A_217 : i32
      %ne3A_219 = arith.cmpi ne, %sign3A_211, %sign3A_218 : i32
      %rem3A_220 = arith.remsi %add3A_202, %jit3A_203 : i32
      %ne3A_221 = arith.constant 0 : i32
      %ne3A_222 = arith.cmpi ne, %rem3A_220, %ne3A_221 : i32
      %and3A_223 = arith.andi %ne3A_219, %ne3A_222 : i1
      %sub3A_224 = arith.constant 1 : i32
      %sub3A_225 = arith.subi %div3A_204, %sub3A_224 : i32
      %select_n3A_226 = arith.select %and3A_223, %sub3A_225, %div3A_204 : i32
      %scan3A_227 = arith.constant 0 : i32
      %scan3A_228 = arith.constant 0 : i32
      %scan3A_229 = arith.constant 16 : i32
      %scan3A_230 = arith.addi %scan3A_228, %scan3A_229 : i32
      %scan3A_231 = arith.constant 1 : i32
      scf.for %scan3A_445 = %scan3A_228 to %scan3A_230 step %scan3A_231  : i32 {
        %mul3A_446 = arith.constant 16 : i32
        %mul3A_447 = arith.muli %scan3A_445, %mul3A_446 : i32
        %swap3A = arith.index_cast %mul3A_447 : i32 to index
        %swap3A_448 = tpu.vector_load %arg9[%swap3A] {strides = array<i32>} : memref<256xi32, #tpu.memory_space<vmem>>, vector<16xi32>,
        tpu.vector_store %arg9[%swap3A], %broadcast_in_dim3A_6 {strides = array<i32>} : memref<256xi32, #tpu.memory_space<vmem>>, vector<16xi32>,
      }
      %scan3A_232 = arith.constant 16 : i32
      %while3A_233 = arith.constant 0 : i32
      %while3A_234 = arith.constant 255 : i32
      %while3A_235 = arith.constant 0 : i32
      %while3A_236 = arith.subi %select_n3A_226, %while3A_235 : i32
      %while3A_237 = arith.addi %while3A_235, %while3A_236 : i32
      %while3A_238 = arith.constant 1 : i32
      %while3A_239 = arith.divsi %while3A_236, %while3A_238 : i32
      %while3A_240 = arith.muli %while3A_239, %while3A_238 : i32
      %while3A_241 = arith.addi %while3A_235, %while3A_240 : i32
      %while3A_242 = arith.constant 1 : i32
      scf.for %while3A_445 = %while3A_235 to %while3A_241 step %while3A_242  : i32 {
        %mul3A_446 = arith.constant 16 : i32
        %mul3A_447 = arith.muli %while3A_445, %mul3A_446 : i32
        %add3A_448 = vector.broadcast %mul3A_447 : i32 to vector<16xi32>
        %add3A_449 = arith.addi %iota3A, %add3A_448 : vector<16xi32>
        %lt3A_450 = vector.broadcast %while3A_196 : i32 to vector<16xi32>
        %lt3A_451 = arith.cmpi slt, %add3A_449, %lt3A_450 : vector<16xi32>
        %mul3A_452 = arith.constant 16 : i32
        %mul3A_453 = arith.muli %while3A_445, %mul3A_452 : i32
        %get3A = arith.index_cast %mul3A_453 : i32 to index
        %get3A_454 = tpu.vector_load %arg10[%get3A] {strides = array<i32>} : memref<8208xi32, #tpu.memory_space<vmem>>, vector<16xi32>,
        %shift_right_arithmetic3A = vector.broadcast %max3A_200 : i32 to vector<16xi32>
        %shift_right_arithmetic3A_455 = arith.shrsi %get3A_454, %shift_right_arithmetic3A : vector<16xi32>
        %and3A_456 = vector.broadcast %while3A_234 : i32 to vector<16xi32>
        %and3A_457 = arith.andi %shift_right_arithmetic3A_455, %and3A_456 : vector<16xi32>
        tpu.vector_store_idx %arg9[%and3A_457], %broadcast_in_dim3A_4 masked %lt3A_451 {add = true} : memref<256xi32, #tpu.memory_space<vmem>>[vector<16xi32>], vector<16xi32>, vector<16xi1>
      }
      %while3A_243 = arith.constant 1 : i32
      scf.for %while3A_445 = %while3A_241 to %while3A_237 step %while3A_243  : i32 {
        %mul3A_446 = arith.constant 16 : i32
        %mul3A_447 = arith.muli %while3A_445, %mul3A_446 : i32
        %add3A_448 = vector.broadcast %mul3A_447 : i32 to vector<16xi32>
        %add3A_449 = arith.addi %iota3A, %add3A_448 : vector<16xi32>
        %lt3A_450 = vector.broadcast %while3A_196 : i32 to vector<16xi32>
        %lt3A_451 = arith.cmpi slt, %add3A_449, %lt3A_450 : vector<16xi32>
        %mul3A_452 = arith.constant 16 : i32
        %mul3A_453 = arith.muli %while3A_445, %mul3A_452 : i32
        %get3A = arith.index_cast %mul3A_453 : i32 to index
        %get3A_454 = tpu.vector_load %arg10[%get3A] {strides = array<i32>} : memref<8208xi32, #tpu.memory_space<vmem>>, vector<16xi32>,
        %shift_right_arithmetic3A = vector.broadcast %max3A_200 : i32 to vector<16xi32>
        %shift_right_arithmetic3A_455 = arith.shrsi %get3A_454, %shift_right_arithmetic3A : vector<16xi32>
        %and3A_456 = vector.broadcast %while3A_234 : i32 to vector<16xi32>
        %and3A_457 = arith.andi %shift_right_arithmetic3A_455, %and3A_456 : vector<16xi32>
        tpu.vector_store_idx %arg9[%and3A_457], %broadcast_in_dim3A_4 masked %lt3A_451 {add = true} : memref<256xi32, #tpu.memory_space<vmem>>[vector<16xi32>], vector<16xi32>, vector<16xi1>
      }
      %scan3A_244 = arith.constant 0 : i32
      %scan3A_245 = arith.constant 0 : i32
      %scan3A_246 = arith.constant 0 : i32
      %scan3A_247 = arith.constant 0 : i32
      %scan3A_248 = arith.constant 16 : i32
      %scan3A_249 = arith.addi %scan3A_247, %scan3A_248 : i32
      %scan3A_250 = arith.constant 1 : i32
      %scan3A_251:4 = scf.for %scan3A_445 = %scan3A_247 to %scan3A_249 step %scan3A_250 iter_args(%scan3A_446 = %scan3A_244, %scan3A_447 = %scan3A_245, %scan3A_448 = %scan3A_180#2, %scan3A_449 = %scan3A_246) -> (i32, i32, i32, i32)  : i32 {
        %mul3A_450 = arith.constant 16 : i32
        %mul3A_451 = arith.muli %scan3A_445, %mul3A_450 : i32
        %get3A = arith.index_cast %mul3A_451 : i32 to index
        %get3A_452 = tpu.vector_load %arg9[%get3A] {strides = array<i32>} : memref<256xi32, #tpu.memory_space<vmem>>, vector<16xi32>,
        %broadcast_in_dim3A_453 = arith.constant true
        %broadcast_in_dim3A_454 = vector.broadcast %broadcast_in_dim3A_453 : i1 to vector<16xi1>
        %masked_cumsum3A = tpu.scan <sum>, %get3A_452 masked %broadcast_in_dim3A_454 : vector<16xi32>, vector<16xi1> -> vector<16xi32>
        %add3A_455 = vector.broadcast %scan3A_446 : i32 to vector<16xi32>
        %add3A_456 = arith.addi %masked_cumsum3A, %add3A_455 : vector<16xi32>
        %ge3A = vector.broadcast %scan3A_180#2 : i32 to vector<16xi32>
        %ge3A_457 = arith.cmpi sge, %add3A_456, %ge3A : vector<16xi32>
        %jit3A_458 = arith.constant 1 : i32
        %jit3A_459 = arith.constant 0 : i32
        %broadcast_in_dim3A_460 = vector.broadcast %jit3A_458 : i32 to vector<16xi32>
        %broadcast_in_dim3A_461 = vector.broadcast %jit3A_459 : i32 to vector<16xi32>
        %select_n3A_462 = arith.select %ge3A_457, %broadcast_in_dim3A_460, %broadcast_in_dim3A_461 : vector<16xi1>, vector<16xi32>
        %reduce_sum3A = arith.constant true
        %reduce_sum3A_463 = vector.broadcast %reduce_sum3A : i1 to vector<16xi1>
        %reduce_sum3A_464 = tpu.scan <sum>, %select_n3A_462 masked %reduce_sum3A_463 : vector<16xi32>, vector<16xi1> -> vector<16xi32>
        %reduce_sum3A_465 = vector.extract %reduce_sum3A_464[15] : i32 from vector<16xi32>
        %sub3A_466 = arith.constant 1 : i32
        %sub3A_467 = vector.broadcast %sub3A_466 : i32 to vector<16xi32>
        %sub3A_468 = arith.subi %sub3A_467, %select_n3A_462 : vector<16xi32>
        %mul3A_469 = arith.muli %get3A_452, %sub3A_468 : vector<16xi32>
        %reduce_sum3A_470 = arith.constant true
        %reduce_sum3A_471 = vector.broadcast %reduce_sum3A_470 : i1 to vector<16xi1>
        %reduce_sum3A_472 = tpu.scan <sum>, %mul3A_469 masked %reduce_sum3A_471 : vector<16xi32>, vector<16xi1> -> vector<16xi32>
        %reduce_sum3A_473 = vector.extract %reduce_sum3A_472[15] : i32 from vector<16xi32>
        %sub3A_474 = arith.constant 1 : i32
        %sub3A_475 = arith.subi %sub3A_474, %scan3A_449 : i32
        %gt3A = arith.constant 0 : i32
        %gt3A_476 = arith.cmpi sgt, %reduce_sum3A_465, %gt3A : i32
        %jit3A_477 = arith.constant 1 : i32
        %jit3A_478 = arith.constant 0 : i32
        %select_n3A_479 = arith.select %gt3A_476, %jit3A_477, %jit3A_478 : i32
        %mul3A_480 = arith.muli %sub3A_475, %select_n3A_479 : i32
        %eq3A_481 = arith.constant 1 : i32
        %eq3A_482 = arith.cmpi eq, %mul3A_480, %eq3A_481 : i32
        %mul3A_483 = arith.constant 16 : i32
        %mul3A_484 = arith.muli %scan3A_445, %mul3A_483 : i32
        %sub3A_485 = arith.constant 16 : i32
        %sub3A_486 = arith.subi %sub3A_485, %reduce_sum3A_465 : i32
        %add3A_487 = arith.addi %mul3A_484, %sub3A_486 : i32
        %select_n3A_488 = arith.select %eq3A_482, %add3A_487, %scan3A_447 : i32
        %eq3A_489 = arith.constant 1 : i32
        %eq3A_490 = arith.cmpi eq, %mul3A_480, %eq3A_489 : i32
        %add3A_491 = arith.addi %scan3A_446, %reduce_sum3A_473 : i32
        %sub3A_492 = arith.subi %scan3A_180#2, %add3A_491 : i32
        %select_n3A_493 = arith.select %eq3A_490, %sub3A_492, %scan3A_448 : i32
        %or3A_494 = arith.ori %scan3A_449, %mul3A_480 : i32
        %reduce_sum3A_495 = arith.constant true
        %reduce_sum3A_496 = vector.broadcast %reduce_sum3A_495 : i1 to vector<16xi1>
        %reduce_sum3A_497 = tpu.scan <sum>, %get3A_452 masked %reduce_sum3A_496 : vector<16xi32>, vector<16xi1> -> vector<16xi32>
        %reduce_sum3A_498 = vector.extract %reduce_sum3A_497[15] : i32 from vector<16xi32>
        %add3A_499 = arith.addi %scan3A_446, %reduce_sum3A_498 : i32
        scf.yield %add3A_499, %select_n3A_488, %select_n3A_493, %or3A_494 : i32, i32, i32, i32
      }
      %scan3A_252 = arith.constant 16 : i32
      %shift_left3A_253 = arith.shli %scan3A_251#1, %max3A_200 : i32
      %or3A_254 = arith.ori %or3A_183, %shift_left3A_253 : i32
      %while3A_255 = arith.constant 255 : i32
      %while3A_256 = arith.constant 0 : i32
      %while3A_257 = arith.constant 0 : i32
      %while3A_258 = arith.subi %select_n3A_226, %while3A_256 : i32
      %while3A_259 = arith.addi %while3A_256, %while3A_258 : i32
      %while3A_260 = arith.constant 1 : i32
      %while3A_261 = arith.divsi %while3A_258, %while3A_260 : i32
      %while3A_262 = arith.muli %while3A_261, %while3A_260 : i32
      %while3A_263 = arith.addi %while3A_256, %while3A_262 : i32
      %while3A_264 = arith.constant 1 : i32
      %while3A_265 = scf.for %while3A_445 = %while3A_256 to %while3A_263 step %while3A_264 iter_args(%while3A_446 = %while3A_257) -> (i32)  : i32 {
        %mul3A_447 = arith.constant 16 : i32
        %mul3A_448 = arith.muli %while3A_445, %mul3A_447 : i32
        %add3A_449 = vector.broadcast %mul3A_448 : i32 to vector<16xi32>
        %add3A_450 = arith.addi %iota3A, %add3A_449 : vector<16xi32>
        %lt3A_451 = vector.broadcast %while3A_196 : i32 to vector<16xi32>
        %lt3A_452 = arith.cmpi slt, %add3A_450, %lt3A_451 : vector<16xi32>
        %mul3A_453 = arith.constant 16 : i32
        %mul3A_454 = arith.muli %while3A_445, %mul3A_453 : i32
        %get3A = arith.index_cast %mul3A_454 : i32 to index
        %get3A_455 = tpu.vector_load %arg10[%get3A] {strides = array<i32>} : memref<8208xi32, #tpu.memory_space<vmem>>, vector<16xi32>,
        %mul3A_456 = arith.constant 16 : i32
        %mul3A_457 = arith.muli %while3A_445, %mul3A_456 : i32
        %get3A_458 = arith.index_cast %mul3A_457 : i32 to index
        %get3A_459 = tpu.vector_load %arg11[%get3A_458] {strides = array<i32>} : memref<8208xi32, #tpu.memory_space<vmem>>, vector<16xi32>,
        %shift_right_arithmetic3A = vector.broadcast %max3A_200 : i32 to vector<16xi32>
        %shift_right_arithmetic3A_460 = arith.shrsi %get3A_455, %shift_right_arithmetic3A : vector<16xi32>
        %and3A_461 = vector.broadcast %while3A_255 : i32 to vector<16xi32>
        %and3A_462 = arith.andi %shift_right_arithmetic3A_460, %and3A_461 : vector<16xi32>
        %lt3A_463 = vector.broadcast %scan3A_251#1 : i32 to vector<16xi32>
        %lt3A_464 = arith.cmpi slt, %and3A_462, %lt3A_463 : vector<16xi32>
        %and3A_465 = arith.andi %lt3A_452, %lt3A_464 : vector<16xi1>
        tpu.vector_store_idx %arg7[%get3A_459], %broadcast_in_dim3A_4 masked %and3A_465 : memref<8192xi32, #tpu.memory_space<vmem>>[vector<16xi32>], vector<16xi32>, vector<16xi1>
        tpu.vector_store_idx %arg8[%get3A_459], %broadcast_in_dim3A_6 masked %and3A_465 : memref<8192xi32, #tpu.memory_space<vmem>>[vector<16xi32>], vector<16xi32>, vector<16xi1>
        %eq3A_466 = vector.broadcast %scan3A_251#1 : i32 to vector<16xi32>
        %eq3A_467 = arith.cmpi eq, %and3A_462, %eq3A_466 : vector<16xi32>
        %and3A_468 = arith.andi %lt3A_452, %eq3A_467 : vector<16xi1>
        %swap3A = arith.index_cast %while3A_446 : i32 to index
        %swap3A_469 = tpu.vector_load %arg12[%swap3A] masked %and3A_468 {strides = array<i32>} : memref<8208xi32, #tpu.memory_space<vmem>>, vector<16xi32>, vector<16xi1>
        tpu.vector_store %arg12[%swap3A], %get3A_455 masked %and3A_468 {strides = array<i32>} : memref<8208xi32, #tpu.memory_space<vmem>>, vector<16xi32>, vector<16xi1>
        %swap3A_470 = arith.index_cast %while3A_446 : i32 to index
        %swap3A_471 = tpu.vector_load %arg13[%swap3A_470] masked %and3A_468 {strides = array<i32>} : memref<8208xi32, #tpu.memory_space<vmem>>, vector<16xi32>, vector<16xi1>
        tpu.vector_store %arg13[%swap3A_470], %get3A_459 masked %and3A_468 {strides = array<i32>} : memref<8208xi32, #tpu.memory_space<vmem>>, vector<16xi32>, vector<16xi1>
        %jit3A_472 = arith.constant 1 : i32
        %jit3A_473 = arith.constant 0 : i32
        %broadcast_in_dim3A_474 = vector.broadcast %jit3A_472 : i32 to vector<16xi32>
        %broadcast_in_dim3A_475 = vector.broadcast %jit3A_473 : i32 to vector<16xi32>
        %select_n3A_476 = arith.select %and3A_468, %broadcast_in_dim3A_474, %broadcast_in_dim3A_475 : vector<16xi1>, vector<16xi32>
        %reduce_sum3A = arith.constant true
        %reduce_sum3A_477 = vector.broadcast %reduce_sum3A : i1 to vector<16xi1>
        %reduce_sum3A_478 = tpu.scan <sum>, %select_n3A_476 masked %reduce_sum3A_477 : vector<16xi32>, vector<16xi1> -> vector<16xi32>
        %reduce_sum3A_479 = vector.extract %reduce_sum3A_478[15] : i32 from vector<16xi32>
        %add3A_480 = arith.addi %while3A_446, %reduce_sum3A_479 : i32
        scf.yield %add3A_480 : i32
      }
      %while3A_266 = arith.constant 1 : i32
      %while3A_267 = scf.for %while3A_445 = %while3A_263 to %while3A_259 step %while3A_266 iter_args(%while3A_446 = %while3A_265) -> (i32)  : i32 {
        %mul3A_447 = arith.constant 16 : i32
        %mul3A_448 = arith.muli %while3A_445, %mul3A_447 : i32
        %add3A_449 = vector.broadcast %mul3A_448 : i32 to vector<16xi32>
        %add3A_450 = arith.addi %iota3A, %add3A_449 : vector<16xi32>
        %lt3A_451 = vector.broadcast %while3A_196 : i32 to vector<16xi32>
        %lt3A_452 = arith.cmpi slt, %add3A_450, %lt3A_451 : vector<16xi32>
        %mul3A_453 = arith.constant 16 : i32
        %mul3A_454 = arith.muli %while3A_445, %mul3A_453 : i32
        %get3A = arith.index_cast %mul3A_454 : i32 to index
        %get3A_455 = tpu.vector_load %arg10[%get3A] {strides = array<i32>} : memref<8208xi32, #tpu.memory_space<vmem>>, vector<16xi32>,
        %mul3A_456 = arith.constant 16 : i32
        %mul3A_457 = arith.muli %while3A_445, %mul3A_456 : i32
        %get3A_458 = arith.index_cast %mul3A_457 : i32 to index
        %get3A_459 = tpu.vector_load %arg11[%get3A_458] {strides = array<i32>} : memref<8208xi32, #tpu.memory_space<vmem>>, vector<16xi32>,
        %shift_right_arithmetic3A = vector.broadcast %max3A_200 : i32 to vector<16xi32>
        %shift_right_arithmetic3A_460 = arith.shrsi %get3A_455, %shift_right_arithmetic3A : vector<16xi32>
        %and3A_461 = vector.broadcast %while3A_255 : i32 to vector<16xi32>
        %and3A_462 = arith.andi %shift_right_arithmetic3A_460, %and3A_461 : vector<16xi32>
        %lt3A_463 = vector.broadcast %scan3A_251#1 : i32 to vector<16xi32>
        %lt3A_464 = arith.cmpi slt, %and3A_462, %lt3A_463 : vector<16xi32>
        %and3A_465 = arith.andi %lt3A_452, %lt3A_464 : vector<16xi1>
        tpu.vector_store_idx %arg7[%get3A_459], %broadcast_in_dim3A_4 masked %and3A_465 : memref<8192xi32, #tpu.memory_space<vmem>>[vector<16xi32>], vector<16xi32>, vector<16xi1>
        tpu.vector_store_idx %arg8[%get3A_459], %broadcast_in_dim3A_6 masked %and3A_465 : memref<8192xi32, #tpu.memory_space<vmem>>[vector<16xi32>], vector<16xi32>, vector<16xi1>
        %eq3A_466 = vector.broadcast %scan3A_251#1 : i32 to vector<16xi32>
        %eq3A_467 = arith.cmpi eq, %and3A_462, %eq3A_466 : vector<16xi32>
        %and3A_468 = arith.andi %lt3A_452, %eq3A_467 : vector<16xi1>
        %swap3A = arith.index_cast %while3A_446 : i32 to index
        %swap3A_469 = tpu.vector_load %arg12[%swap3A] masked %and3A_468 {strides = array<i32>} : memref<8208xi32, #tpu.memory_space<vmem>>, vector<16xi32>, vector<16xi1>
        tpu.vector_store %arg12[%swap3A], %get3A_455 masked %and3A_468 {strides = array<i32>} : memref<8208xi32, #tpu.memory_space<vmem>>, vector<16xi32>, vector<16xi1>
        %swap3A_470 = arith.index_cast %while3A_446 : i32 to index
        %swap3A_471 = tpu.vector_load %arg13[%swap3A_470] masked %and3A_468 {strides = array<i32>} : memref<8208xi32, #tpu.memory_space<vmem>>, vector<16xi32>, vector<16xi1>
        tpu.vector_store %arg13[%swap3A_470], %get3A_459 masked %and3A_468 {strides = array<i32>} : memref<8208xi32, #tpu.memory_space<vmem>>, vector<16xi32>, vector<16xi1>
        %jit3A_472 = arith.constant 1 : i32
        %jit3A_473 = arith.constant 0 : i32
        %broadcast_in_dim3A_474 = vector.broadcast %jit3A_472 : i32 to vector<16xi32>
        %broadcast_in_dim3A_475 = vector.broadcast %jit3A_473 : i32 to vector<16xi32>
        %select_n3A_476 = arith.select %and3A_468, %broadcast_in_dim3A_474, %broadcast_in_dim3A_475 : vector<16xi1>, vector<16xi32>
        %reduce_sum3A = arith.constant true
        %reduce_sum3A_477 = vector.broadcast %reduce_sum3A : i1 to vector<16xi1>
        %reduce_sum3A_478 = tpu.scan <sum>, %select_n3A_476 masked %reduce_sum3A_477 : vector<16xi32>, vector<16xi1> -> vector<16xi32>
        %reduce_sum3A_479 = vector.extract %reduce_sum3A_478[15] : i32 from vector<16xi32>
        %add3A_480 = arith.addi %while3A_446, %reduce_sum3A_479 : i32
        scf.yield %add3A_480 : i32
      }
      %add3A_268 = arith.constant 15 : i32
      %add3A_269 = arith.addi %while3A_267, %add3A_268 : i32
      %jit3A_270 = arith.constant 16 : i32
      %div3A_271 = arith.divsi %add3A_269, %jit3A_270 : i32
      %sign3A_272 = arith.constant 0 : i32
      %sign3A_273 = arith.cmpi sgt, %add3A_269, %sign3A_272 : i32
      %sign3A_274 = arith.extui %sign3A_273 : i1 to i32
      %sign3A_275 = arith.constant 0 : i32
      %sign3A_276 = arith.cmpi slt, %add3A_269, %sign3A_275 : i32
      %sign3A_277 = arith.extui %sign3A_276 : i1 to i32
      %sign3A_278 = arith.subi %sign3A_274, %sign3A_277 : i32
      %sign3A_279 = arith.constant 0 : i32
      %sign3A_280 = arith.cmpi sgt, %jit3A_270, %sign3A_279 : i32
      %sign3A_281 = arith.extui %sign3A_280 : i1 to i32
      %sign3A_282 = arith.constant 0 : i32
      %sign3A_283 = arith.cmpi slt, %jit3A_270, %sign3A_282 : i32
      %sign3A_284 = arith.extui %sign3A_283 : i1 to i32
      %sign3A_285 = arith.subi %sign3A_281, %sign3A_284 : i32
      %ne3A_286 = arith.cmpi ne, %sign3A_278, %sign3A_285 : i32
      %rem3A_287 = arith.remsi %add3A_269, %jit3A_270 : i32
      %ne3A_288 = arith.constant 0 : i32
      %ne3A_289 = arith.cmpi ne, %rem3A_287, %ne3A_288 : i32
      %and3A_290 = arith.andi %ne3A_286, %ne3A_289 : i1
      %sub3A_291 = arith.constant 1 : i32
      %sub3A_292 = arith.subi %div3A_271, %sub3A_291 : i32
      %select_n3A_293 = arith.select %and3A_290, %sub3A_292, %div3A_271 : i32
      %scan3A_294 = arith.constant 0 : i32
      %scan3A_295 = arith.constant 0 : i32
      %scan3A_296 = arith.constant 16 : i32
      %scan3A_297 = arith.addi %scan3A_295, %scan3A_296 : i32
      %scan3A_298 = arith.constant 1 : i32
      scf.for %scan3A_445 = %scan3A_295 to %scan3A_297 step %scan3A_298  : i32 {
        %mul3A_446 = arith.constant 16 : i32
        %mul3A_447 = arith.muli %scan3A_445, %mul3A_446 : i32
        %swap3A = arith.index_cast %mul3A_447 : i32 to index
        %swap3A_448 = tpu.vector_load %arg9[%swap3A] {strides = array<i32>} : memref<256xi32, #tpu.memory_space<vmem>>, vector<16xi32>,
        tpu.vector_store %arg9[%swap3A], %broadcast_in_dim3A_6 {strides = array<i32>} : memref<256xi32, #tpu.memory_space<vmem>>, vector<16xi32>,
      }
      %scan3A_299 = arith.constant 16 : i32
      %while3A_300 = arith.constant 0 : i32
      %while3A_301 = arith.constant 8 : i32
      %while3A_302 = arith.constant 255 : i32
      %while3A_303 = arith.constant 0 : i32
      %while3A_304 = arith.subi %select_n3A_293, %while3A_303 : i32
      %while3A_305 = arith.addi %while3A_303, %while3A_304 : i32
      %while3A_306 = arith.constant 1 : i32
      %while3A_307 = arith.divsi %while3A_304, %while3A_306 : i32
      %while3A_308 = arith.muli %while3A_307, %while3A_306 : i32
      %while3A_309 = arith.addi %while3A_303, %while3A_308 : i32
      %while3A_310 = arith.constant 1 : i32
      scf.for %while3A_445 = %while3A_303 to %while3A_309 step %while3A_310  : i32 {
        %mul3A_446 = arith.constant 16 : i32
        %mul3A_447 = arith.muli %while3A_445, %mul3A_446 : i32
        %add3A_448 = vector.broadcast %mul3A_447 : i32 to vector<16xi32>
        %add3A_449 = arith.addi %iota3A, %add3A_448 : vector<16xi32>
        %lt3A_450 = vector.broadcast %while3A_267 : i32 to vector<16xi32>
        %lt3A_451 = arith.cmpi slt, %add3A_449, %lt3A_450 : vector<16xi32>
        %mul3A_452 = arith.constant 16 : i32
        %mul3A_453 = arith.muli %while3A_445, %mul3A_452 : i32
        %get3A = arith.index_cast %mul3A_453 : i32 to index
        %get3A_454 = tpu.vector_load %arg13[%get3A] {strides = array<i32>} : memref<8208xi32, #tpu.memory_space<vmem>>, vector<16xi32>,
        %shift_right_arithmetic3A = vector.broadcast %while3A_301 : i32 to vector<16xi32>
        %shift_right_arithmetic3A_455 = arith.shrsi %get3A_454, %shift_right_arithmetic3A : vector<16xi32>
        %and3A_456 = vector.broadcast %while3A_302 : i32 to vector<16xi32>
        %and3A_457 = arith.andi %shift_right_arithmetic3A_455, %and3A_456 : vector<16xi32>
        tpu.vector_store_idx %arg9[%and3A_457], %broadcast_in_dim3A_4 masked %lt3A_451 {add = true} : memref<256xi32, #tpu.memory_space<vmem>>[vector<16xi32>], vector<16xi32>, vector<16xi1>
      }
      %while3A_311 = arith.constant 1 : i32
      scf.for %while3A_445 = %while3A_309 to %while3A_305 step %while3A_311  : i32 {
        %mul3A_446 = arith.constant 16 : i32
        %mul3A_447 = arith.muli %while3A_445, %mul3A_446 : i32
        %add3A_448 = vector.broadcast %mul3A_447 : i32 to vector<16xi32>
        %add3A_449 = arith.addi %iota3A, %add3A_448 : vector<16xi32>
        %lt3A_450 = vector.broadcast %while3A_267 : i32 to vector<16xi32>
        %lt3A_451 = arith.cmpi slt, %add3A_449, %lt3A_450 : vector<16xi32>
        %mul3A_452 = arith.constant 16 : i32
        %mul3A_453 = arith.muli %while3A_445, %mul3A_452 : i32
        %get3A = arith.index_cast %mul3A_453 : i32 to index
        %get3A_454 = tpu.vector_load %arg13[%get3A] {strides = array<i32>} : memref<8208xi32, #tpu.memory_space<vmem>>, vector<16xi32>,
        %shift_right_arithmetic3A = vector.broadcast %while3A_301 : i32 to vector<16xi32>
        %shift_right_arithmetic3A_455 = arith.shrsi %get3A_454, %shift_right_arithmetic3A : vector<16xi32>
        %and3A_456 = vector.broadcast %while3A_302 : i32 to vector<16xi32>
        %and3A_457 = arith.andi %shift_right_arithmetic3A_455, %and3A_456 : vector<16xi32>
        tpu.vector_store_idx %arg9[%and3A_457], %broadcast_in_dim3A_4 masked %lt3A_451 {add = true} : memref<256xi32, #tpu.memory_space<vmem>>[vector<16xi32>], vector<16xi32>, vector<16xi1>
      }
      %scan3A_312 = arith.constant 0 : i32
      %scan3A_313 = arith.constant 0 : i32
      %scan3A_314 = arith.constant 0 : i32
      %scan3A_315 = arith.constant 0 : i32
      %scan3A_316 = arith.constant 16 : i32
      %scan3A_317 = arith.addi %scan3A_315, %scan3A_316 : i32
      %scan3A_318 = arith.constant 1 : i32
      %scan3A_319:4 = scf.for %scan3A_445 = %scan3A_315 to %scan3A_317 step %scan3A_318 iter_args(%scan3A_446 = %scan3A_312, %scan3A_447 = %scan3A_313, %scan3A_448 = %scan3A_251#2, %scan3A_449 = %scan3A_314) -> (i32, i32, i32, i32)  : i32 {
        %mul3A_450 = arith.constant 16 : i32
        %mul3A_451 = arith.muli %scan3A_445, %mul3A_450 : i32
        %get3A = arith.index_cast %mul3A_451 : i32 to index
        %get3A_452 = tpu.vector_load %arg9[%get3A] {strides = array<i32>} : memref<256xi32, #tpu.memory_space<vmem>>, vector<16xi32>,
        %broadcast_in_dim3A_453 = arith.constant true
        %broadcast_in_dim3A_454 = vector.broadcast %broadcast_in_dim3A_453 : i1 to vector<16xi1>
        %masked_cumsum3A = tpu.scan <sum>, %get3A_452 masked %broadcast_in_dim3A_454 : vector<16xi32>, vector<16xi1> -> vector<16xi32>
        %add3A_455 = vector.broadcast %scan3A_446 : i32 to vector<16xi32>
        %add3A_456 = arith.addi %masked_cumsum3A, %add3A_455 : vector<16xi32>
        %ge3A = vector.broadcast %scan3A_251#2 : i32 to vector<16xi32>
        %ge3A_457 = arith.cmpi sge, %add3A_456, %ge3A : vector<16xi32>
        %jit3A_458 = arith.constant 1 : i32
        %jit3A_459 = arith.constant 0 : i32
        %broadcast_in_dim3A_460 = vector.broadcast %jit3A_458 : i32 to vector<16xi32>
        %broadcast_in_dim3A_461 = vector.broadcast %jit3A_459 : i32 to vector<16xi32>
        %select_n3A_462 = arith.select %ge3A_457, %broadcast_in_dim3A_460, %broadcast_in_dim3A_461 : vector<16xi1>, vector<16xi32>
        %reduce_sum3A = arith.constant true
        %reduce_sum3A_463 = vector.broadcast %reduce_sum3A : i1 to vector<16xi1>
        %reduce_sum3A_464 = tpu.scan <sum>, %select_n3A_462 masked %reduce_sum3A_463 : vector<16xi32>, vector<16xi1> -> vector<16xi32>
        %reduce_sum3A_465 = vector.extract %reduce_sum3A_464[15] : i32 from vector<16xi32>
        %sub3A_466 = arith.constant 1 : i32
        %sub3A_467 = vector.broadcast %sub3A_466 : i32 to vector<16xi32>
        %sub3A_468 = arith.subi %sub3A_467, %select_n3A_462 : vector<16xi32>
        %mul3A_469 = arith.muli %get3A_452, %sub3A_468 : vector<16xi32>
        %reduce_sum3A_470 = arith.constant true
        %reduce_sum3A_471 = vector.broadcast %reduce_sum3A_470 : i1 to vector<16xi1>
        %reduce_sum3A_472 = tpu.scan <sum>, %mul3A_469 masked %reduce_sum3A_471 : vector<16xi32>, vector<16xi1> -> vector<16xi32>
        %reduce_sum3A_473 = vector.extract %reduce_sum3A_472[15] : i32 from vector<16xi32>
        %sub3A_474 = arith.constant 1 : i32
        %sub3A_475 = arith.subi %sub3A_474, %scan3A_449 : i32
        %gt3A = arith.constant 0 : i32
        %gt3A_476 = arith.cmpi sgt, %reduce_sum3A_465, %gt3A : i32
        %jit3A_477 = arith.constant 1 : i32
        %jit3A_478 = arith.constant 0 : i32
        %select_n3A_479 = arith.select %gt3A_476, %jit3A_477, %jit3A_478 : i32
        %mul3A_480 = arith.muli %sub3A_475, %select_n3A_479 : i32
        %eq3A_481 = arith.constant 1 : i32
        %eq3A_482 = arith.cmpi eq, %mul3A_480, %eq3A_481 : i32
        %mul3A_483 = arith.constant 16 : i32
        %mul3A_484 = arith.muli %scan3A_445, %mul3A_483 : i32
        %sub3A_485 = arith.constant 16 : i32
        %sub3A_486 = arith.subi %sub3A_485, %reduce_sum3A_465 : i32
        %add3A_487 = arith.addi %mul3A_484, %sub3A_486 : i32
        %select_n3A_488 = arith.select %eq3A_482, %add3A_487, %scan3A_447 : i32
        %eq3A_489 = arith.constant 1 : i32
        %eq3A_490 = arith.cmpi eq, %mul3A_480, %eq3A_489 : i32
        %add3A_491 = arith.addi %scan3A_446, %reduce_sum3A_473 : i32
        %sub3A_492 = arith.subi %scan3A_251#2, %add3A_491 : i32
        %select_n3A_493 = arith.select %eq3A_490, %sub3A_492, %scan3A_448 : i32
        %or3A_494 = arith.ori %scan3A_449, %mul3A_480 : i32
        %reduce_sum3A_495 = arith.constant true
        %reduce_sum3A_496 = vector.broadcast %reduce_sum3A_495 : i1 to vector<16xi1>
        %reduce_sum3A_497 = tpu.scan <sum>, %get3A_452 masked %reduce_sum3A_496 : vector<16xi32>, vector<16xi1> -> vector<16xi32>
        %reduce_sum3A_498 = vector.extract %reduce_sum3A_497[15] : i32 from vector<16xi32>
        %add3A_499 = arith.addi %scan3A_446, %reduce_sum3A_498 : i32
        scf.yield %add3A_499, %select_n3A_488, %select_n3A_493, %or3A_494 : i32, i32, i32, i32
      }
      %scan3A_320 = arith.constant 16 : i32
      %shift_left3A_321 = arith.constant 8 : i32
      %shift_left3A_322 = arith.shli %scan3A_319#1, %shift_left3A_321 : i32
      %or3A_323 = arith.constant 0 : i32
      %or3A_324 = arith.ori %or3A_323, %shift_left3A_322 : i32
      %while3A_325 = arith.constant 8 : i32
      %while3A_326 = arith.constant 255 : i32
      %while3A_327 = arith.constant 0 : i32
      %while3A_328 = arith.constant 0 : i32
      %while3A_329 = arith.subi %select_n3A_293, %while3A_327 : i32
      %while3A_330 = arith.addi %while3A_327, %while3A_329 : i32
      %while3A_331 = arith.constant 1 : i32
      %while3A_332 = arith.divsi %while3A_329, %while3A_331 : i32
      %while3A_333 = arith.muli %while3A_332, %while3A_331 : i32
      %while3A_334 = arith.addi %while3A_327, %while3A_333 : i32
      %while3A_335 = arith.constant 1 : i32
      %while3A_336 = scf.for %while3A_445 = %while3A_327 to %while3A_334 step %while3A_335 iter_args(%while3A_446 = %while3A_328) -> (i32)  : i32 {
        %mul3A_447 = arith.constant 16 : i32
        %mul3A_448 = arith.muli %while3A_445, %mul3A_447 : i32
        %add3A_449 = vector.broadcast %mul3A_448 : i32 to vector<16xi32>
        %add3A_450 = arith.addi %iota3A, %add3A_449 : vector<16xi32>
        %lt3A_451 = vector.broadcast %while3A_267 : i32 to vector<16xi32>
        %lt3A_452 = arith.cmpi slt, %add3A_450, %lt3A_451 : vector<16xi32>
        %mul3A_453 = arith.constant 16 : i32
        %mul3A_454 = arith.muli %while3A_445, %mul3A_453 : i32
        %get3A = arith.index_cast %mul3A_454 : i32 to index
        %get3A_455 = tpu.vector_load %arg12[%get3A] {strides = array<i32>} : memref<8208xi32, #tpu.memory_space<vmem>>, vector<16xi32>,
        %mul3A_456 = arith.constant 16 : i32
        %mul3A_457 = arith.muli %while3A_445, %mul3A_456 : i32
        %get3A_458 = arith.index_cast %mul3A_457 : i32 to index
        %get3A_459 = tpu.vector_load %arg13[%get3A_458] {strides = array<i32>} : memref<8208xi32, #tpu.memory_space<vmem>>, vector<16xi32>,
        %shift_right_arithmetic3A = vector.broadcast %while3A_325 : i32 to vector<16xi32>
        %shift_right_arithmetic3A_460 = arith.shrsi %get3A_459, %shift_right_arithmetic3A : vector<16xi32>
        %and3A_461 = vector.broadcast %while3A_326 : i32 to vector<16xi32>
        %and3A_462 = arith.andi %shift_right_arithmetic3A_460, %and3A_461 : vector<16xi32>
        %lt3A_463 = vector.broadcast %scan3A_319#1 : i32 to vector<16xi32>
        %lt3A_464 = arith.cmpi slt, %and3A_462, %lt3A_463 : vector<16xi32>
        %and3A_465 = arith.andi %lt3A_452, %lt3A_464 : vector<16xi1>
        tpu.vector_store_idx %arg7[%get3A_459], %broadcast_in_dim3A_4 masked %and3A_465 : memref<8192xi32, #tpu.memory_space<vmem>>[vector<16xi32>], vector<16xi32>, vector<16xi1>
        tpu.vector_store_idx %arg8[%get3A_459], %broadcast_in_dim3A_6 masked %and3A_465 : memref<8192xi32, #tpu.memory_space<vmem>>[vector<16xi32>], vector<16xi32>, vector<16xi1>
        %eq3A_466 = vector.broadcast %scan3A_319#1 : i32 to vector<16xi32>
        %eq3A_467 = arith.cmpi eq, %and3A_462, %eq3A_466 : vector<16xi32>
        %and3A_468 = arith.andi %lt3A_452, %eq3A_467 : vector<16xi1>
        %swap3A = arith.index_cast %while3A_446 : i32 to index
        %swap3A_469 = tpu.vector_load %arg10[%swap3A] masked %and3A_468 {strides = array<i32>} : memref<8208xi32, #tpu.memory_space<vmem>>, vector<16xi32>, vector<16xi1>
        tpu.vector_store %arg10[%swap3A], %get3A_455 masked %and3A_468 {strides = array<i32>} : memref<8208xi32, #tpu.memory_space<vmem>>, vector<16xi32>, vector<16xi1>
        %swap3A_470 = arith.index_cast %while3A_446 : i32 to index
        %swap3A_471 = tpu.vector_load %arg11[%swap3A_470] masked %and3A_468 {strides = array<i32>} : memref<8208xi32, #tpu.memory_space<vmem>>, vector<16xi32>, vector<16xi1>
        tpu.vector_store %arg11[%swap3A_470], %get3A_459 masked %and3A_468 {strides = array<i32>} : memref<8208xi32, #tpu.memory_space<vmem>>, vector<16xi32>, vector<16xi1>
        %jit3A_472 = arith.constant 1 : i32
        %jit3A_473 = arith.constant 0 : i32
        %broadcast_in_dim3A_474 = vector.broadcast %jit3A_472 : i32 to vector<16xi32>
        %broadcast_in_dim3A_475 = vector.broadcast %jit3A_473 : i32 to vector<16xi32>
        %select_n3A_476 = arith.select %and3A_468, %broadcast_in_dim3A_474, %broadcast_in_dim3A_475 : vector<16xi1>, vector<16xi32>
        %reduce_sum3A = arith.constant true
        %reduce_sum3A_477 = vector.broadcast %reduce_sum3A : i1 to vector<16xi1>
        %reduce_sum3A_478 = tpu.scan <sum>, %select_n3A_476 masked %reduce_sum3A_477 : vector<16xi32>, vector<16xi1> -> vector<16xi32>
        %reduce_sum3A_479 = vector.extract %reduce_sum3A_478[15] : i32 from vector<16xi32>
        %add3A_480 = arith.addi %while3A_446, %reduce_sum3A_479 : i32
        scf.yield %add3A_480 : i32
      }
      %while3A_337 = arith.constant 1 : i32
      %while3A_338 = scf.for %while3A_445 = %while3A_334 to %while3A_330 step %while3A_337 iter_args(%while3A_446 = %while3A_336) -> (i32)  : i32 {
        %mul3A_447 = arith.constant 16 : i32
        %mul3A_448 = arith.muli %while3A_445, %mul3A_447 : i32
        %add3A_449 = vector.broadcast %mul3A_448 : i32 to vector<16xi32>
        %add3A_450 = arith.addi %iota3A, %add3A_449 : vector<16xi32>
        %lt3A_451 = vector.broadcast %while3A_267 : i32 to vector<16xi32>
        %lt3A_452 = arith.cmpi slt, %add3A_450, %lt3A_451 : vector<16xi32>
        %mul3A_453 = arith.constant 16 : i32
        %mul3A_454 = arith.muli %while3A_445, %mul3A_453 : i32
        %get3A = arith.index_cast %mul3A_454 : i32 to index
        %get3A_455 = tpu.vector_load %arg12[%get3A] {strides = array<i32>} : memref<8208xi32, #tpu.memory_space<vmem>>, vector<16xi32>,
        %mul3A_456 = arith.constant 16 : i32
        %mul3A_457 = arith.muli %while3A_445, %mul3A_456 : i32
        %get3A_458 = arith.index_cast %mul3A_457 : i32 to index
        %get3A_459 = tpu.vector_load %arg13[%get3A_458] {strides = array<i32>} : memref<8208xi32, #tpu.memory_space<vmem>>, vector<16xi32>,
        %shift_right_arithmetic3A = vector.broadcast %while3A_325 : i32 to vector<16xi32>
        %shift_right_arithmetic3A_460 = arith.shrsi %get3A_459, %shift_right_arithmetic3A : vector<16xi32>
        %and3A_461 = vector.broadcast %while3A_326 : i32 to vector<16xi32>
        %and3A_462 = arith.andi %shift_right_arithmetic3A_460, %and3A_461 : vector<16xi32>
        %lt3A_463 = vector.broadcast %scan3A_319#1 : i32 to vector<16xi32>
        %lt3A_464 = arith.cmpi slt, %and3A_462, %lt3A_463 : vector<16xi32>
        %and3A_465 = arith.andi %lt3A_452, %lt3A_464 : vector<16xi1>
        tpu.vector_store_idx %arg7[%get3A_459], %broadcast_in_dim3A_4 masked %and3A_465 : memref<8192xi32, #tpu.memory_space<vmem>>[vector<16xi32>], vector<16xi32>, vector<16xi1>
        tpu.vector_store_idx %arg8[%get3A_459], %broadcast_in_dim3A_6 masked %and3A_465 : memref<8192xi32, #tpu.memory_space<vmem>>[vector<16xi32>], vector<16xi32>, vector<16xi1>
        %eq3A_466 = vector.broadcast %scan3A_319#1 : i32 to vector<16xi32>
        %eq3A_467 = arith.cmpi eq, %and3A_462, %eq3A_466 : vector<16xi32>
        %and3A_468 = arith.andi %lt3A_452, %eq3A_467 : vector<16xi1>
        %swap3A = arith.index_cast %while3A_446 : i32 to index
        %swap3A_469 = tpu.vector_load %arg10[%swap3A] masked %and3A_468 {strides = array<i32>} : memref<8208xi32, #tpu.memory_space<vmem>>, vector<16xi32>, vector<16xi1>
        tpu.vector_store %arg10[%swap3A], %get3A_455 masked %and3A_468 {strides = array<i32>} : memref<8208xi32, #tpu.memory_space<vmem>>, vector<16xi32>, vector<16xi1>
        %swap3A_470 = arith.index_cast %while3A_446 : i32 to index
        %swap3A_471 = tpu.vector_load %arg11[%swap3A_470] masked %and3A_468 {strides = array<i32>} : memref<8208xi32, #tpu.memory_space<vmem>>, vector<16xi32>, vector<16xi1>
        tpu.vector_store %arg11[%swap3A_470], %get3A_459 masked %and3A_468 {strides = array<i32>} : memref<8208xi32, #tpu.memory_space<vmem>>, vector<16xi32>, vector<16xi1>
        %jit3A_472 = arith.constant 1 : i32
        %jit3A_473 = arith.constant 0 : i32
        %broadcast_in_dim3A_474 = vector.broadcast %jit3A_472 : i32 to vector<16xi32>
        %broadcast_in_dim3A_475 = vector.broadcast %jit3A_473 : i32 to vector<16xi32>
        %select_n3A_476 = arith.select %and3A_468, %broadcast_in_dim3A_474, %broadcast_in_dim3A_475 : vector<16xi1>, vector<16xi32>
        %reduce_sum3A = arith.constant true
        %reduce_sum3A_477 = vector.broadcast %reduce_sum3A : i1 to vector<16xi1>
        %reduce_sum3A_478 = tpu.scan <sum>, %select_n3A_476 masked %reduce_sum3A_477 : vector<16xi32>, vector<16xi1> -> vector<16xi32>
        %reduce_sum3A_479 = vector.extract %reduce_sum3A_478[15] : i32 from vector<16xi32>
        %add3A_480 = arith.addi %while3A_446, %reduce_sum3A_479 : i32
        scf.yield %add3A_480 : i32
      }
      %add3A_339 = arith.constant 15 : i32
      %add3A_340 = arith.addi %while3A_338, %add3A_339 : i32
      %jit3A_341 = arith.constant 16 : i32
      %div3A_342 = arith.divsi %add3A_340, %jit3A_341 : i32
      %sign3A_343 = arith.constant 0 : i32
      %sign3A_344 = arith.cmpi sgt, %add3A_340, %sign3A_343 : i32
      %sign3A_345 = arith.extui %sign3A_344 : i1 to i32
      %sign3A_346 = arith.constant 0 : i32
      %sign3A_347 = arith.cmpi slt, %add3A_340, %sign3A_346 : i32
      %sign3A_348 = arith.extui %sign3A_347 : i1 to i32
      %sign3A_349 = arith.subi %sign3A_345, %sign3A_348 : i32
      %sign3A_350 = arith.constant 0 : i32
      %sign3A_351 = arith.cmpi sgt, %jit3A_341, %sign3A_350 : i32
      %sign3A_352 = arith.extui %sign3A_351 : i1 to i32
      %sign3A_353 = arith.constant 0 : i32
      %sign3A_354 = arith.cmpi slt, %jit3A_341, %sign3A_353 : i32
      %sign3A_355 = arith.extui %sign3A_354 : i1 to i32
      %sign3A_356 = arith.subi %sign3A_352, %sign3A_355 : i32
      %ne3A_357 = arith.cmpi ne, %sign3A_349, %sign3A_356 : i32
      %rem3A_358 = arith.remsi %add3A_340, %jit3A_341 : i32
      %ne3A_359 = arith.constant 0 : i32
      %ne3A_360 = arith.cmpi ne, %rem3A_358, %ne3A_359 : i32
      %and3A_361 = arith.andi %ne3A_357, %ne3A_360 : i1
      %sub3A_362 = arith.constant 1 : i32
      %sub3A_363 = arith.subi %div3A_342, %sub3A_362 : i32
      %select_n3A_364 = arith.select %and3A_361, %sub3A_363, %div3A_342 : i32
      %scan3A_365 = arith.constant 0 : i32
      %scan3A_366 = arith.constant 0 : i32
      %scan3A_367 = arith.constant 16 : i32
      %scan3A_368 = arith.addi %scan3A_366, %scan3A_367 : i32
      %scan3A_369 = arith.constant 1 : i32
      scf.for %scan3A_445 = %scan3A_366 to %scan3A_368 step %scan3A_369  : i32 {
        %mul3A_446 = arith.constant 16 : i32
        %mul3A_447 = arith.muli %scan3A_445, %mul3A_446 : i32
        %swap3A = arith.index_cast %mul3A_447 : i32 to index
        %swap3A_448 = tpu.vector_load %arg9[%swap3A] {strides = array<i32>} : memref<256xi32, #tpu.memory_space<vmem>>, vector<16xi32>,
        tpu.vector_store %arg9[%swap3A], %broadcast_in_dim3A_6 {strides = array<i32>} : memref<256xi32, #tpu.memory_space<vmem>>, vector<16xi32>,
      }
      %scan3A_370 = arith.constant 16 : i32
      %while3A_371 = arith.constant 0 : i32
      %while3A_372 = arith.constant 0 : i32
      %while3A_373 = arith.constant 255 : i32
      %while3A_374 = arith.constant 0 : i32
      %while3A_375 = arith.subi %select_n3A_364, %while3A_374 : i32
      %while3A_376 = arith.addi %while3A_374, %while3A_375 : i32
      %while3A_377 = arith.constant 1 : i32
      %while3A_378 = arith.divsi %while3A_375, %while3A_377 : i32
      %while3A_379 = arith.muli %while3A_378, %while3A_377 : i32
      %while3A_380 = arith.addi %while3A_374, %while3A_379 : i32
      %while3A_381 = arith.constant 1 : i32
      scf.for %while3A_445 = %while3A_374 to %while3A_380 step %while3A_381  : i32 {
        %mul3A_446 = arith.constant 16 : i32
        %mul3A_447 = arith.muli %while3A_445, %mul3A_446 : i32
        %add3A_448 = vector.broadcast %mul3A_447 : i32 to vector<16xi32>
        %add3A_449 = arith.addi %iota3A, %add3A_448 : vector<16xi32>
        %lt3A_450 = vector.broadcast %while3A_338 : i32 to vector<16xi32>
        %lt3A_451 = arith.cmpi slt, %add3A_449, %lt3A_450 : vector<16xi32>
        %mul3A_452 = arith.constant 16 : i32
        %mul3A_453 = arith.muli %while3A_445, %mul3A_452 : i32
        %get3A = arith.index_cast %mul3A_453 : i32 to index
        %get3A_454 = tpu.vector_load %arg11[%get3A] {strides = array<i32>} : memref<8208xi32, #tpu.memory_space<vmem>>, vector<16xi32>,
        %shift_right_arithmetic3A = vector.broadcast %while3A_372 : i32 to vector<16xi32>
        %shift_right_arithmetic3A_455 = arith.shrsi %get3A_454, %shift_right_arithmetic3A : vector<16xi32>
        %and3A_456 = vector.broadcast %while3A_373 : i32 to vector<16xi32>
        %and3A_457 = arith.andi %shift_right_arithmetic3A_455, %and3A_456 : vector<16xi32>
        tpu.vector_store_idx %arg9[%and3A_457], %broadcast_in_dim3A_4 masked %lt3A_451 {add = true} : memref<256xi32, #tpu.memory_space<vmem>>[vector<16xi32>], vector<16xi32>, vector<16xi1>
      }
      %while3A_382 = arith.constant 1 : i32
      scf.for %while3A_445 = %while3A_380 to %while3A_376 step %while3A_382  : i32 {
        %mul3A_446 = arith.constant 16 : i32
        %mul3A_447 = arith.muli %while3A_445, %mul3A_446 : i32
        %add3A_448 = vector.broadcast %mul3A_447 : i32 to vector<16xi32>
        %add3A_449 = arith.addi %iota3A, %add3A_448 : vector<16xi32>
        %lt3A_450 = vector.broadcast %while3A_338 : i32 to vector<16xi32>
        %lt3A_451 = arith.cmpi slt, %add3A_449, %lt3A_450 : vector<16xi32>
        %mul3A_452 = arith.constant 16 : i32
        %mul3A_453 = arith.muli %while3A_445, %mul3A_452 : i32
        %get3A = arith.index_cast %mul3A_453 : i32 to index
        %get3A_454 = tpu.vector_load %arg11[%get3A] {strides = array<i32>} : memref<8208xi32, #tpu.memory_space<vmem>>, vector<16xi32>,
        %shift_right_arithmetic3A = vector.broadcast %while3A_372 : i32 to vector<16xi32>
        %shift_right_arithmetic3A_455 = arith.shrsi %get3A_454, %shift_right_arithmetic3A : vector<16xi32>
        %and3A_456 = vector.broadcast %while3A_373 : i32 to vector<16xi32>
        %and3A_457 = arith.andi %shift_right_arithmetic3A_455, %and3A_456 : vector<16xi32>
        tpu.vector_store_idx %arg9[%and3A_457], %broadcast_in_dim3A_4 masked %lt3A_451 {add = true} : memref<256xi32, #tpu.memory_space<vmem>>[vector<16xi32>], vector<16xi32>, vector<16xi1>
      }
      %scan3A_383 = arith.constant 0 : i32
      %scan3A_384 = arith.constant 0 : i32
      %scan3A_385 = arith.constant 0 : i32
      %scan3A_386 = arith.constant 0 : i32
      %scan3A_387 = arith.constant 16 : i32
      %scan3A_388 = arith.addi %scan3A_386, %scan3A_387 : i32
      %scan3A_389 = arith.constant 1 : i32
      %scan3A_390:4 = scf.for %scan3A_445 = %scan3A_386 to %scan3A_388 step %scan3A_389 iter_args(%scan3A_446 = %scan3A_383, %scan3A_447 = %scan3A_384, %scan3A_448 = %scan3A_319#2, %scan3A_449 = %scan3A_385) -> (i32, i32, i32, i32)  : i32 {
        %mul3A_450 = arith.constant 16 : i32
        %mul3A_451 = arith.muli %scan3A_445, %mul3A_450 : i32
        %get3A = arith.index_cast %mul3A_451 : i32 to index
        %get3A_452 = tpu.vector_load %arg9[%get3A] {strides = array<i32>} : memref<256xi32, #tpu.memory_space<vmem>>, vector<16xi32>,
        %broadcast_in_dim3A_453 = arith.constant true
        %broadcast_in_dim3A_454 = vector.broadcast %broadcast_in_dim3A_453 : i1 to vector<16xi1>
        %masked_cumsum3A = tpu.scan <sum>, %get3A_452 masked %broadcast_in_dim3A_454 : vector<16xi32>, vector<16xi1> -> vector<16xi32>
        %add3A_455 = vector.broadcast %scan3A_446 : i32 to vector<16xi32>
        %add3A_456 = arith.addi %masked_cumsum3A, %add3A_455 : vector<16xi32>
        %ge3A = vector.broadcast %scan3A_319#2 : i32 to vector<16xi32>
        %ge3A_457 = arith.cmpi sge, %add3A_456, %ge3A : vector<16xi32>
        %jit3A_458 = arith.constant 1 : i32
        %jit3A_459 = arith.constant 0 : i32
        %broadcast_in_dim3A_460 = vector.broadcast %jit3A_458 : i32 to vector<16xi32>
        %broadcast_in_dim3A_461 = vector.broadcast %jit3A_459 : i32 to vector<16xi32>
        %select_n3A_462 = arith.select %ge3A_457, %broadcast_in_dim3A_460, %broadcast_in_dim3A_461 : vector<16xi1>, vector<16xi32>
        %reduce_sum3A = arith.constant true
        %reduce_sum3A_463 = vector.broadcast %reduce_sum3A : i1 to vector<16xi1>
        %reduce_sum3A_464 = tpu.scan <sum>, %select_n3A_462 masked %reduce_sum3A_463 : vector<16xi32>, vector<16xi1> -> vector<16xi32>
        %reduce_sum3A_465 = vector.extract %reduce_sum3A_464[15] : i32 from vector<16xi32>
        %sub3A_466 = arith.constant 1 : i32
        %sub3A_467 = vector.broadcast %sub3A_466 : i32 to vector<16xi32>
        %sub3A_468 = arith.subi %sub3A_467, %select_n3A_462 : vector<16xi32>
        %mul3A_469 = arith.muli %get3A_452, %sub3A_468 : vector<16xi32>
        %reduce_sum3A_470 = arith.constant true
        %reduce_sum3A_471 = vector.broadcast %reduce_sum3A_470 : i1 to vector<16xi1>
        %reduce_sum3A_472 = tpu.scan <sum>, %mul3A_469 masked %reduce_sum3A_471 : vector<16xi32>, vector<16xi1> -> vector<16xi32>
        %reduce_sum3A_473 = vector.extract %reduce_sum3A_472[15] : i32 from vector<16xi32>
        %sub3A_474 = arith.constant 1 : i32
        %sub3A_475 = arith.subi %sub3A_474, %scan3A_449 : i32
        %gt3A = arith.constant 0 : i32
        %gt3A_476 = arith.cmpi sgt, %reduce_sum3A_465, %gt3A : i32
        %jit3A_477 = arith.constant 1 : i32
        %jit3A_478 = arith.constant 0 : i32
        %select_n3A_479 = arith.select %gt3A_476, %jit3A_477, %jit3A_478 : i32
        %mul3A_480 = arith.muli %sub3A_475, %select_n3A_479 : i32
        %eq3A_481 = arith.constant 1 : i32
        %eq3A_482 = arith.cmpi eq, %mul3A_480, %eq3A_481 : i32
        %mul3A_483 = arith.constant 16 : i32
        %mul3A_484 = arith.muli %scan3A_445, %mul3A_483 : i32
        %sub3A_485 = arith.constant 16 : i32
        %sub3A_486 = arith.subi %sub3A_485, %reduce_sum3A_465 : i32
        %add3A_487 = arith.addi %mul3A_484, %sub3A_486 : i32
        %select_n3A_488 = arith.select %eq3A_482, %add3A_487, %scan3A_447 : i32
        %eq3A_489 = arith.constant 1 : i32
        %eq3A_490 = arith.cmpi eq, %mul3A_480, %eq3A_489 : i32
        %add3A_491 = arith.addi %scan3A_446, %reduce_sum3A_473 : i32
        %sub3A_492 = arith.subi %scan3A_319#2, %add3A_491 : i32
        %select_n3A_493 = arith.select %eq3A_490, %sub3A_492, %scan3A_448 : i32
        %or3A_494 = arith.ori %scan3A_449, %mul3A_480 : i32
        %reduce_sum3A_495 = arith.constant true
        %reduce_sum3A_496 = vector.broadcast %reduce_sum3A_495 : i1 to vector<16xi1>
        %reduce_sum3A_497 = tpu.scan <sum>, %get3A_452 masked %reduce_sum3A_496 : vector<16xi32>, vector<16xi1> -> vector<16xi32>
        %reduce_sum3A_498 = vector.extract %reduce_sum3A_497[15] : i32 from vector<16xi32>
        %add3A_499 = arith.addi %scan3A_446, %reduce_sum3A_498 : i32
        scf.yield %add3A_499, %select_n3A_488, %select_n3A_493, %or3A_494 : i32, i32, i32, i32
      }
      %scan3A_391 = arith.constant 16 : i32
      %shift_left3A_392 = arith.constant 0 : i32
      %shift_left3A_393 = arith.shli %scan3A_390#1, %shift_left3A_392 : i32
      %or3A_394 = arith.ori %or3A_324, %shift_left3A_393 : i32
      %while3A_395 = arith.constant 0 : i32
      %while3A_396 = arith.constant 255 : i32
      %while3A_397 = arith.constant 0 : i32
      %while3A_398 = arith.constant 0 : i32
      %while3A_399 = arith.subi %select_n3A_364, %while3A_397 : i32
      %while3A_400 = arith.addi %while3A_397, %while3A_399 : i32
      %while3A_401 = arith.constant 1 : i32
      %while3A_402 = arith.divsi %while3A_399, %while3A_401 : i32
      %while3A_403 = arith.muli %while3A_402, %while3A_401 : i32
      %while3A_404 = arith.addi %while3A_397, %while3A_403 : i32
      %while3A_405 = arith.constant 1 : i32
      %while3A_406 = scf.for %while3A_445 = %while3A_397 to %while3A_404 step %while3A_405 iter_args(%while3A_446 = %while3A_398) -> (i32)  : i32 {
        %mul3A_447 = arith.constant 16 : i32
        %mul3A_448 = arith.muli %while3A_445, %mul3A_447 : i32
        %add3A_449 = vector.broadcast %mul3A_448 : i32 to vector<16xi32>
        %add3A_450 = arith.addi %iota3A, %add3A_449 : vector<16xi32>
        %lt3A_451 = vector.broadcast %while3A_338 : i32 to vector<16xi32>
        %lt3A_452 = arith.cmpi slt, %add3A_450, %lt3A_451 : vector<16xi32>
        %mul3A_453 = arith.constant 16 : i32
        %mul3A_454 = arith.muli %while3A_445, %mul3A_453 : i32
        %get3A = arith.index_cast %mul3A_454 : i32 to index
        %get3A_455 = tpu.vector_load %arg10[%get3A] {strides = array<i32>} : memref<8208xi32, #tpu.memory_space<vmem>>, vector<16xi32>,
        %mul3A_456 = arith.constant 16 : i32
        %mul3A_457 = arith.muli %while3A_445, %mul3A_456 : i32
        %get3A_458 = arith.index_cast %mul3A_457 : i32 to index
        %get3A_459 = tpu.vector_load %arg11[%get3A_458] {strides = array<i32>} : memref<8208xi32, #tpu.memory_space<vmem>>, vector<16xi32>,
        %shift_right_arithmetic3A = vector.broadcast %while3A_395 : i32 to vector<16xi32>
        %shift_right_arithmetic3A_460 = arith.shrsi %get3A_459, %shift_right_arithmetic3A : vector<16xi32>
        %and3A_461 = vector.broadcast %while3A_396 : i32 to vector<16xi32>
        %and3A_462 = arith.andi %shift_right_arithmetic3A_460, %and3A_461 : vector<16xi32>
        %lt3A_463 = vector.broadcast %scan3A_390#1 : i32 to vector<16xi32>
        %lt3A_464 = arith.cmpi slt, %and3A_462, %lt3A_463 : vector<16xi32>
        %and3A_465 = arith.andi %lt3A_452, %lt3A_464 : vector<16xi1>
        tpu.vector_store_idx %arg7[%get3A_459], %broadcast_in_dim3A_4 masked %and3A_465 : memref<8192xi32, #tpu.memory_space<vmem>>[vector<16xi32>], vector<16xi32>, vector<16xi1>
        tpu.vector_store_idx %arg8[%get3A_459], %broadcast_in_dim3A_6 masked %and3A_465 : memref<8192xi32, #tpu.memory_space<vmem>>[vector<16xi32>], vector<16xi32>, vector<16xi1>
        %eq3A_466 = vector.broadcast %scan3A_390#1 : i32 to vector<16xi32>
        %eq3A_467 = arith.cmpi eq, %and3A_462, %eq3A_466 : vector<16xi32>
        %and3A_468 = arith.andi %lt3A_452, %eq3A_467 : vector<16xi1>
        %swap3A = arith.index_cast %while3A_446 : i32 to index
        %swap3A_469 = tpu.vector_load %arg12[%swap3A] masked %and3A_468 {strides = array<i32>} : memref<8208xi32, #tpu.memory_space<vmem>>, vector<16xi32>, vector<16xi1>
        tpu.vector_store %arg12[%swap3A], %get3A_455 masked %and3A_468 {strides = array<i32>} : memref<8208xi32, #tpu.memory_space<vmem>>, vector<16xi32>, vector<16xi1>
        %swap3A_470 = arith.index_cast %while3A_446 : i32 to index
        %swap3A_471 = tpu.vector_load %arg13[%swap3A_470] masked %and3A_468 {strides = array<i32>} : memref<8208xi32, #tpu.memory_space<vmem>>, vector<16xi32>, vector<16xi1>
        tpu.vector_store %arg13[%swap3A_470], %get3A_459 masked %and3A_468 {strides = array<i32>} : memref<8208xi32, #tpu.memory_space<vmem>>, vector<16xi32>, vector<16xi1>
        %jit3A_472 = arith.constant 1 : i32
        %jit3A_473 = arith.constant 0 : i32
        %broadcast_in_dim3A_474 = vector.broadcast %jit3A_472 : i32 to vector<16xi32>
        %broadcast_in_dim3A_475 = vector.broadcast %jit3A_473 : i32 to vector<16xi32>
        %select_n3A_476 = arith.select %and3A_468, %broadcast_in_dim3A_474, %broadcast_in_dim3A_475 : vector<16xi1>, vector<16xi32>
        %reduce_sum3A = arith.constant true
        %reduce_sum3A_477 = vector.broadcast %reduce_sum3A : i1 to vector<16xi1>
        %reduce_sum3A_478 = tpu.scan <sum>, %select_n3A_476 masked %reduce_sum3A_477 : vector<16xi32>, vector<16xi1> -> vector<16xi32>
        %reduce_sum3A_479 = vector.extract %reduce_sum3A_478[15] : i32 from vector<16xi32>
        %add3A_480 = arith.addi %while3A_446, %reduce_sum3A_479 : i32
        scf.yield %add3A_480 : i32
      }
      %while3A_407 = arith.constant 1 : i32
      %while3A_408 = scf.for %while3A_445 = %while3A_404 to %while3A_400 step %while3A_407 iter_args(%while3A_446 = %while3A_406) -> (i32)  : i32 {
        %mul3A_447 = arith.constant 16 : i32
        %mul3A_448 = arith.muli %while3A_445, %mul3A_447 : i32
        %add3A_449 = vector.broadcast %mul3A_448 : i32 to vector<16xi32>
        %add3A_450 = arith.addi %iota3A, %add3A_449 : vector<16xi32>
        %lt3A_451 = vector.broadcast %while3A_338 : i32 to vector<16xi32>
        %lt3A_452 = arith.cmpi slt, %add3A_450, %lt3A_451 : vector<16xi32>
        %mul3A_453 = arith.constant 16 : i32
        %mul3A_454 = arith.muli %while3A_445, %mul3A_453 : i32
        %get3A = arith.index_cast %mul3A_454 : i32 to index
        %get3A_455 = tpu.vector_load %arg10[%get3A] {strides = array<i32>} : memref<8208xi32, #tpu.memory_space<vmem>>, vector<16xi32>,
        %mul3A_456 = arith.constant 16 : i32
        %mul3A_457 = arith.muli %while3A_445, %mul3A_456 : i32
        %get3A_458 = arith.index_cast %mul3A_457 : i32 to index
        %get3A_459 = tpu.vector_load %arg11[%get3A_458] {strides = array<i32>} : memref<8208xi32, #tpu.memory_space<vmem>>, vector<16xi32>,
        %shift_right_arithmetic3A = vector.broadcast %while3A_395 : i32 to vector<16xi32>
        %shift_right_arithmetic3A_460 = arith.shrsi %get3A_459, %shift_right_arithmetic3A : vector<16xi32>
        %and3A_461 = vector.broadcast %while3A_396 : i32 to vector<16xi32>
        %and3A_462 = arith.andi %shift_right_arithmetic3A_460, %and3A_461 : vector<16xi32>
        %lt3A_463 = vector.broadcast %scan3A_390#1 : i32 to vector<16xi32>
        %lt3A_464 = arith.cmpi slt, %and3A_462, %lt3A_463 : vector<16xi32>
        %and3A_465 = arith.andi %lt3A_452, %lt3A_464 : vector<16xi1>
        tpu.vector_store_idx %arg7[%get3A_459], %broadcast_in_dim3A_4 masked %and3A_465 : memref<8192xi32, #tpu.memory_space<vmem>>[vector<16xi32>], vector<16xi32>, vector<16xi1>
        tpu.vector_store_idx %arg8[%get3A_459], %broadcast_in_dim3A_6 masked %and3A_465 : memref<8192xi32, #tpu.memory_space<vmem>>[vector<16xi32>], vector<16xi32>, vector<16xi1>
        %eq3A_466 = vector.broadcast %scan3A_390#1 : i32 to vector<16xi32>
        %eq3A_467 = arith.cmpi eq, %and3A_462, %eq3A_466 : vector<16xi32>
        %and3A_468 = arith.andi %lt3A_452, %eq3A_467 : vector<16xi1>
        %swap3A = arith.index_cast %while3A_446 : i32 to index
        %swap3A_469 = tpu.vector_load %arg12[%swap3A] masked %and3A_468 {strides = array<i32>} : memref<8208xi32, #tpu.memory_space<vmem>>, vector<16xi32>, vector<16xi1>
        tpu.vector_store %arg12[%swap3A], %get3A_455 masked %and3A_468 {strides = array<i32>} : memref<8208xi32, #tpu.memory_space<vmem>>, vector<16xi32>, vector<16xi1>
        %swap3A_470 = arith.index_cast %while3A_446 : i32 to index
        %swap3A_471 = tpu.vector_load %arg13[%swap3A_470] masked %and3A_468 {strides = array<i32>} : memref<8208xi32, #tpu.memory_space<vmem>>, vector<16xi32>, vector<16xi1>
        tpu.vector_store %arg13[%swap3A_470], %get3A_459 masked %and3A_468 {strides = array<i32>} : memref<8208xi32, #tpu.memory_space<vmem>>, vector<16xi32>, vector<16xi1>
        %jit3A_472 = arith.constant 1 : i32
        %jit3A_473 = arith.constant 0 : i32
        %broadcast_in_dim3A_474 = vector.broadcast %jit3A_472 : i32 to vector<16xi32>
        %broadcast_in_dim3A_475 = vector.broadcast %jit3A_473 : i32 to vector<16xi32>
        %select_n3A_476 = arith.select %and3A_468, %broadcast_in_dim3A_474, %broadcast_in_dim3A_475 : vector<16xi1>, vector<16xi32>
        %reduce_sum3A = arith.constant true
        %reduce_sum3A_477 = vector.broadcast %reduce_sum3A : i1 to vector<16xi1>
        %reduce_sum3A_478 = tpu.scan <sum>, %select_n3A_476 masked %reduce_sum3A_477 : vector<16xi32>, vector<16xi1> -> vector<16xi32>
        %reduce_sum3A_479 = vector.extract %reduce_sum3A_478[15] : i32 from vector<16xi32>
        %add3A_480 = arith.addi %while3A_446, %reduce_sum3A_479 : i32
        scf.yield %add3A_480 : i32
      }
      %add3A_409 = arith.constant 15 : i32
      %add3A_410 = arith.addi %while3A_408, %add3A_409 : i32
      %jit3A_411 = arith.constant 16 : i32
      %div3A_412 = arith.divsi %add3A_410, %jit3A_411 : i32
      %sign3A_413 = arith.constant 0 : i32
      %sign3A_414 = arith.cmpi sgt, %add3A_410, %sign3A_413 : i32
      %sign3A_415 = arith.extui %sign3A_414 : i1 to i32
      %sign3A_416 = arith.constant 0 : i32
      %sign3A_417 = arith.cmpi slt, %add3A_410, %sign3A_416 : i32
      %sign3A_418 = arith.extui %sign3A_417 : i1 to i32
      %sign3A_419 = arith.subi %sign3A_415, %sign3A_418 : i32
      %sign3A_420 = arith.constant 0 : i32
      %sign3A_421 = arith.cmpi sgt, %jit3A_411, %sign3A_420 : i32
      %sign3A_422 = arith.extui %sign3A_421 : i1 to i32
      %sign3A_423 = arith.constant 0 : i32
      %sign3A_424 = arith.cmpi slt, %jit3A_411, %sign3A_423 : i32
      %sign3A_425 = arith.extui %sign3A_424 : i1 to i32
      %sign3A_426 = arith.subi %sign3A_422, %sign3A_425 : i32
      %ne3A_427 = arith.cmpi ne, %sign3A_419, %sign3A_426 : i32
      %rem3A_428 = arith.remsi %add3A_410, %jit3A_411 : i32
      %ne3A_429 = arith.constant 0 : i32
      %ne3A_430 = arith.cmpi ne, %rem3A_428, %ne3A_429 : i32
      %and3A_431 = arith.andi %ne3A_427, %ne3A_430 : i1
      %sub3A_432 = arith.constant 1 : i32
      %sub3A_433 = arith.subi %div3A_412, %sub3A_432 : i32
      %select_n3A_434 = arith.select %and3A_431, %sub3A_433, %div3A_412 : i32
      %while3A_435 = arith.constant 0 : i32
      %while3A_436 = arith.constant 0 : i32
      %while3A_437 = arith.subi %select_n3A_434, %while3A_436 : i32
      %while3A_438 = arith.addi %while3A_436, %while3A_437 : i32
      %while3A_439 = arith.constant 1 : i32
      %while3A_440 = arith.divsi %while3A_437, %while3A_439 : i32
      %while3A_441 = arith.muli %while3A_440, %while3A_439 : i32
      %while3A_442 = arith.addi %while3A_436, %while3A_441 : i32
      %while3A_443 = arith.constant 1 : i32
      scf.for %while3A_445 = %while3A_436 to %while3A_442 step %while3A_443  : i32 {
        %mul3A_446 = arith.constant 16 : i32
        %mul3A_447 = arith.muli %while3A_445, %mul3A_446 : i32
        %add3A_448 = vector.broadcast %mul3A_447 : i32 to vector<16xi32>
        %add3A_449 = arith.addi %iota3A, %add3A_448 : vector<16xi32>
        %lt3A_450 = vector.broadcast %while3A_408 : i32 to vector<16xi32>
        %lt3A_451 = arith.cmpi slt, %add3A_449, %lt3A_450 : vector<16xi32>
        %mul3A_452 = arith.constant 16 : i32
        %mul3A_453 = arith.muli %while3A_445, %mul3A_452 : i32
        %get3A = arith.index_cast %mul3A_453 : i32 to index
        %get3A_454 = tpu.vector_load %arg13[%get3A] {strides = array<i32>} : memref<8208xi32, #tpu.memory_space<vmem>>, vector<16xi32>,
        %le3A = vector.broadcast %or3A_394 : i32 to vector<16xi32>
        %le3A_455 = arith.cmpi sle, %get3A_454, %le3A : vector<16xi32>
        %and3A_456 = arith.andi %lt3A_451, %le3A_455 : vector<16xi1>
        tpu.vector_store_idx %arg7[%get3A_454], %broadcast_in_dim3A_4 masked %and3A_456 : memref<8192xi32, #tpu.memory_space<vmem>>[vector<16xi32>], vector<16xi32>, vector<16xi1>
        tpu.vector_store_idx %arg8[%get3A_454], %broadcast_in_dim3A_6 masked %and3A_456 : memref<8192xi32, #tpu.memory_space<vmem>>[vector<16xi32>], vector<16xi32>, vector<16xi1>
      }
      %while3A_444 = arith.constant 1 : i32
      scf.for %while3A_445 = %while3A_442 to %while3A_438 step %while3A_444  : i32 {
        %mul3A_446 = arith.constant 16 : i32
        %mul3A_447 = arith.muli %while3A_445, %mul3A_446 : i32
        %add3A_448 = vector.broadcast %mul3A_447 : i32 to vector<16xi32>
        %add3A_449 = arith.addi %iota3A, %add3A_448 : vector<16xi32>
        %lt3A_450 = vector.broadcast %while3A_408 : i32 to vector<16xi32>
        %lt3A_451 = arith.cmpi slt, %add3A_449, %lt3A_450 : vector<16xi32>
        %mul3A_452 = arith.constant 16 : i32
        %mul3A_453 = arith.muli %while3A_445, %mul3A_452 : i32
        %get3A = arith.index_cast %mul3A_453 : i32 to index
        %get3A_454 = tpu.vector_load %arg13[%get3A] {strides = array<i32>} : memref<8208xi32, #tpu.memory_space<vmem>>, vector<16xi32>,
        %le3A = vector.broadcast %or3A_394 : i32 to vector<16xi32>
        %le3A_455 = arith.cmpi sle, %get3A_454, %le3A : vector<16xi32>
        %and3A_456 = arith.andi %lt3A_451, %le3A_455 : vector<16xi1>
        tpu.vector_store_idx %arg7[%get3A_454], %broadcast_in_dim3A_4 masked %and3A_456 : memref<8192xi32, #tpu.memory_space<vmem>>[vector<16xi32>], vector<16xi32>, vector<16xi1>
        tpu.vector_store_idx %arg8[%get3A_454], %broadcast_in_dim3A_6 masked %and3A_456 : memref<8192xi32, #tpu.memory_space<vmem>>[vector<16xi32>], vector<16xi32>, vector<16xi1>
      }
      "tpu.region"() ({
        %run_scoped3A = tpu.sem_alloc : memref<!tpu.dma_semaphore, #tpu.memory_space<semaphore_mem>>
        %dma_start3A = arith.constant 0 : i32
        %dma_start3A_445 = tpu.memref_slice %arg3[%add3A, %dma_start3A] : memref<4x8192xi32, #tpu.memory_space<hbm>> -> memref<1x8192xi32, #tpu.memory_space<hbm>>
        %dma_start3A_446 = tpu.memref_squeeze %dma_start3A_445 : memref<1x8192xi32, #tpu.memory_space<hbm>> -> memref<8192xi32, #tpu.memory_space<hbm>>
        %dma_start3A_447 = arith.constant 0 : i32
        %dma_start3A_448 = tpu.memref_slice %arg3[%add3A, %dma_start3A_447] : memref<4x8192xi32, #tpu.memory_space<hbm>> -> memref<1x8192xi32, #tpu.memory_space<hbm>>
        %dma_start3A_449 = tpu.memref_squeeze %dma_start3A_448 : memref<1x8192xi32, #tpu.memory_space<hbm>> -> memref<8192xi32, #tpu.memory_space<hbm>>
        tpu.enqueue_dma source(%arg7 : memref<8192xi32, #tpu.memory_space<vmem>>) target(%dma_start3A_449 : memref<8192xi32, #tpu.memory_space<hbm>>) target_semaphore(%run_scoped3A : memref<!tpu.dma_semaphore, #tpu.memory_space<semaphore_mem>>)
        %dma_wait3A = arith.constant 0 : i32
        %dma_wait3A_450 = tpu.memref_slice %arg3[%add3A, %dma_wait3A] : memref<4x8192xi32, #tpu.memory_space<hbm>> -> memref<1x8192xi32, #tpu.memory_space<hbm>>
        %dma_wait3A_451 = tpu.memref_squeeze %dma_wait3A_450 : memref<1x8192xi32, #tpu.memory_space<hbm>> -> memref<8192xi32, #tpu.memory_space<hbm>>
        %dma_wait3A_452 = arith.constant 0 : i32
        %dma_wait3A_453 = tpu.memref_slice %arg3[%add3A, %dma_wait3A_452] : memref<4x8192xi32, #tpu.memory_space<hbm>> -> memref<1x8192xi32, #tpu.memory_space<hbm>>
        %dma_wait3A_454 = tpu.memref_squeeze %dma_wait3A_453 : memref<1x8192xi32, #tpu.memory_space<hbm>> -> memref<8192xi32, #tpu.memory_space<hbm>>
        tpu.wait_dma2 semaphore(%run_scoped3A : memref<!tpu.dma_semaphore, #tpu.memory_space<semaphore_mem>>) src(%arg7 : memref<8192xi32, #tpu.memory_space<vmem>>) dst(%dma_wait3A_454 : memref<8192xi32, #tpu.memory_space<hbm>>)
        tpu.yield
      }) : () -> ()
      "tpu.region"() ({
        %run_scoped3A = tpu.sem_alloc : memref<!tpu.dma_semaphore, #tpu.memory_space<semaphore_mem>>
        %dma_start3A = arith.constant 0 : i32
        %dma_start3A_445 = tpu.memref_slice %arg4[%add3A, %dma_start3A] : memref<4x8192xi32, #tpu.memory_space<hbm>> -> memref<1x8192xi32, #tpu.memory_space<hbm>>
        %dma_start3A_446 = tpu.memref_squeeze %dma_start3A_445 : memref<1x8192xi32, #tpu.memory_space<hbm>> -> memref<8192xi32, #tpu.memory_space<hbm>>
        %dma_start3A_447 = arith.constant 0 : i32
        %dma_start3A_448 = tpu.memref_slice %arg4[%add3A, %dma_start3A_447] : memref<4x8192xi32, #tpu.memory_space<hbm>> -> memref<1x8192xi32, #tpu.memory_space<hbm>>
        %dma_start3A_449 = tpu.memref_squeeze %dma_start3A_448 : memref<1x8192xi32, #tpu.memory_space<hbm>> -> memref<8192xi32, #tpu.memory_space<hbm>>
        tpu.enqueue_dma source(%arg8 : memref<8192xi32, #tpu.memory_space<vmem>>) target(%dma_start3A_449 : memref<8192xi32, #tpu.memory_space<hbm>>) target_semaphore(%run_scoped3A : memref<!tpu.dma_semaphore, #tpu.memory_space<semaphore_mem>>)
        %dma_wait3A = arith.constant 0 : i32
        %dma_wait3A_450 = tpu.memref_slice %arg4[%add3A, %dma_wait3A] : memref<4x8192xi32, #tpu.memory_space<hbm>> -> memref<1x8192xi32, #tpu.memory_space<hbm>>
        %dma_wait3A_451 = tpu.memref_squeeze %dma_wait3A_450 : memref<1x8192xi32, #tpu.memory_space<hbm>> -> memref<8192xi32, #tpu.memory_space<hbm>>
        %dma_wait3A_452 = arith.constant 0 : i32
        %dma_wait3A_453 = tpu.memref_slice %arg4[%add3A, %dma_wait3A_452] : memref<4x8192xi32, #tpu.memory_space<hbm>> -> memref<1x8192xi32, #tpu.memory_space<hbm>>
        %dma_wait3A_454 = tpu.memref_squeeze %dma_wait3A_453 : memref<1x8192xi32, #tpu.memory_space<hbm>> -> memref<8192xi32, #tpu.memory_space<hbm>>
        tpu.wait_dma2 semaphore(%run_scoped3A : memref<!tpu.dma_semaphore, #tpu.memory_space<semaphore_mem>>) src(%arg8 : memref<8192xi32, #tpu.memory_space<vmem>>) dst(%dma_wait3A_454 : memref<8192xi32, #tpu.memory_space<hbm>>)
        tpu.yield
      }) : () -> ()
    } else {
    }
    return
  }
}

</mosaic_0001>

<sc_bundles>
// kernel: kernel.3.cloned.1.call-start
scs
__scs_entry_jumppad:
0x0: {  	(pc) =	sbr.rel $0x88, $3  }
0x1: {  	(tag) =	ssettag $0x0;
	lr =	simm.s32 $0x1  }
0x2: {  	[smem:$0x3F9E] =	sst lr;
	_ =	strace $0xD0000000  }
0x3: {  	_ = 	snop  }
0x4: {  	_ = 	snop  }
0x5: {  	_ = 	snop  }
0x6: {  	_ = 	snop  }
0x7: {  	_ = 	snop  }
__scs_overlays_trampoline_lowered:
0x8: {  	[smem:$0x3FAD] =	sst s0  }
0x9: {  	[smem:$0x3FAE] =	sst s1  }
0xa: {  	[smem:$0x3FAF] =	sst s2  }
0xb: {  	[smem:$0x3FB0] =	sst s3  }
0xc: {  	[smem:$0x3FB1] =	sst s4  }
0xd: {  	[smem:$0x3FB2] =	sst s5  }
0xe: {  	[smem:$0x3FB3] =	sst s6  }
0xf: {  	[smem:$0x3FB4] =	sst s7  }
0x10: {  	[smem:$0x3FB5] =	sst s8  }
0x11: {  	[smem:$0x3FB6] =	sst s9;
	s0 =	simm.s32 @!p0 $0x0  }
0x12: {  	s1 =	sld [smem:$0x3F9C];
	s0 =	simm.s32 @p0 $0x1  }
0x13: {  	[smem:$0x3FB7] =	sst s0;
	s0 =	simm.s32 @!p1 $0x0  }
0x14: {  	s2 =	sld [smem:$0x3F9B];
	s0 =	simm.s32 @p1 $0x1  }
0x15: {  	[smem:$0x3FB8] =	sst s0;
	s0 =	simm.s32 @!p2 $0x0  }
0x16: {  	s3 =	sld [smem:$0x3FDB];
	s0 =	simm.s32 @p2 $0x1  }
0x17: {  	s4 =	simm.s32 $0x1BF5;
	[smem:$0x3FBA] =	sst s0  }
0x18: {  	s0 =	sld [smem:$0x3F9D];
	_ =	swait.ge [sflag:s4], $0x0  }
0x19: {  	s7 =	sld [smem:$0x3F9E]  }
0x1a: {  	s8 =	sadd.s32 $0xFFFFE003, lr  }
0x1b: {  	s9 =	sadd.s32 $0xFFFFFEF7, lr;
	s5 =	simm.s32 $0xFFFFFFFF;
	p2 =	slt.u32 s8, $0xFFFFF086  }
0x1c: {  	p1 =	slt.u32 s9, $0xF7A;
	s5 =	simm.s32 @!p2 $0x0  }
0x1d: {  	s5 =	simm.s32 @p1 $0x1;
	p0 =	seq.s32 s7, s2  }
0x1e: {  	s7 =	smul.u32 @!p0 $0xF7A, s2;
	p2 =	seq.s32 @!p0 s5, $0x0  }
0x1f: {  	s9 =	smul.u32 $0xF7A, s1;
	s8 =	simm.s32 @!p0 $0x1BF5;
	p2 =	por !p2, p0  }
0x20: {  	[sflag:s8] =	ssyncset.s32 @!p0 $0xFFFFF086;
	s6 =	sadd.s32 @!p0 s3, s7;
	s7 =	simm.s32 @!p0 $0x108  }
0x21: {  	s3 =	sadd.s32 s3, s9;
	s6 =	sadd.s32 @!p0 $0x88, s6;
	s7 =	simm.s32 @p2 $0x1082  }
0x22: {  	[simem:s7], [sflag:s8] =	dma.local @!p0 [hbm:s6], $0xF7A  }
0x23: {  	s9 =	sor.u32 $0xD0000000, s2;
	s6 =	simm.s32 $0x108;
	_ =	swait.ge @!p0 [sflag:s8], $0x0  }
0x24: {  	s3 =	sadd.s32 $0x88, s3;
	s6 =	simm.s32 @!p1 $0x1082;
	[sflag:s4] =	ssyncset.s32 $0xFFFFF086  }
0x25: {  	[simem:s6], [sflag:s4] =	dma.local [hbm:s3], $0xF7A  }
0x26: {  	[smem:$0x3F9E] =	sst s1;
	(tag) =	ssettag s2;
	_ =	strace s9  }
0x27: {  	s1 =	sld [smem:$0x3FAE]  }
0x28: {  	s2 =	sld [smem:$0x3FAF]  }
0x29: {  	s4 =	sld [smem:$0x3FB1]  }
0x2a: {  	p0 =	seq.s32 s5, $0x0;
	s5 =	sld [smem:$0x3FB2]  }
0x2b: {  	s6 =	sld [smem:$0x3FB3]  }
0x2c: {  	s7 =	sld [smem:$0x3FB4]  }
0x2d: {  	s3 =	simm.s32 $0x108;
	s8 =	sld [smem:$0x3FB5]  }
0x2e: {  	s3 =	simm.s32 @!p0 $0x1082;
	s9 =	sld [smem:$0x3FB6]  }
0x2f: {  	lr =	sadd.s32 s0, s3;
	s0 =	sld [smem:$0x3FAD]  }
0x30: {  	s3 =	sld [smem:$0x3FB0]  }
0x31: {  	[smem:$0x3FB9] =	sst s10  }
0x32: {  	s10 =	sld [smem:$0x3FB7];
	_ =	sdelay $0x3  }
0x33: {  	p0 =	seq.s32 s10, $0x1;
	s10 =	sld [smem:$0x3FB9];
	_ =	sdelay $0x3  }
0x34: {  	[smem:$0x3FB9] =	sst s10  }
0x35: {  	s10 =	sld [smem:$0x3FB8];
	_ =	sdelay $0x3  }
0x36: {  	p1 =	seq.s32 s10, $0x1;
	s10 =	sld [smem:$0x3FB9];
	_ =	sdelay $0x3  }
0x37: {  	[smem:$0x3FB9] =	sst s10  }
0x38: {  	s10 =	sld [smem:$0x3FBA]  }
0x39: {  	_ = 	snop;
	(pc) =	sbr.ind lr, $3  }
0x3a: {  	_ = 	snop  }
0x3b: {  	_ = 	snop  }
0x3c: {  	p2 =	seq.s32 s10, $0x1;
	s10 =	sld [smem:$0x3FB9]  }
0x3d: {  	_ =	shalt  }
0x3e: {  	_ =	shalt  }
0x3f: {  	_ =	shalt  }
0x40: {  	_ =	shalt  }
0x41: {  	_ =	shalt  }
0x42: {  	_ =	shalt  }
0x43: {  	_ =	shalt  }
0x44: {  	_ =	shalt  }
0x45: {  	_ =	shalt  }
0x46: {  	_ =	shalt  }
0x47: {  	_ =	shalt  }
0x48: {  	_ =	shalt  }
0x49: {  	_ =	shalt  }
0x4a: {  	_ =	shalt  }
0x4b: {  	_ =	shalt  }
0x4c: {  	_ =	shalt  }
0x4d: {  	_ =	shalt  }
0x4e: {  	_ =	shalt  }
0x4f: {  	_ =	shalt  }
0x50: {  	_ =	shalt  }
0x51: {  	_ =	shalt  }
0x52: {  	_ =	shalt  }
0x53: {  	_ =	shalt  }
0x54: {  	_ =	shalt  }
0x55: {  	_ =	shalt  }
0x56: {  	_ =	shalt  }
0x57: {  	_ =	shalt  }
0x58: {  	_ =	shalt  }
0x59: {  	_ =	shalt  }
0x5a: {  	_ =	shalt  }
0x5b: {  	_ =	shalt  }
0x5c: {  	_ =	shalt  }
0x5d: {  	_ =	shalt  }
0x5e: {  	_ =	shalt  }
0x5f: {  	_ =	shalt  }
0x60: {  	_ =	shalt  }
0x61: {  	_ =	shalt  }
0x62: {  	_ =	shalt  }
0x63: {  	_ =	shalt  }
0x64: {  	_ =	shalt  }
0x65: {  	_ =	shalt  }
0x66: {  	_ =	shalt  }
0x67: {  	_ =	shalt  }
0x68: {  	_ =	shalt  }
0x69: {  	_ =	shalt  }
0x6a: {  	_ =	shalt  }
0x6b: {  	_ =	shalt  }
0x6c: {  	_ =	shalt  }
0x6d: {  	_ =	shalt  }
0x6e: {  	_ =	shalt  }
0x6f: {  	_ =	shalt  }
0x70: {  	_ =	shalt  }
0x71: {  	_ =	shalt  }
0x72: {  	_ =	shalt  }
0x73: {  	_ =	shalt  }
0x74: {  	_ =	shalt  }
0x75: {  	_ =	shalt  }
0x76: {  	_ =	shalt  }
0x77: {  	_ =	shalt  }
0x78: {  	_ =	shalt  }
0x79: {  	_ =	shalt  }
0x7a: {  	_ =	shalt  }
0x7b: {  	_ =	shalt  }
0x7c: {  	_ =	shalt  }
0x7d: {  	_ =	shalt  }
0x7e: {  	_ =	shalt  }
0x7f: {  	_ =	shalt  }
0x80: {  	_ =	shalt  }
0x81: {  	_ =	shalt  }
0x82: {  	_ =	shalt  }
0x83: {  	_ =	shalt  }
0x84: {  	_ =	shalt  }
0x85: {  	_ =	shalt  }
0x86: {  	_ =	shalt  }
0x87: {  	_ =	shalt  }
.Lfunc_end0:
.L_simem_size_0:
called_computation_lowered:
.L_overlay_start_0:
0x88: {  	s2 =	sld [smem:$0x3FD9]  }
0x89: {  	s3 =	sld [smem:$0x3FFE];
	_ =	sdelay $0x1  }
0x8a: {  	s1 =	srdreg.scid  }
0x8b: {  	s0 =	sand.u32 $0x1, s1  }
0x8c: {  	s14 =	sshll.u32 s0, $0xA;
	s2 =	sadd.s32 s3, s2  }
0x8d: {  	s2 =	sadd.s32 s2, s14  }
0x8e: {  	[smem:$0x3FC5] =	sst s2  }
0x8f: {  	_ = 	snop  }
0x90: {  	s2 =	sld [smem:$0x3FD0];
	_ =	sdelay $0x2  }
0x91: {  	s15 =	simm.s32 $0xA;
	s4 =	simm.s32 $0x10  }
0x92: {  	[smem:s4], [sflag:s15] =	dma.local [hbm:s2], $0x1  }
0x93: {  	_ =	swait.eq [sflag:s15], $0x1  }
0x94: {  	[sflag:s15] =	ssyncset.done $0x0  }
0x95: {  	[sflag:s15] =	ssyncadd.s32 $0xFFFFFFFF  }
0x96: {  	s16 =	sld [smem:$0x12];
	(tm) =	ssettm $0x1  }
0x97: {  	s17 =	sld [smem:$0x3FFB];
	_ =	sdelay $0x3  }
0x98: {  	_ =	strace s17  }
0x99: {  	s3 =	sld [smem:$0x3FFC];
	_ =	sdelay $0x3  }
0x9a: {  	_ =	strace s3  }
0x9b: {  	s3 =	sld [smem:$0x3FFD];
	_ =	sdelay $0x3  }
0x9c: {  	_ =	strace s3  }
0x9d: {  	_ =	strace $0x8FFFFFFF  }
0x9e: {  	s18 =	sld [smem:$0x3FDB];
	_ =	sdelay $0x1  }
0x9f: {  	s19 =	simm.s32 $_scs_section_size  }
0xa0: {  	s5 =	simm.s32 $_size__tile_overlayer_lowered;
	s6 =	simm.s32 $_tile_overlayer_lowered  }
0xa1: {  	s22 =	simm.s32 $0x1BFF;
	s21 =	sshll.u32 s6, $0x1;
	s3 =	sadd.s32 s19, s18  }
0xa2: {  	s7 =	simm.s32 $0x0;
	s20 =	sshll.u32 s5, $0x1;
	s5 =	sadd.s32 s21, s3  }
0xa3: {  	[timem:s7], [sflag:s22] =	dma.local [hbm:s5], s20  }
0xa4: {  	_ =	swait.ge [sflag:s22], s20  }
0xa5: {  	s4 =	ssub.s32 $0x0, s20;
	[sflag:s22] =	ssyncset.done $0x0  }
0xa6: {  	[sflag:s22] =	ssyncadd.s32 s4;
	_ =	sdelay $0x1  }
0xa7: {  	s23 =	simm.s32 $0x1B8B  }
0xa8: {  	_ =	swait.ge [sflag:s23], $0x1  }
0xa9: {  	[sflag:s23] =	ssyncset.done $0x0  }
0xaa: {  	s25 =	simm.s32 $0x1B8E;
	s24 =	sld [smem:$0x3FFE];
	[sflag:s23] =	ssyncadd.s32 $0xFFFFFFFF  }
0xab: {  	s26 =	simm.s32 $execute0_lowered;
	[smem:$0x3FD2] =	sst s25  }
0xac: {  	s5 =	sshll.u32 s26, $0x1;
	_ =	strace $0x80000046;
	[dreg:$0x1] =	wrdreg $0xFFFFFFFF  }
0xad: {  	s28 =	simm.s32 $_size_execute0_lowered;
	s3 =	sadd.s32 s3, s5;
	[dreg:$0x0] =	wrdreg $0x0  }
0xae: {  	s5 =	sshll.u32 s28, $0x1;
	[dreg:$0x2] =	wrdreg s3  }
0xaf: {  	[dreg:$0x3] =	wrdreg s5  }
0xb0: {  	[dreg:$0x4] =	wrdreg $0xC0  }
0xb1: {  	_ =	task [dreg:s7], $0x5FFFF  }
0xb2: {  	[dreg:$0x1] =	wrdreg $0xFFFFFFFF  }
0xb3: {  	[dreg:$0x0] =	wrdreg $0x60  }
0xb4: {  	[dreg:$0x2] =	wrdreg s16  }
0xb5: {  	[dreg:$0x3] =	wrdreg s24  }
0xb6: {  	[dreg:$0x4] =	wrdreg $0x9  }
0xb7: {  	_ =	task.clear_ibuf [dreg:s7], $0x5FFFF;
	_ =	strace $0x90000046  }
0xb8: {  	s29 =	simm.s32 $0x9;
	_ =	strace $0x80000048  }
0xb9: {  	_ =	swait.ge [sflag:s29], $0x1  }
0xba: {  	[sflag:s29] =	ssyncadd.s32 $0xFFFFFFFF  }
0xbb: {  	_ =	strace $0x90000048  }
0xbc: {  	_ =	sfence  }
0xbd: {  	s30 =	sld [smem:$0x0];
	_ =	sdelay $0x2  }
0xbe: {  	s31 =	sshll.u32 s1, $0xD;
	s1 =	sshrl.u32 s1, $0x2  }
0xbf: {  	s3 =	sand.u32 $0x4000, s31;
	s1 =	sadd.s32 s1, s30  }
0xc0: {  	s0 =	sor.u32 s3, s0;
	s1 =	sshll.u32 s1, $0x11  }
0xc1: {  	s0 =	sor.u32 s1, s0  }
0xc2: {  	s0 =	sadd.s32 $0x8F2B, s0  }
0xc3: {  	[sflag:s0] =	ssyncadd.remote.s32 $0x1  }
0xc4: {  	_ =	sfence.sel $0xFFFF  }
0xc5: {  	[dreg:$0x0] =	wrdreg $0xFFFFFFFF;
	(pc) =	sbr.abs _section_cstart, $3  }
0xc6: {  	[dreg:$0x1] =	wrdreg $0xFFFFFFFF  }
0xc7: {  	_ =	task.clear_ibuf [dreg:s7], $0x2FFFF;
	_ =	strace $0x9FFFFFFF  }
0xc8: {  	(tm) =	ssettm $0x7FFFFFFF  }
0xc9: {  	_ =	shalt  }
tec
execute0_lowered:
.L_overlay_start_1:
0x0: {  	(tag) =	ssettag $0x1  }
0x1: {  	s0 =	stileid.u32  }
0x2: {  	p0 =	sgt.u32 s0, $0x1  }
.Ltmp0:
0x3: {  	_ = 	snop;
	(pc) =	sbr.rel @p0 .LBB2_105-.Ltmp0, $4  }
0x4: {  	_ = 	snop  }
0x5: {  	s5 =	rddreg [dreg:$0x0];
	s2 =	simm.s32 $0x0  }
0x6: {  	[smem:$0x7FF] =	sst s2  }
0x7: {  	s3 =	rddreg [dreg:$0x1];
	_ =	strace $0x80000047  }
0x8: {  	s4 =	srdreg.scid;
	s0 =	stileid.u32;
	s8 =	simm.s32 $0x200  }
0x9: {  	s9 =	simm.s32 $0x1;
	s10 =	simm.s32 $0x8000;
	s4 =	sand.u32 $0x1, s4  }
.Ltmp1:
0xa: {  	s6 =	sshll.u32 s0, $0x5;
	s7 =	sshll.u32 s4, $0x4;
	(pc) =	sbr.rel .LBB2_2-.Ltmp1, $4  }
0xb: {  	s11 =	simm.s32 $0x4000;
	s4 =	ssub.s32 $0x2, s4;
	s6 =	sor.u32 s7, s6  }
0xc: {  	s12 =	simm.s32 $0x6000;
	s30 =	sshrl.u32 s4, $0x1;
	s3 =	sadd.s32 s3, s6  }
0xd: {  	s7 =	ssub.s32 s4, s30;
	s5 =	sadd.s32 s5, s6;
	s31 =	sadd.s32 $0x1000, s3  }
0xe: {  	v0 =	vimm.s32 $0x0;
	v1 =	vimm.s32 $0x1;
	v2 =	vlaneseq.u32;
	s6 =	smax.u32 s7, $0x1;
	s7 =	simm.s32 $0x80;
	[dreg:$0x3] =	wrdreg s31  }
.LBB2_99:
0xf: {  	s14 =	simm.s32 $0x0  }
.LBB2_103:
0x10: {  	s0 =	sadd.s32 @p0 $0x10, s14  }
0x11: {  	s13 =	smov.u32 @p0 s0  }
0x12: {  	v6 =	vor.u32 s13, v2  }
0x13: {  	vm1 =	vle.s32 v5, v4;
	vm0 =	vlt.s32 v6, v3  }
0x14: {  	vm0 =	vmand vm0, vm1;
	_ =	sdelay $0x5  }
0x15: {  	[tilespmem:v5+s11+$0x0] =	vst.idx.msk vm0, v1  }
0x16: {  	[tilespmem:v5+s12+$0x0] =	vst.idx.msk vm0, v0  }
.LBB2_104:
0x17: {  	s0 =	rddreg [dreg:$0x3]  }
0x18: {  	[hbm4b:s0+s7] =	stream.strided.scatter [tilespmem:s11], [sflag:$0x1], $0x2000, s8, s7, $0x38;
	[tilespmem:$0x10300] =	vst v63  }
0x19: {  	s2 =	sadd.s32 $0x1, s2;
	_ =	swait.ge [sflag:s9], $0x2000  }
0x1a: {  	p0 =	sne.s32 s2, s6;
	[sflag:s9] =	ssyncset.done $0x0  }
.Ltmp2:
0x1b: {  	[sflag:s9] =	ssyncadd.s32 $0xFFFFE000;
	(pc) =	sbr.rel @!p0 .LBB2_105-.Ltmp2, $4  }
0x1c: {  	[hbm4b:s3+s7] =	stream.strided.scatter [tilespmem:s12], [sflag:$0x1], $0x2000, s8, s7, $0x38;
	[tilespmem:$0x10300] =	vst v63  }
0x1d: {  	_ =	swait.ge [sflag:s9], $0x2000  }
0x1e: {  	[sflag:s9] =	ssyncset.done $0x0  }
0x1f: {  	[sflag:s9] =	ssyncadd.s32 $0xFFFFE000  }
.LBB2_2:
0x20: {  	s13 =	simm.s32 $0x0  }
0x21: {  	[tilespmem:s13], [sflag:$0x1] =	stream.strided.gather [hbm4b:s5+s7], $0x2000, s8, s7, $0x38;
	[tilespmem:$0x10300] =	vst v63  }
0x22: {  	_ =	swait.ge [sflag:s9], $0x2000  }
0x23: {  	[sflag:s9] =	ssyncset.done $0x0  }
0x24: {  	s28 =	simm.s32 $0x0;
	[sflag:s9] =	ssyncadd.s32 $0xFFFFE000  }
0x25: {  	v3 =	vld [tilespmem:s28+$0x0]  }
0x26: {  	v4 =	vld [tilespmem:s28+$0x10]  }
0x27: {  	v5 =	vld [tilespmem:s28+$0x20];
	_ =	sdelay $0x2  }
0x28: {  	v6 =	vld [tilespmem:s28+$0x30]  }
0x29: {  	vm0 =	vlt.s32 v3, $0x0;
	v7 =	vxor.u32 $0x7FFFFFFF, v3;
	vm5 =	vlt.s32 v4, $0x0  }
0x2a: {  	vm6 =	vlt.s32 v5, $0x0;
	v3 =	vsel vm0, v7, v3;
	v7 =	vxor.u32 $0x7FFFFFFF, v4  }
0x2b: {  	v8 =	vxor.u32 $0x80000000, v3;
	v4 =	vsel vm5, v7, v4;
	v7 =	vxor.u32 $0x7FFFFFFF, v5  }
0x2c: {  	[tilespmem:s28+$0x2000] =	vst v3;
	v3 =	vxor.u32 $0x80000000, v4;
	(xrf0) =	vmin.scan.msk.u32 $0xffff, v8;
	v5 =	vsel vm6, v7, v5  }
0x2d: {  	s14 =	simm.s32 $0x40;
	vm7 =	vlt.s32 v6, $0x0;
	v7 =	vxor.u32 $0x7FFFFFFF, v6;
	(xrf0) =	vmin.scan.msk.u32 $0xffff, v3;
	[tilespmem:s28+$0x2020] =	vst v5  }
0x2e: {  	v6 =	vsel vm7, v7, v6;
	(xrf0) =	vmax.scan.msk.u32 $0xffff, v3;
	v3 =	vld [tilespmem:s14+$0x0]  }
0x2f: {  	[tilespmem:s28+$0x2030] =	vst v6  }
0x30: {  	v7 =	vld [tilespmem:s14+$0x10];
	[tilespmem:s28+$0x2010] =	vst v4  }
0x31: {  	v5 =	vxor.u32 $0x80000000, v5;
	(xrf0) =	vmax.scan.msk.u32 $0xffff, v8;
	v4 =	vld [tilespmem:s14+$0x20]  }
0x32: {  	v6 =	vxor.u32 $0x80000000, v6;
	(xrf0) =	vmin.scan.msk.u32 $0xffff, v5;
	v8, _, _ =	vpop (xrf0)  }
0x33: {  	(xrf0) =	vmax.scan.msk.u32 $0xffff, v5;
	v5 =	vld [tilespmem:s14+$0x30];
	(v2sf) =	vpush v8, $0xF;
	v8, _, _ =	vpop (xrf0);
	vm8 =	vlt.s32 v3, $0x0;
	v9 =	vxor.u32 $0x7FFFFFFF, v3  }
0x34: {  	(xrf0) =	vmin.scan.msk.u32 $0xffff, v6;
	(v2sf) =	vpush v8, $0xF;
	v8, _, _ =	vpop (xrf0);
	v3 =	vsel vm8, v9, v3  }
0x35: {  	(xrf0) =	vmax.scan.msk.u32 $0xffff, v6;
	vm9 =	vlt.s32 v7, $0x0;
	v6 =	vxor.u32 $0x7FFFFFFF, v7;
	(v2sf) =	vpush v8, $0xF  }
0x36: {  	v8 =	vxor.u32 $0x80000000, v3;
	[tilespmem:s14+$0x2000] =	vst v3;
	v3 =	vsel vm9, v6, v7;
	v6 =	vxor.u32 $0x7FFFFFFF, v4  }
0x37: {  	v57, _, _ =	vpop (xrf0);
	vm10 =	vlt.s32 v4, $0x0;
	v10 =	vxor.u32 $0x80000000, v3  }
0x38: {  	v7, _, _ =	vpop (xrf0);
	v11 =	vxor.u32 $0x7FFFFFFF, v5;
	(xrf0) =	vmin.scan.msk.u32 $0xffff, v8;
	v4 =	vsel vm10, v6, v4;
	vm11 =	vlt.s32 v5, $0x0  }
0x39: {  	s16 =	simm.s32 $0x80;
	(v2sf) =	vpush v7, $0xF;
	[tilespmem:s14+$0x2020] =	vst v4;
	v5 =	vsel vm11, v11, v5;
	v6, _, _ =	vpop (xrf0);
	(xrf0) =	vmin.scan.msk.u32 $0xffff, v10  }
0x3a: {  	(v2sf) =	vpush v57, $0xF;
	v58 =	vld [tilespmem:s16+$0x0];
	[tilespmem:s14+$0x2030] =	vst v5;
	v7, _, _ =	vpop (xrf0);
	(xrf0) =	vmax.scan.msk.u32 $0xffff, v10  }
0x3b: {  	v59 =	vld [tilespmem:s16+$0x10];
	[tilespmem:s14+$0x2010] =	vst v3;
	(v2sf) =	vpush v7, $0xF;
	v7, _, _ =	vpop (xrf0)  }
0x3c: {  	v3 =	vxor.u32 $0x80000000, v4;
	v4 =	vld [tilespmem:s16+$0x20];
	(v2sf) =	vpush v7, $0xF  }
0x3d: {  	(xrf0) =	vmax.scan.msk.u32 $0xffff, v8  }
0x3e: {  	(v2sf) =	vpush v6, $0xF;
	v6, _, _ =	vpop (xrf0);
	(xrf0) =	vmin.scan.msk.u32 $0xffff, v3  }
0x3f: {  	v5 =	vxor.u32 $0x80000000, v5;
	(v2sf) =	vpush v6, $0xF;
	v6, _, _ =	vpop (xrf0);
	(xrf0) =	vmax.scan.msk.u32 $0xffff, v3  }
0x40: {  	vm12 =	vlt.s32 v58, $0x0;
	v7 =	vxor.u32 $0x7FFFFFFF, v58;
	(v2sf) =	vpush v6, $0xF;
	v6, _, _ =	vpop (xrf0);
	(xrf0) =	vmin.scan.msk.u32 $0xffff, v5  }
0x41: {  	v3 =	vld [tilespmem:s16+$0x30];
	vm13 =	vlt.s32 v59, $0x0;
	v8 =	vxor.u32 $0x7FFFFFFF, v4;
	(xrf0) =	vmax.scan.msk.u32 $0xffff, v5;
	v5 =	vxor.u32 $0x7FFFFFFF, v59  }
0x42: {  	(v2sf) =	vpush v6, $0xF;
	v6 =	vsel vm12, v7, v58;
	v5 =	vsel vm13, v5, v59  }
0x43: {  	vm14 =	vlt.s32 v4, $0x0;
	v60, _, _ =	vpop (xrf0);
	v7 =	vxor.u32 $0x80000000, v6;
	[tilespmem:s16+$0x2000] =	vst v6;
	v6 =	vxor.u32 $0x80000000, v5  }
0x44: {  	s15 =	simm.s32 $0x7FFFFFFF;
	v4 =	vsel vm14, v8, v4;
	s29 =	spop (v2sf);
	(xrf0) =	vmin.scan.msk.u32 $0xffff, v7;
	v8, _, _ =	vpop (xrf0)  }
0x45: {  	s18 =	simm.s32 $0x400;
	s13 =	simm.s32 $0xC0;
	[tilespmem:s16+$0x2020] =	vst v4;
	s19 =	sxor.u32 $0x80000000, s29;
	(xrf0) =	vmin.scan.msk.u32 $0xffff, v6;
	(v2sf) =	vpush v8, $0xF;
	v62, _, _ =	vpop (xrf0)  }
0x46: {  	s14 =	simm.s32 $0x80000000;
	v61 =	vxor.u32 $0x7FFFFFFF, v3;
	vm15 =	vlt.s32 v3, $0x0;
	s17 =	spop (v2sf);
	(xrf0) =	vmax.scan.msk.u32 $0xffff, v6;
	p0 =	sgt.s32 s19, $0x7FFFFFFF;
	(v2sf) =	vpush v60, $0xF;
	v6, _, _ =	vpop (xrf0)  }
0x47: {  	v63 =	vxor.u32 $0x80000000, v4;
	v8 =	vsel vm15, v61, v3;
	s20 =	spop (v2sf);
	s17 =	sxor.u32 $0x80000000, s17;
	(xrf0) =	vmax.scan.msk.u32 $0xffff, v7;
	s19 =	smov.u32 @p0 s15;
	v7, _, _ =	vpop (xrf0);
	(v2sf) =	vpush v6, $0xF  }
0x48: {  	v3 =	vld [tilespmem:s13+$0x0];
	[tilespmem:s16+$0x2030] =	vst v8;
	s15 =	sxor.u32 $0x80000000, s20;
	(xrf0) =	vmin.scan.msk.u32 $0xffff, v63;
	p0 =	slt.s32 s19, s17;
	s30 =	spop (v2sf);
	(v2sf) =	vpush v7, $0xF  }
0x49: {  	v4 =	vld [tilespmem:s13+$0x10];
	v6 =	vxor.u32 $0x80000000, v8;
	[tilespmem:s16+$0x2010] =	vst v5;
	(xrf0) =	vmax.scan.msk.u32 $0xffff, v63;
	s17 =	smov.u32 @p0 s19;
	s16 =	sxor.u32 $0x80000000, s30;
	s31 =	spop (v2sf);
	(v2sf) =	vpush v62, $0xF  }
0x4a: {  	v5 =	vld [tilespmem:s13+$0x20];
	v7, _, _ =	vpop (xrf0);
	(xrf0) =	vmin.scan.msk.u32 $0xffff, v6;
	s19 =	sxor.u32 $0x80000000, s31;
	p0 =	slt.s32 s17, s16;
	s20 =	spop (v2sf)  }
.LBB2_3:
0x4b: {  	p1 =	sgt.s32 s14, s19;
	s21 =	sxor.u32 $0x80000000, s20;
	s22 =	spop (v2sf)  }
0x4c: {  	v8 =	vld [tilespmem:s13+$0x30];
	(v2sf) =	vpush v7, $0xF;
	v7, _, _ =	vpop (xrf0);
	(xrf0) =	vmax.scan.msk.u32 $0xffff, v6;
	s23 =	smov.u32 s18;
	s20 =	smov.u32 s13;
	s16 =	smov.u32 @p0 s17  }
0x4d: {  	(v2sf) =	vpush v7, $0xF;
	v6, _, _ =	vpop (xrf0);
	s19 =	smov.u32 @p1 s14;
	s14 =	sxor.u32 $0x80000000, s22;
	s13 =	spop (v2sf)  }
0x4e: {  	p0 =	slt.s32 s16, s21;
	vm0 =	vlt.s32 v3, $0x0;
	v10 =	vxor.u32 $0x7FFFFFFF, v3;
	v9, _, _ =	vpop (xrf0);
	(v2sf) =	vpush v6, $0xF;
	p1 =	sgt.s32 s19, s15;
	s13 =	sxor.u32 $0x80000000, s13  }
0x4f: {  	s22 =	sadd.s32 $0x100, s18;
	v3 =	vsel vm0, v10, v3;
	vm0 =	vlt.s32 v4, $0x0;
	v6 =	vxor.u32 $0x7FFFFFFF, v4;
	v7, _, _ =	vpop (xrf0);
	s17 =	spop (v2sf);
	s15 =	smov.u32 @p1 s19  }
0x50: {  	[tilespmem:s20+$0x2000] =	vst v3;
	v3 =	vxor.u32 $0x80000000, v3;
	v10 =	vsel vm0, v6, v4;
	v4 =	vxor.u32 $0x7FFFFFFF, v5;
	v11, _, _ =	vpop (xrf0);
	s19 =	sxor.u32 $0x80000000, s17;
	s17 =	spop (v2sf);
	p1 =	sgt.s32 s15, s13  }
0x51: {  	s21 =	smov.u32 @p0 s16;
	vm0 =	vlt.s32 v5, $0x0;
	v6 =	vxor.u32 $0x80000000, v10;
	v12 =	vxor.u32 $0x7FFFFFFF, v8;
	(xrf0) =	vmin.scan.msk.u32 $0xffff, v3;
	v13, _, _ =	vpop (xrf0);
	s24 =	spop (v2sf);
	s13 =	smov.u32 @p1 s15  }
0x52: {  	v4 =	vsel vm0, v4, v5;
	vm0 =	vlt.s32 v8, $0x0;
	s17 =	sxor.u32 $0x80000000, s17;
	p2 =	slt.s32 s21, s19;
	(xrf0) =	vmin.scan.msk.u32 $0xffff, v6;
	(v2sf) =	vpush v7, $0xF;
	v5, _, _ =	vpop (xrf0);
	p0 =	sgt.s32 s13, s14  }
0x53: {  	p1 =	sne.s32 s18, $0x7F00;
	v7 =	vsel vm0, v12, v8;
	s15 =	sxor.u32 $0x80000000, s24;
	[tilespmem:s20+$0x2020] =	vst v4;
	(xrf0) =	vmax.scan.msk.u32 $0xffff, v6;
	(v2sf) =	vpush v9, $0xF;
	s14 =	smov.u32 @p0 s13  }
.Ltmp3:
0x54: {  	v8 =	vxor.u32 $0x80000000, v4;
	s19 =	smov.u32 @p2 s21;
	s13 =	sshra.s32 s23, $0x2;
	v6 =	vxor.u32 $0x80000000, v7;
	(xrf0) =	vmax.scan.msk.u32 $0xffff, v3;
	(v2sf) =	vpush v13, $0xF;
	(pc) =	sbr.rel @p1 .LBB2_3-.Ltmp3, $4  }
0x55: {  	p0 =	slt.s32 s19, s17;
	v3 =	vld [tilespmem:s13+$0x0];
	[tilespmem:s20+$0x2030] =	vst v7;
	(xrf0) =	vmin.scan.msk.u32 $0xffff, v8;
	(v2sf) =	vpush v5, $0xF;
	s16 =	spop (v2sf)  }
0x56: {  	s18 =	spop (v2sf)  }
0x57: {  	s17 =	smov.u32 @p0 s19;
	v4 =	vld [tilespmem:s13+$0x10];
	[tilespmem:s20+$0x2010] =	vst v10;
	(xrf0) =	vmax.scan.msk.u32 $0xffff, v8;
	(v2sf) =	vpush v11, $0xF;
	s16 =	sxor.u32 $0x80000000, s16;
	s19 =	sxor.u32 $0x80000000, s18  }
0x58: {  	v5 =	vld [tilespmem:s13+$0x20];
	v7, _, _ =	vpop (xrf0);
	(xrf0) =	vmin.scan.msk.u32 $0xffff, v6;
	p0 =	slt.s32 s17, s16;
	s20 =	spop (v2sf);
	s18 =	smov.u32 s22  }
0x59: {  	_ =	sdelay $0x1  }
0x5a: {  	(v2sf) =	vpush v7, $0xF;
	vm0 =	vlt.s32 v3, $0x0;
	v45 =	vxor.u32 $0x7FFFFFFF, v3  }
0x5b: {  	v8, _, _ =	vpop (xrf0);
	(xrf0) =	vmax.scan.msk.u32 $0xffff, v6;
	v3 =	vsel vm0, v45, v3;
	vm13 =	vlt.s32 v4, $0x0;
	v46 =	vxor.u32 $0x7FFFFFFF, v4  }
0x5c: {  	v47 =	vld [tilespmem:s13+$0x30];
	p1 =	sgt.s32 s14, s19;
	s18 =	sxor.u32 $0x80000000, s20;
	s31 =	spop (v2sf);
	(v2sf) =	vpush v8, $0xF;
	v48, _, _ =	vpop (xrf0);
	v9 =	vxor.u32 $0x80000000, v3;
	v4 =	vsel vm13, v46, v4  }
0x5d: {  	s16 =	smov.u32 @p0 s17;
	s19 =	smov.u32 @p1 s14;
	s14 =	sxor.u32 $0x80000000, s31;
	v49, _, _ =	vpop (xrf0);
	(v2sf) =	vpush v48, $0xF;
	(xrf0) =	vmin.scan.msk.u32 $0xffff, v9;
	v50 =	vxor.u32 $0x80000000, v4  }
0x5e: {  	s0 =	spop (v2sf);
	p0 =	slt.s32 s16, s18;
	p1 =	sgt.s32 s19, s15;
	v10, _, _ =	vpop (xrf0);
	v11 =	vxor.u32 $0x7FFFFFFF, v5;
	vm14 =	vlt.s32 v5, $0x0;
	(xrf0) =	vmin.scan.msk.u32 $0xffff, v50  }
0x5f: {  	s1 =	spop (v2sf);
	s20 =	sxor.u32 $0x80000000, s0;
	s15 =	smov.u32 @p1 s19;
	v12, _, _ =	vpop (xrf0);
	(v2sf) =	vpush v10, $0xF;
	v5 =	vsel vm14, v11, v5;
	(xrf0) =	vmax.scan.msk.u32 $0xffff, v50  }
0x60: {  	s18 =	smov.u32 @p0 s16;
	s4 =	spop (v2sf);
	p1 =	sgt.s32 s15, s20;
	v51, _, _ =	vpop (xrf0);
	(v2sf) =	vpush v49, $0xF;
	v52 =	vxor.u32 $0x80000000, v5;
	(xrf0) =	vmax.scan.msk.u32 $0xffff, v9  }
0x61: {  	s17 =	sxor.u32 $0x80000000, s1;
	s21 =	spop (v2sf);
	v53 =	vxor.u32 $0x7FFFFFFF, v47;
	s20 =	smov.u32 @p1 s15;
	vm15 =	vlt.s32 v47, $0x0;
	v54, _, _ =	vpop (xrf0);
	(v2sf) =	vpush v51, $0xF;
	(xrf0) =	vmin.scan.msk.u32 $0xffff, v52  }
0x62: {  	s15 =	sxor.u32 $0x80000000, s4;
	p1 =	slt.s32 s18, s17;
	s16 =	sxor.u32 $0x80000000, s21;
	v7 =	vsel vm15, v53, v47;
	(v2sf) =	vpush v54, $0xF  }
0x63: {  	p0 =	sgt.s32 s20, s14;
	s17 =	smov.u32 @p1 s18;
	v55 =	vxor.u32 $0x80000000, v7;
	s22 =	spop (v2sf);
	(xrf0) =	vmax.scan.msk.u32 $0xffff, v52;
	v56, _, _ =	vpop (xrf0)  }
0x64: {  	s14 =	smov.u32 @p0 s20;
	p0 =	slt.s32 s17, s15;
	(v2sf) =	vpush v12, $0xF;
	s23 =	spop (v2sf);
	(xrf0) =	vmin.scan.msk.u32 $0xffff, v55;
	v57, _, _ =	vpop (xrf0)  }
0x65: {  	s15 =	smov.u32 @p0 s17;
	s17 =	sxor.u32 $0x80000000, s22;
	s18 =	sxor.u32 $0x80000000, s23;
	(v2sf) =	vpush v56, $0xF;
	(xrf0) =	vmax.scan.msk.u32 $0xffff, v55;
	v58, _, _ =	vpop (xrf0)  }
0x66: {  	p0 =	slt.s32 s15, s17;
	s24 =	spop (v2sf);
	p1 =	sgt.s32 s14, s18;
	(v2sf) =	vpush v57, $0xF;
	v59, _, _ =	vpop (xrf0)  }
0x67: {  	s19 =	sxor.u32 $0x80000000, s24;
	s25 =	spop (v2sf);
	s17 =	smov.u32 @p0 s15;
	(v2sf) =	vpush v58, $0xF;
	v60, _, _ =	vpop (xrf0)  }
0x68: {  	s18 =	smov.u32 @p1 s14;
	s14 =	sxor.u32 $0x80000000, s25;
	s26 =	spop (v2sf);
	(v2sf) =	vpush v60, $0xF  }
0x69: {  	p0 =	slt.s32 s17, s19;
	p1 =	sgt.s32 s18, s16;
	s28 =	spop (v2sf);
	v61, _, _ =	vpop (xrf0);
	(v2sf) =	vpush v59, $0xF  }
0x6a: {  	s19 =	smov.u32 @p0 s17;
	s15 =	sxor.u32 $0x80000000, s26;
	s16 =	smov.u32 @p1 s18;
	v62, _, _ =	vpop (xrf0)  }
0x6b: {  	p1 =	sgt.s32 s16, s15;
	s18 =	sxor.u32 $0x80000000, s28;
	s29 =	spop (v2sf);
	v63, _, _ =	vpop (xrf0);
	(v2sf) =	vpush v62, $0xF  }
0x6c: {  	s15 =	smov.u32 @p1 s16;
	s30 =	spop (v2sf);
	p0 =	slt.s32 s19, s18;
	(v2sf) =	vpush v63, $0xF  }
0x6d: {  	s16 =	sxor.u32 $0x80000000, s29;
	p1 =	sgt.s32 s15, s14;
	s18 =	smov.u32 @p0 s19;
	(v2sf) =	vpush v61, $0xF  }
0x6e: {  	s14 =	smov.u32 @p1 s15;
	s31 =	spop (v2sf);
	p0 =	slt.s32 s18, s16  }
0x6f: {  	s15 =	sxor.u32 $0x80000000, s30;
	s16 =	smov.u32 @p0 s18;
	s0 =	spop (v2sf)  }
0x70: {  	s18 =	sxor.u32 $0x80000000, s31;
	s17 =	sxor.u32 $0x80000000, s0;
	s1 =	spop (v2sf)  }
0x71: {  	p0 =	slt.s32 s16, s18;
	p1 =	sgt.s32 s14, s17;
	s4 =	spop (v2sf)  }
0x72: {  	s19 =	sxor.u32 $0x80000000, s1;
	s18 =	smov.u32 @p0 s16;
	s17 =	smov.u32 @p1 s14  }
0x73: {  	s14 =	sxor.u32 $0x80000000, s4;
	s21 =	spop (v2sf);
	p1 =	sgt.s32 s17, s15  }
0x74: {  	s16 =	sxor.u32 $0x80000000, s21;
	s15 =	smov.u32 @p1 s17;
	s22 =	spop (v2sf)  }
0x75: {  	p0 =	slt.s32 s18, s19;
	p1 =	sgt.s32 s15, s16;
	s23 =	spop (v2sf)  }
0x76: {  	s19 =	smov.u32 @p0 s18;
	s16 =	smov.u32 @p1 s15;
	s24 =	spop (v2sf)  }
0x77: {  	s20 =	sxor.u32 $0x80000000, s22;
	p0 =	sgt.s32 s16, s14;
	s25 =	spop (v2sf)  }
0x78: {  	p1 =	slt.s32 s19, s20;
	s15 =	sxor.u32 $0x80000000, s23;
	s26 =	spop (v2sf)  }
0x79: {  	s14 =	smov.u32 @p0 s16;
	s20 =	smov.u32 @p1 s19;
	s16 =	sxor.u32 $0x80000000, s26  }
0x7a: {  	s21 =	sxor.u32 $0x80000000, s24;
	s28 =	spop (v2sf);
	p0 =	sgt.s32 s14, s16  }
0x7b: {  	p1 =	slt.s32 s20, s15;
	s29 =	spop (v2sf);
	s16 =	smov.u32 @p0 s14  }
0x7c: {  	s15 =	smov.u32 @p1 s20;
	s30 =	spop (v2sf);
	p0 =	sgt.s32 s16, s21  }
0x7d: {  	s17 =	sxor.u32 $0x80000000, s25;
	s14 =	sxor.u32 $0x80000000, s30;
	s21 =	smov.u32 @p0 s16  }
0x7e: {  	s18 =	sxor.u32 $0x80000000, s29;
	p0 =	slt.s32 s15, s17;
	p1 =	sgt.s32 s21, s14  }
0x7f: {  	s16 =	sxor.u32 $0x80000000, s28;
	s17 =	smov.u32 @p0 s15;
	s14 =	smov.u32 @p1 s21  }
0x80: {  	[tilespmem:s13+$0x2000] =	vst v3;
	p0 =	slt.s32 s17, s16;
	p1 =	sgt.s32 s14, s18  }
0x81: {  	[tilespmem:s13+$0x2010] =	vst v4;
	s16 =	smov.u32 @p0 s17;
	s18 =	smov.u32 @p1 s14  }
0x82: {  	[tilespmem:s13+$0x2020] =	vst v5;
	s16 =	sxor.u32 s16, s18  }
0x83: {  	[tilespmem:s13+$0x2030] =	vst v7;
	s13 =	simm.s32 $0x1E;
	s15 =	simm.s32 $0x0;
	s31 =	sshrl.u32 s16, $0x1F  }
0x84: {  	p0 =	por $0x0, $0x0;
	s14 =	simm.s32 $0x1F;
	s17 =	sand.u32 $0x1, s31  }
0x85: {  	s14 =	smov.u32 @p0 s15;
	p0 =	seq.s32 s17, $0x0;
	s17 =	sor.u32 s15, s17  }
.LBB2_5:
0x86: {  	s18 =	smov.u32 s15;
	s15 =	smov.u32 s14  }
0x87: {  	p1 =	seq.s32 s17, $0x1;
	s14 =	smov.u32 s13;
	s15 =	smov.u32 @p0 s18  }
0x88: {  	s14 =	smov.u32 @p1 s15;
	p1 =	sne.s32 s13, $0x0  }
.Ltmp4:
0x89: {  	(pc) =	sbr.rel @p1 .LBB2_5-.Ltmp4, $4  }
0x8a: {  	_ = 	snop  }
0x8b: {  	s18 =	sshrl.u32 s16, s13;
	s13 =	sadd.s32 $0xFFFFFFFF, s13  }
0x8c: {  	s18 =	sand.u32 $0x1, s18  }
0x8d: {  	p0 =	seq.s32 s18, $0x0;
	s17 =	sor.u32 s17, s18  }
0x8e: {  	[tilespmem:$0x8000] =	vst v0  }
0x8f: {  	[tilespmem:$0x8010] =	vst v0  }
0x90: {  	[tilespmem:$0x8020] =	vst v0  }
0x91: {  	[tilespmem:$0x8030] =	vst v0  }
0x92: {  	[tilespmem:$0x8040] =	vst v0  }
0x93: {  	[tilespmem:$0x8050] =	vst v0  }
0x94: {  	[tilespmem:$0x8060] =	vst v0  }
0x95: {  	[tilespmem:$0x8070] =	vst v0  }
0x96: {  	[tilespmem:$0x8080] =	vst v0  }
0x97: {  	[tilespmem:$0x8090] =	vst v0  }
0x98: {  	[tilespmem:$0x80A0] =	vst v0  }
0x99: {  	s14 =	smov.u32 @p0 s15;
	[tilespmem:$0x80B0] =	vst v0  }
0x9a: {  	[tilespmem:$0x80C0] =	vst v0;
	s13 =	sadd.s32 $0xFFFFFFF9, s14;
	p1 =	seq.s32 s14, $0x1F  }
0x9b: {  	[tilespmem:$0x80D0] =	vst v0;
	s14 =	simm.s32 $0x80;
	p0 =	sgt.s32 s13, $0x0;
	s15 =	smov.u32 s13  }
0x9c: {  	[tilespmem:$0x80E0] =	vst v0;
	s14 =	simm.s32 @!p1 $0x0;
	s15 =	simm.s32 @!p0 $0x0  }
0x9d: {  	[tilespmem:$0x80F0] =	vst v0;
	v3 =	vmov s14;
	s14 =	simm.s32 $0x0;
	v4 =	vmov s15;
	s15 =	simm.s32 $0x0  }
.LBB2_7:
0x9e: {  	s17 =	sshra.s32 s15, $0x2  }
0x9f: {  	v5 =	vld [tilespmem:s17+$0x2000];
	_ =	sdelay $0x4  }
0xa0: {  	v5 =	vshra.s32 v5, v4  }
0xa1: {  	v6 =	vand.u32 $0x80, v5  }
0xa2: {  	v5 =	vand.u32 $0x7F, v5;
	v6 =	vxor.u32 v3, v6  }
0xa3: {  	v5 =	vor.u32 v5, v6;
	_ =	sdelay $0x3  }
0xa4: {  	s16 =	simm.s32 $0x8000  }
0xa5: {  	[tilespmem:v5+s16+$0x0] =	vst.idx.add.s32.msk $0xffff, v1  }
0xa6: {  	v5 =	vld [tilespmem:s17+$0x2010];
	_ =	sdelay $0x4  }
0xa7: {  	v5 =	vshra.s32 v5, v4  }
0xa8: {  	v6 =	vand.u32 $0x80, v5  }
0xa9: {  	v5 =	vand.u32 $0x7F, v5;
	v6 =	vxor.u32 v3, v6  }
0xaa: {  	v5 =	vor.u32 v5, v6;
	_ =	sdelay $0x4  }
0xab: {  	[tilespmem:v5+s16+$0x0] =	vst.idx.add.s32.msk $0xffff, v1  }
0xac: {  	v5 =	vld [tilespmem:s17+$0x2020];
	_ =	sdelay $0x4  }
0xad: {  	v5 =	vshra.s32 v5, v4  }
0xae: {  	v6 =	vand.u32 $0x80, v5  }
0xaf: {  	v5 =	vand.u32 $0x7F, v5;
	v6 =	vxor.u32 v3, v6  }
0xb0: {  	v5 =	vor.u32 v5, v6;
	_ =	sdelay $0x4  }
0xb1: {  	[tilespmem:v5+s16+$0x0] =	vst.idx.add.s32.msk $0xffff, v1  }
0xb2: {  	v5 =	vld [tilespmem:s17+$0x2030];
	_ =	sdelay $0x4  }
0xb3: {  	v5 =	vshra.s32 v5, v4  }
0xb4: {  	v6 =	vand.u32 $0x80, v5  }
0xb5: {  	v5 =	vand.u32 $0x7F, v5;
	v6 =	vxor.u32 v3, v6  }
0xb6: {  	p0 =	seq.s32 s15, $0x7F00;
	v5 =	vor.u32 v5, v6  }
.Ltmp5:
0xb7: {  	_ = 	snop;
	(pc) =	sbr.rel @!p0 .LBB2_7-.Ltmp5, $2  }
0xb8: {  	_ =	sdelay $0x2  }
0xb9: {  	s15 =	sadd.s32 $0x100, s15;
	[tilespmem:v5+s16+$0x0] =	vst.idx.add.s32.msk $0xffff, v1  }
0xba: {  	v6 =	vld [tilespmem:s16+$0x0];
	_ =	sdelay $0x4  }
0xbb: {  	(xrf0) =	vadd.scan.msk.s32 $0xffff, v6;
	_ =	sdelay $0x2  }
0xbc: {  	s15 =	simm.s32 $0x8010  }
0xbd: {  	v7 =	vld [tilespmem:s15+$0x0];
	_ =	sdelay $0x1  }
0xbe: {  	v5, _, _ =	vpop (xrf0)  }
0xbf: {  	(v2sf) =	vpush v5, $0xF;
	_ =	sdelay $0x1  }
0xc0: {  	(xrf0) =	vadd.scan.msk.s32 $0xffff, v7;
	_ =	sdelay $0x5  }
0xc1: {  	v8, _, _ =	vpop (xrf0)  }
0xc2: {  	(v2sf) =	vpush v8, $0xF  }
0xc3: {  	s25 =	simm.s32 $0x8020  }
0xc4: {  	v9 =	vld [tilespmem:s25+$0x0];
	_ =	sdelay $0x2  }
0xc5: {  	s26 =	simm.s32 $0x8030;
	v10 =	vadd.s32 s14, v5  }
0xc6: {  	v5 =	vld [tilespmem:s26+$0x0];
	vm0 =	vgt.s32 v10, $0x4CB;
	s29 =	spop (v2sf)  }
0xc7: {  	(xrf0) =	vadd.scan.msk.s32 $0xffff, v9;
	v10 =	vsel vm0, $0x1, v0;
	s16 =	sadd.s32 $0x0, s29  }
0xc8: {  	(xrf0) =	vadd.scan.msk.s32 $0xffff, v10;
	v8 =	vadd.s32 s16, v8  }
0xc9: {  	v6 =	vsel vm0, $0x0, v6;
	vm14 =	vgt.s32 v8, $0x4CB  }
0xca: {  	(xrf0) =	vadd.scan.msk.s32 $0xffff, v6;
	v7 =	vsel vm14, $0x0, v7  }
0xcb: {  	(xrf0) =	vadd.scan.msk.s32 $0xffff, v5;
	v6 =	vsel vm14, $0x1, v0  }
0xcc: {  	(xrf0) =	vadd.scan.msk.s32 $0xffff, v6  }
0xcd: {  	(xrf0) =	vadd.scan.msk.s32 $0xffff, v7;
	v7, _, _ =	vpop (xrf0)  }
0xce: {  	v8, _, _ =	vpop (xrf0);
	(v2sf) =	vpush v7, $0xF  }
0xcf: {  	s31 =	spop (v2sf);
	(v2sf) =	vpush v8, $0xF;
	_ =	sdelay $0x1  }
0xd0: {  	s25 =	sadd.s32 s16, s31;
	v62, _, _ =	vpop (xrf0)  }
0xd1: {  	v8 =	vadd.s32 s25, v7;
	(v2sf) =	vpush v62, $0xF  }
0xd2: {  	s30 =	simm.s32 $0x8040  }
0xd3: {  	v6 =	vld [tilespmem:s30+$0x0];
	v7, _, _ =	vpop (xrf0)  }
0xd4: {  	vm15 =	vgt.s32 v8, $0x4CB;
	(v2sf) =	vpush v7, $0xF;
	v8, _, _ =	vpop (xrf0)  }
0xd5: {  	(v2sf) =	vpush v8, $0xF;
	v8, _, _ =	vpop (xrf0)  }
0xd6: {  	(v2sf) =	vpush v8, $0xF  }
0xd7: {  	s20 =	simm.s32 $0x4CC;
	s19 =	simm.s32 $0x10  }
0xd8: {  	s21 =	simm.s32 $0x20;
	s18 =	simm.s32 $0x30;
	s17 =	simm.s32 $0x40;
	(xrf0) =	vadd.scan.msk.s32 $0xffff, v6;
	v63 =	vsel vm15, $0x1, v0  }
0xd9: {  	s28 =	simm.s32 $0x60;
	s23 =	simm.s32 $0x0;
	s24 =	simm.s32 $0x0;
	v9 =	vsel vm15, $0x0, v9;
	(xrf0) =	vadd.scan.msk.s32 $0xffff, v63  }
0xda: {  	s15 =	simm.s32 $0x50;
	s26 =	simm.s32 $0x8050;
	s22 =	smov.u32 s25;
	(xrf0) =	vadd.scan.msk.s32 $0xffff, v9  }
.LBB2_9:
0xdb: {  	s29 =	smov.u32 s20;
	s20 =	smov.u32 s14  }
0xdc: {  	p0 =	seq.s32 s28, $0x100;
	s30 =	smov.u32 s15;
	v8 =	vld [tilespmem:s26+$0x0];
	s14 =	spop (v2sf)  }
0xdd: {  	s31 =	spop (v2sf)  }
0xde: {  	s15 =	smov.u32 s28;
	s0 =	sxor.u32 $0x1, s23;
	p1 =	sgt.s32 s31, $0x0  }
0xdf: {  	s25 =	sadd.s32 s25, s14;
	v9, _, _ =	vpop (xrf0);
	s0 =	simm.s32 @!p1 $0x0  }
0xe0: {  	v10 =	vadd.s32 s25, v7;
	s14 =	ssub.s32 s19, s31;
	(v2sf) =	vpush v9, $0xF;
	v11, _, _ =	vpop (xrf0);
	s19 =	spop (v2sf);
	v7 =	vmov v9;
	p1 =	seq.s32 s0, $0x0  }
.Ltmp6:
0xe1: {  	vm0 =	vgt.s32 v10, $0x4CB;
	(v2sf) =	vpush v11, $0xF;
	v9, _, _ =	vpop (xrf0);
	s19 =	sadd.s32 s19, s24;
	s23 =	sor.u32 s23, s0;
	(pc) =	sbr.rel @!p0 .LBB2_9-.Ltmp6, $4  }
0xe2: {  	v10 =	vsel vm0, $0x1, v0;
	v11 =	vsel vm0, $0x0, v5;
	v5 =	vmovc v6;
	s24 =	smov.u32 s16;
	(xrf0) =	vadd.scan.msk.s32 $0xffff, v8;
	s14 =	smov.u32 @p1 s20;
	s20 =	ssub.s32 $0x4CC, s19;
	v6 =	vmov v8  }
0xe3: {  	s16 =	smov.u32 s22;
	s22 =	smov.u32 s25;
	(xrf0) =	vadd.scan.msk.s32 $0xffff, v10;
	(v2sf) =	vpush v9, $0xF;
	s20 =	smov.u32 @p1 s29  }
0xe4: {  	s19 =	smov.u32 s21;
	s21 =	smov.u32 s18;
	s18 =	smov.u32 s17;
	(xrf0) =	vadd.scan.msk.s32 $0xffff, v11  }
0xe5: {  	s28 =	sadd.s32 $0x10, s28;
	s26 =	sadd.s32 $0x10, s26;
	s17 =	smov.u32 s30  }
0xe6: {  	_ =	sdelay $0x5  }
0xe7: {  	s0 =	spop (v2sf)  }
0xe8: {  	s26 =	sadd.s32 s25, s0;
	s1 =	spop (v2sf)  }
0xe9: {  	v7 =	vadd.s32 s26, v7;
	s28 =	spop (v2sf)  }
0xea: {  	vm0 =	vgt.s32 v7, $0x4CB;
	s4 =	spop (v2sf)  }
0xeb: {  	v8, _, _ =	vpop (xrf0);
	v7 =	vsel vm0, $0x1, v0;
	s25 =	sadd.s32 s26, s4  }
0xec: {  	(xrf0) =	vadd.scan.msk.s32 $0xffff, v7;
	v7 =	vadd.s32 s25, v8  }
0xed: {  	v5 =	vsel vm0, $0x0, v5;
	vm0 =	vgt.s32 v7, $0x4CB  }
0xee: {  	(v2sf) =	vpush v8, $0xF;
	v8, _, _ =	vpop (xrf0);
	(xrf0) =	vadd.scan.msk.s32 $0xffff, v5;
	v5 =	vsel vm0, $0x1, v0  }
0xef: {  	(v2sf) =	vpush v8, $0xF;
	v7, _, _ =	vpop (xrf0);
	(xrf0) =	vadd.scan.msk.s32 $0xffff, v5;
	_ =	sdelay $0x1  }
0xf0: {  	(v2sf) =	vpush v7, $0xF  }
0xf1: {  	v5, _, _ =	vpop (xrf0)  }
0xf2: {  	(v2sf) =	vpush v5, $0xF  }
0xf3: {  	v5, _, _ =	vpop (xrf0)  }
0xf4: {  	(v2sf) =	vpush v5, $0xF;
	v5, _, _ =	vpop (xrf0)  }
0xf5: {  	s29 =	sxor.u32 $0x1, s23;
	p0 =	sgt.s32 s1, $0x0;
	(v2sf) =	vpush v5, $0xF  }
0xf6: {  	s0 =	ssub.s32 s19, s1;
	s29 =	simm.s32 @!p0 $0x0  }
0xf7: {  	s24 =	sadd.s32 s28, s24;
	p0 =	seq.s32 s29, $0x0;
	s31 =	sor.u32 s23, s29  }
0xf8: {  	s0 =	smov.u32 @p0 s14;
	s14 =	ssub.s32 $0x4CC, s24;
	s30 =	spop (v2sf)  }
0xf9: {  	s19 =	sxor.u32 $0x1, s31;
	s14 =	smov.u32 @p0 s20;
	p0 =	sgt.s32 s30, $0x0  }
0xfa: {  	s24 =	simm.s32 $0x2020;
	s19 =	simm.s32 @!p0 $0x0  }
0xfb: {  	s20 =	ssub.s32 s21, s30;
	s1 =	spop (v2sf);
	p0 =	seq.s32 s19, $0x0  }
0xfc: {  	s16 =	sadd.s32 s1, s16;
	s19 =	sor.u32 s31, s19;
	s4 =	spop (v2sf)  }
0xfd: {  	s20 =	smov.u32 @p0 s0;
	s0 =	ssub.s32 $0x4CC, s16;
	s28 =	spop (v2sf)  }
0xfe: {  	s0 =	smov.u32 @p0 s14;
	s14 =	sxor.u32 $0x1, s19;
	p0 =	sgt.s32 s28, $0x0  }
0xff: {  	s16 =	ssub.s32 s18, s28;
	s14 =	simm.s32 @!p0 $0x0;
	s29 =	spop (v2sf)  }
0x100: {  	p0 =	seq.s32 s14, $0x0;
	s14 =	sor.u32 s19, s14;
	s18 =	sadd.s32 s29, s22  }
0x101: {  	v6 =	vsel vm0, $0x0, v6;
	s16 =	smov.u32 @p0 s20;
	s18 =	ssub.s32 $0x4CC, s18;
	s30 =	spop (v2sf)  }
0x102: {  	(xrf0) =	vadd.scan.msk.s32 $0xffff, v6;
	v6 =	vld [tilespmem:s24+$0xFFFFFFE0];
	s18 =	smov.u32 @p0 s0;
	s0 =	sxor.u32 $0x1, s14;
	p0 =	sgt.s32 s30, $0x0  }
0x103: {  	s17 =	ssub.s32 s17, s30;
	s31 =	spop (v2sf);
	s0 =	simm.s32 @!p0 $0x0  }
0x104: {  	p0 =	seq.s32 s0, $0x0;
	s0 =	sor.u32 s14, s0;
	s1 =	spop (v2sf)  }
0x105: {  	s19 =	sadd.s32 s31, s26;
	s0 =	sxor.u32 $0x1, s0;
	p1 =	sgt.s32 s1, $0x0  }
0x106: {  	s17 =	smov.u32 @p0 s16;
	s16 =	ssub.s32 $0x4CC, s19;
	s0 =	simm.s32 @!p1 $0x0  }
0x107: {  	v7 =	vshra.s32 v6, v4;
	s16 =	smov.u32 @p0 s18;
	s15 =	ssub.s32 s15, s1;
	p0 =	seq.s32 s0, $0x0  }
0x108: {  	v5, _, _ =	vpop (xrf0);
	v7 =	vand.u32 $0xFF, v7;
	s15 =	smov.u32 @p0 s17  }
0x109: {  	(v2sf) =	vpush v5, $0xF;
	v7 =	vxor.u32 v3, v7;
	v5 =	vmov s15  }
0x10a: {  	vm0 =	veq.s32 v7, v5;
	vm1 =	vlt.s32 v7, v5  }
0x10b: {  	s23 =	simm.s32 $0x4020;
	vm2 =	vge.s32 v7, v5;
	v7 =	vsel vm1, $0x1, v0;
	v8 =	vsel vm0, $0x1, v0  }
0x10c: {  	s22 =	simm.s32 $0x6020;
	[tilespmem:s23+$0xFFFFFFE0] =	vst v7;
	v7 =	vsel vm2, $0x1, v0;
	(xrf0) =	vadd.scan.msk.s32 $0xffff, v8  }
0x10d: {  	s21 =	simm.s32 $0x0;
	[tilespmem:s22+$0xFFFFFFE0] =	vst v7  }
0x10e: {  	v7 =	vor.u32 s21, v2;
	[tilespmem:s21+$0x8100] =	vst.msk vm0, v6  }
0x10f: {  	[tilespmem:s21+$0xA180] =	vst.msk vm0, v7  }
0x110: {  	v6 =	vld [tilespmem:s24+$0xFFFFFFF0];
	_ =	sdelay $0x1  }
0x111: {  	v7, _, _ =	vpop (xrf0)  }
0x112: {  	(v2sf) =	vpush v7, $0xF;
	_ =	sdelay $0x1  }
0x113: {  	v7 =	vshra.s32 v6, v4  }
0x114: {  	v7 =	vand.u32 $0xFF, v7  }
0x115: {  	v7 =	vxor.u32 v3, v7  }
0x116: {  	vm0 =	veq.s32 v7, v5  }
0x117: {  	v8 =	vsel vm0, $0x1, v0  }
0x118: {  	(xrf0) =	vadd.scan.msk.s32 $0xffff, v8;
	_ =	sdelay $0x5  }
0x119: {  	vm1 =	vlt.s32 v7, v5;
	v8, _, _ =	vpop (xrf0)  }
0x11a: {  	s4 =	spop (v2sf);
	vm2 =	vge.s32 v7, v5;
	v7 =	vsel vm1, $0x1, v0;
	(v2sf) =	vpush v8, $0xF  }
0x11b: {  	s20 =	sadd.s32 s4, s25;
	[tilespmem:s23+$0xFFFFFFF0] =	vst v7;
	v7 =	vsel vm2, $0x1, v0;
	s25 =	spop (v2sf)  }
0x11c: {  	s26 =	simm.s32 $0x10;
	[tilespmem:s22+$0xFFFFFFF0] =	vst v7;
	s0 =	sadd.s32 $0x0, s25  }
0x11d: {  	v7 =	vor.u32 s26, v2;
	[tilespmem:s0+$0x8100] =	vst.msk vm0, v6  }
0x11e: {  	[tilespmem:s0+$0xA180] =	vst.msk vm0, v7  }
0x11f: {  	v6 =	vld [tilespmem:s24+$0x0];
	_ =	sdelay $0x4  }
0x120: {  	v7 =	vshra.s32 v6, v4  }
0x121: {  	v7 =	vand.u32 $0xFF, v7  }
0x122: {  	v7 =	vxor.u32 v3, v7  }
0x123: {  	vm0 =	veq.s32 v7, v5;
	vm1 =	vlt.s32 v7, v5  }
0x124: {  	vm2 =	vge.s32 v7, v5;
	v7 =	vsel vm1, $0x1, v0;
	v8 =	vsel vm0, $0x1, v0  }
0x125: {  	[tilespmem:s23+$0x0] =	vst v7;
	v7 =	vsel vm2, $0x1, v0;
	s28 =	spop (v2sf);
	(xrf0) =	vadd.scan.msk.s32 $0xffff, v8  }
0x126: {  	s29 =	simm.s32 $0x20;
	s0 =	sadd.s32 s0, s28;
	[tilespmem:s22+$0x0] =	vst v7  }
0x127: {  	v7 =	vor.u32 s29, v2;
	[tilespmem:s0+$0x8100] =	vst.msk vm0, v6  }
0x128: {  	[tilespmem:s0+$0xA180] =	vst.msk vm0, v7  }
0x129: {  	v6 =	vld [tilespmem:s24+$0x10];
	_ =	sdelay $0x1  }
0x12a: {  	v7, _, _ =	vpop (xrf0)  }
0x12b: {  	(v2sf) =	vpush v7, $0xF;
	_ =	sdelay $0x1  }
0x12c: {  	v7 =	vshra.s32 v6, v4  }
0x12d: {  	v7 =	vand.u32 $0xFF, v7  }
0x12e: {  	v7 =	vxor.u32 v3, v7  }
0x12f: {  	vm0 =	veq.s32 v7, v5  }
0x130: {  	v8 =	vsel vm0, $0x1, v0  }
0x131: {  	(xrf0) =	vadd.scan.msk.s32 $0xffff, v8;
	_ =	sdelay $0x5  }
0x132: {  	vm1 =	vlt.s32 v7, v5;
	v8, _, _ =	vpop (xrf0)  }
0x133: {  	vm2 =	vge.s32 v7, v5;
	v7 =	vsel vm1, $0x1, v0;
	(v2sf) =	vpush v8, $0xF  }
0x134: {  	[tilespmem:s23+$0x10] =	vst v7;
	v7 =	vsel vm2, $0x1, v0;
	s30 =	spop (v2sf)  }
0x135: {  	s31 =	simm.s32 $0x30;
	[tilespmem:s22+$0x10] =	vst v7;
	s21 =	sadd.s32 s0, s30  }
0x136: {  	v7 =	vor.u32 s31, v2;
	[tilespmem:s21+$0x8100] =	vst.msk vm0, v6  }
0x137: {  	s18 =	simm.s32 $0x2060;
	[tilespmem:s21+$0xA180] =	vst.msk vm0, v7  }
0x138: {  	v6 =	vld [tilespmem:s18+$0xFFFFFFE0];
	_ =	sdelay $0x4  }
0x139: {  	v7 =	vshra.s32 v6, v4  }
0x13a: {  	v7 =	vand.u32 $0xFF, v7  }
0x13b: {  	v7 =	vxor.u32 v3, v7  }
0x13c: {  	s14 =	ssub.s32 $0x4CC, s20;
	vm0 =	veq.s32 v7, v5;
	vm1 =	vlt.s32 v7, v5  }
0x13d: {  	s19 =	simm.s32 $0x80;
	s14 =	smov.u32 @p0 s16;
	s16 =	simm.s32 $0x4060;
	vm2 =	vge.s32 v7, v5;
	v7 =	vsel vm1, $0x1, v0;
	v8 =	vsel vm0, $0x1, v0  }
0x13e: {  	s17 =	simm.s32 $0x6060;
	s15 =	simm.s32 $0x40;
	[tilespmem:s16+$0xFFFFFFE0] =	vst v7;
	v7 =	vsel vm2, $0x1, v0;
	(xrf0) =	vadd.scan.msk.s32 $0xffff, v8;
	s20 =	spop (v2sf)  }
.LBB2_11:
0x13f: {  	p0 =	sne.s32 s19, $0x1FC0  }
0x140: {  	[tilespmem:s17+$0xFFFFFFE0] =	vst v7;
	s0 =	sadd.s32 s21, s20;
	s20 =	smov.u32 s19;
	s19 =	sadd.s32 $0x40, s19  }
0x141: {  	v7 =	vor.u32 s15, v2;
	[tilespmem:s0+$0x8100] =	vst.msk vm0, v6  }
0x142: {  	[tilespmem:s0+$0xA180] =	vst.msk vm0, v7  }
0x143: {  	v6 =	vld [tilespmem:s18+$0xFFFFFFF0];
	_ =	sdelay $0x1  }
0x144: {  	v7, _, _ =	vpop (xrf0)  }
0x145: {  	(v2sf) =	vpush v7, $0xF;
	_ =	sdelay $0x1  }
0x146: {  	v7 =	vshra.s32 v6, v4  }
0x147: {  	v7 =	vand.u32 $0xFF, v7  }
0x148: {  	v7 =	vxor.u32 v3, v7  }
0x149: {  	vm0 =	veq.s32 v7, v5;
	vm1 =	vge.s32 v7, v5;
	vm2 =	vlt.s32 v7, v5  }
0x14a: {  	v7 =	vsel vm2, $0x1, v0;
	v8 =	vsel vm0, $0x1, v0  }
0x14b: {  	(xrf0) =	vadd.scan.msk.s32 $0xffff, v8;
	_ =	sdelay $0x5  }
0x14c: {  	v8, _, _ =	vpop (xrf0)  }
0x14d: {  	(v2sf) =	vpush v8, $0xF  }
0x14e: {  	[tilespmem:s16+$0xFFFFFFF0] =	vst v7;
	v7 =	vsel vm1, $0x1, v0;
	s21 =	spop (v2sf)  }
0x14f: {  	s0 =	sadd.s32 s0, s21;
	s21 =	sadd.s32 $0x10, s15;
	[tilespmem:s17+$0xFFFFFFF0] =	vst v7  }
0x150: {  	v7 =	vor.u32 s21, v2;
	[tilespmem:s0+$0x8100] =	vst.msk vm0, v6  }
0x151: {  	[tilespmem:s0+$0xA180] =	vst.msk vm0, v7  }
0x152: {  	v6 =	vld [tilespmem:s18+$0x0];
	_ =	sdelay $0x4  }
0x153: {  	v7 =	vshra.s32 v6, v4  }
0x154: {  	v7 =	vand.u32 $0xFF, v7  }
0x155: {  	v7 =	vxor.u32 v3, v7  }
0x156: {  	vm0 =	veq.s32 v7, v5;
	vm1 =	vge.s32 v7, v5;
	vm2 =	vlt.s32 v7, v5  }
0x157: {  	v7 =	vsel vm2, $0x1, v0;
	v8 =	vsel vm0, $0x1, v0  }
0x158: {  	[tilespmem:s16+$0x0] =	vst v7;
	v7 =	vsel vm1, $0x1, v0;
	s21 =	spop (v2sf);
	(xrf0) =	vadd.scan.msk.s32 $0xffff, v8  }
0x159: {  	s0 =	sadd.s32 s0, s21;
	s21 =	sadd.s32 $0x20, s15;
	[tilespmem:s17+$0x0] =	vst v7  }
0x15a: {  	v7 =	vor.u32 s21, v2;
	[tilespmem:s0+$0x8100] =	vst.msk vm0, v6  }
0x15b: {  	[tilespmem:s0+$0xA180] =	vst.msk vm0, v7  }
0x15c: {  	v6 =	vld [tilespmem:s18+$0x10];
	_ =	sdelay $0x1  }
0x15d: {  	v7, _, _ =	vpop (xrf0)  }
0x15e: {  	(v2sf) =	vpush v7, $0xF;
	_ =	sdelay $0x1  }
0x15f: {  	v7 =	vshra.s32 v6, v4  }
0x160: {  	v7 =	vand.u32 $0xFF, v7  }
0x161: {  	v7 =	vxor.u32 v3, v7  }
0x162: {  	vm0 =	veq.s32 v7, v5;
	vm1 =	vlt.s32 v7, v5  }
0x163: {  	vm2 =	vge.s32 v7, v5;
	v7 =	vsel vm1, $0x1, v0;
	v8 =	vsel vm0, $0x1, v0  }
0x164: {  	[tilespmem:s16+$0x10] =	vst v7;
	v7 =	vsel vm2, $0x1, v0;
	(xrf0) =	vadd.scan.msk.s32 $0xffff, v8  }
0x165: {  	[tilespmem:s17+$0x10] =	vst v7;
	_ =	sdelay $0x4  }
0x166: {  	v7, _, _ =	vpop (xrf0)  }
0x167: {  	(v2sf) =	vpush v7, $0xF  }
0x168: {  	s21 =	spop (v2sf)  }
0x169: {  	s21 =	sadd.s32 s0, s21;
	s0 =	sadd.s32 $0x30, s15;
	s15 =	smov.u32 s20  }
0x16a: {  	v7 =	vor.u32 s0, v2;
	[tilespmem:s21+$0x8100] =	vst.msk vm0, v6  }
0x16b: {  	s18 =	sadd.s32 $0x40, s18;
	[tilespmem:s21+$0xA180] =	vst.msk vm0, v7  }
0x16c: {  	v6 =	vld [tilespmem:s18+$0xFFFFFFE0];
	_ =	sdelay $0x4  }
0x16d: {  	v7 =	vshra.s32 v6, v4  }
.Ltmp7:
0x16e: {  	v7 =	vand.u32 $0xFF, v7;
	(pc) =	sbr.rel @p0 .LBB2_11-.Ltmp7, $4  }
0x16f: {  	v7 =	vxor.u32 v3, v7  }
0x170: {  	vm0 =	veq.s32 v7, v5;
	vm1 =	vge.s32 v7, v5;
	vm2 =	vlt.s32 v7, v5  }
0x171: {  	s16 =	sadd.s32 $0x40, s16;
	v7 =	vsel vm2, $0x1, v0;
	v8 =	vsel vm0, $0x1, v0  }
0x172: {  	s17 =	sadd.s32 $0x40, s17;
	[tilespmem:s16+$0xFFFFFFE0] =	vst v7;
	v7 =	vsel vm1, $0x1, v0;
	(xrf0) =	vadd.scan.msk.s32 $0xffff, v8;
	s20 =	spop (v2sf)  }
0x173: {  	[tilespmem:s17+$0xFFFFFFE0] =	vst v7;
	s0 =	sadd.s32 s21, s20  }
0x174: {  	v7 =	vor.u32 s15, v2;
	[tilespmem:s0+$0x8100] =	vst.msk vm0, v6  }
0x175: {  	[tilespmem:s0+$0xA180] =	vst.msk vm0, v7  }
0x176: {  	v6 =	vld [tilespmem:s18+$0xFFFFFFF0];
	_ =	sdelay $0x1  }
0x177: {  	v7, _, _ =	vpop (xrf0)  }
0x178: {  	(v2sf) =	vpush v7, $0xF;
	_ =	sdelay $0x1  }
0x179: {  	v7 =	vshra.s32 v6, v4  }
0x17a: {  	v7 =	vand.u32 $0xFF, v7  }
0x17b: {  	v7 =	vxor.u32 v3, v7  }
0x17c: {  	vm9 =	veq.s32 v7, v5  }
0x17d: {  	v8 =	vsel vm9, $0x1, v0  }
0x17e: {  	(xrf0) =	vadd.scan.msk.s32 $0xffff, v8;
	_ =	sdelay $0x5  }
0x17f: {  	vm1 =	vlt.s32 v7, v5;
	v8, _, _ =	vpop (xrf0)  }
0x180: {  	vm2 =	vge.s32 v7, v5;
	v7 =	vsel vm1, $0x1, v0;
	(v2sf) =	vpush v8, $0xF  }
0x181: {  	[tilespmem:s16+$0xFFFFFFF0] =	vst v7;
	v7 =	vsel vm2, $0x1, v0;
	s19 =	spop (v2sf)  }
0x182: {  	s21 =	sadd.s32 $0x10, s15;
	[tilespmem:s17+$0xFFFFFFF0] =	vst v7;
	s0 =	sadd.s32 s0, s19  }
0x183: {  	v7 =	vor.u32 s21, v2;
	[tilespmem:s0+$0x8100] =	vst.msk vm9, v6  }
0x184: {  	[tilespmem:s0+$0xA180] =	vst.msk vm9, v7  }
0x185: {  	v6 =	vld [tilespmem:s18+$0x0];
	_ =	sdelay $0x4  }
0x186: {  	v7 =	vshra.s32 v6, v4  }
0x187: {  	v7 =	vand.u32 $0xFF, v7  }
0x188: {  	v7 =	vxor.u32 v3, v7  }
0x189: {  	vm10 =	vlt.s32 v7, v5  }
0x18a: {  	vm11 =	vge.s32 v7, v5;
	v62 =	vsel vm10, $0x1, v0  }
0x18b: {  	v63 =	vsel vm11, $0x1, v0;
	[tilespmem:s16+$0x0] =	vst v62;
	s22 =	spop (v2sf)  }
0x18c: {  	s23 =	sadd.s32 $0x20, s15;
	vm12 =	veq.s32 v7, v5;
	s0 =	sadd.s32 s0, s22;
	[tilespmem:s17+$0x0] =	vst v63  }
0x18d: {  	v7 =	vor.u32 s23, v2;
	[tilespmem:s0+$0x8100] =	vst.msk vm12, v6  }
0x18e: {  	[tilespmem:s0+$0xA180] =	vst.msk vm12, v7  }
0x18f: {  	v7 =	vld [tilespmem:s18+$0x10];
	_ =	sdelay $0x2  }
0x190: {  	v6 =	vsel vm12, $0x1, v0  }
0x191: {  	(xrf0) =	vadd.scan.msk.s32 $0xffff, v6  }
0x192: {  	v4 =	vshra.s32 v7, v4  }
0x193: {  	v4 =	vand.u32 $0xFF, v4  }
0x194: {  	v3 =	vxor.u32 v3, v4  }
0x195: {  	vm13 =	veq.s32 v3, v5  }
0x196: {  	v4 =	vsel vm13, $0x1, v0  }
0x197: {  	v6, _, _ =	vpop (xrf0);
	(xrf0) =	vadd.scan.msk.s32 $0xffff, v4;
	_ =	sdelay $0x1  }
0x198: {  	(v2sf) =	vpush v6, $0xF;
	_ =	sdelay $0x3  }
0x199: {  	v4, _, _ =	vpop (xrf0)  }
0x19a: {  	(v2sf) =	vpush v4, $0xF;
	_ =	sdelay $0x7  }
0x19b: {  	vm14 =	vlt.s32 v3, v5  }
0x19c: {  	vm15 =	vge.s32 v3, v5;
	v3 =	vsel vm14, $0x1, v0  }
0x19d: {  	[tilespmem:s16+$0x10] =	vst v3;
	v3 =	vsel vm15, $0x1, v0;
	s24 =	spop (v2sf)  }
0x19e: {  	s25 =	sadd.s32 $0x30, s15;
	[tilespmem:s17+$0x10] =	vst v3;
	s0 =	sadd.s32 s0, s24  }
0x19f: {  	v3 =	vor.u32 s25, v2;
	[tilespmem:s0+$0x8100] =	vst.msk vm13, v7  }
0x1a0: {  	[tilespmem:s0+$0xA180] =	vst.msk vm13, v3  }
0x1a1: {  	[tilespmem:$0x8000] =	vst v0  }
0x1a2: {  	[tilespmem:$0x8010] =	vst v0;
	s26 =	spop (v2sf)  }
0x1a3: {  	[tilespmem:$0x8020] =	vst v0;
	s0 =	sadd.s32 s0, s26  }
0x1a4: {  	[tilespmem:$0x8030] =	vst v0;
	s15 =	sadd.s32 $0xF, s0  }
0x1a5: {  	[tilespmem:$0x8040] =	vst v0;
	s28 =	sand.u32 $0xF, s15  }
0x1a6: {  	[tilespmem:$0x8050] =	vst v0;
	s29 =	sshra.s32 s15, $0x1F;
	p0 =	slt.s32 s15, $0x1;
	p1 =	sne.s32 s28, $0x0  }
0x1a7: {  	[tilespmem:$0x8060] =	vst v0;
	s30 =	sshrl.u32 s29, $0x1C;
	p0 =	por !p0, !p1  }
0x1a8: {  	s16 =	simm.s32 $0x1;
	[tilespmem:$0x8070] =	vst v0;
	s15 =	sadd.s32 s30, s15;
	p0 =	por !p0, !p0  }
0x1a9: {  	[tilespmem:$0x8080] =	vst v0;
	s15 =	sshra.s32 s15, $0x4;
	s16 =	simm.s32 @!p0 $0x0  }
0x1aa: {  	[tilespmem:$0x8090] =	vst v0;
	s15 =	ssub.s32 s15, s16  }
0x1ab: {  	[tilespmem:$0x80A0] =	vst v0;
	p0 =	slt.s32 s15, $0x1  }
.Ltmp8:
0x1ac: {  	[tilespmem:$0x80B0] =	vst v0;
	(pc) =	sbr.rel @p0 .LBB2_19-.Ltmp8, $4  }
0x1ad: {  	s17 =	smov.u32 s13;
	[tilespmem:$0x80C0] =	vst v0;
	p1 =	sgt.s32 s13, $0x8  }
0x1ae: {  	[tilespmem:$0x80D0] =	vst v0;
	s17 =	simm.s32 @!p1 $0x8  }
0x1af: {  	[tilespmem:$0x80E0] =	vst v0;
	s31 =	sadd.s32 $0xFFFFFFF8, s17  }
0x1b0: {  	[tilespmem:$0x80F0] =	vst v0;
	v3 =	vmov s0;
	v4 =	vmov s31  }
0x1b1: {  	p2 =	seq.s32 s15, $0x1  }
.Ltmp9:
0x1b2: {  	_ = 	snop;
	(pc) =	sbr.rel @p2 .LBB2_14-.Ltmp9, $3  }
0x1b3: {  	_ =	sdelay $0x1  }
0x1b4: {  	s17 =	simm.s32 $0x8100  }
0x1b5: {  	s16 =	simm.s32 $0x0;
	p1 =	por $0x0, $0x0;
	v5 =	vld [tilespmem:s17+$0x0];
	s17 =	sadd.s32 $0xFFFFFFFF, s15  }
0x1b6: {  	_ =	sdelay $0x2  }
0x1b7: {  	v6 =	vor.u32 s16, v2  }
0x1b8: {  	vm0 =	vlt.s32 v6, v3;
	v5 =	vshra.s32 v5, v4  }
0x1b9: {  	v5 =	vand.u32 $0xFF, v5  }
0x1ba: {  	p2 =	seq.s32 s17, $0x1  }
.Ltmp10:
0x1bb: {  	_ = 	snop;
	(pc) =	sbr.rel @p2 .LBB2_16-.Ltmp10, $3  }
0x1bc: {  	_ =	sdelay $0x1  }
0x1bd: {  	s18 =	simm.s32 $0x8110;
	[tilespmem:v5+s10+$0x0] =	vst.idx.add.s32.msk vm0, v1  }
0x1be: {  	s19 =	sadd.s32 $0xFFFFFFFF, s17;
	p1 =	por $0x1, $0x1;
	s17 =	simm.s32 $0x0;
	v5 =	vld [tilespmem:s18+$0x0]  }
.LBB2_17:
0x1bf: {  	p2 =	seq.s32 s19, $0x1;
	_ =	sdelay $0x1  }
0x1c0: {  	s17 =	sadd.s32 $0x10, s17  }
0x1c1: {  	v6 =	vor.u32 s17, v2  }
0x1c2: {  	vm0 =	vlt.s32 v6, v3;
	v5 =	vshra.s32 v5, v4  }
0x1c3: {  	v5 =	vand.u32 $0xFF, v5;
	_ =	sdelay $0x1  }
.Ltmp11:
0x1c4: {  	(pc) =	sbr.rel @!p2 .LBB2_17-.Ltmp11, $3  }
0x1c5: {  	_ =	sdelay $0x1  }
0x1c6: {  	s18 =	sadd.s32 $0x10, s18;
	[tilespmem:v5+s10+$0x0] =	vst.idx.add.s32.msk vm0, v1  }
0x1c7: {  	s19 =	sadd.s32 $0xFFFFFFFF, s19;
	v5 =	vld [tilespmem:s18+$0x0]  }
.LBB2_18:
0x1c8: {  	_ = 	snop  }
0x1c9: {  	s0 =	sadd.s32 @p1 $0x10, s17  }
0x1ca: {  	s16 =	smov.u32 @p1 s0  }
0x1cb: {  	v6 =	vor.u32 s16, v2  }
0x1cc: {  	vm0 =	vlt.s32 v6, v3;
	v5 =	vshra.s32 v5, v4  }
0x1cd: {  	v5 =	vand.u32 $0xFF, v5;
	_ =	sdelay $0x4  }
0x1ce: {  	[tilespmem:v5+s10+$0x0] =	vst.idx.add.s32.msk vm0, v1  }
.LBB2_19:
0x1cf: {  	s16 =	simm.s32 $0x8000  }
0x1d0: {  	v7 =	vld [tilespmem:s16+$0x0];
	_ =	sdelay $0x4  }
0x1d1: {  	(xrf0) =	vadd.scan.msk.s32 $0xffff, v7;
	_ =	sdelay $0x2  }
0x1d2: {  	s0 =	simm.s32 $0x8010  }
0x1d3: {  	v8 =	vld [tilespmem:s0+$0x0];
	_ =	sdelay $0x1  }
0x1d4: {  	v6, _, _ =	vpop (xrf0)  }
0x1d5: {  	(v2sf) =	vpush v6, $0xF;
	_ =	sdelay $0x1  }
0x1d6: {  	(xrf0) =	vadd.scan.msk.s32 $0xffff, v8;
	_ =	sdelay $0x5  }
0x1d7: {  	v9, _, _ =	vpop (xrf0)  }
0x1d8: {  	(v2sf) =	vpush v9, $0xF  }
0x1d9: {  	s23 =	simm.s32 $0x8020  }
0x1da: {  	v10 =	vld [tilespmem:s23+$0x0];
	_ =	sdelay $0x1  }
0x1db: {  	s18 =	simm.s32 $0x0  }
0x1dc: {  	v5 =	vmov s14;
	s24 =	simm.s32 $0x8030;
	v11 =	vadd.s32 s18, v6  }
0x1dd: {  	v6 =	vld [tilespmem:s24+$0x0];
	vm0 =	vge.s32 v11, v5;
	s25 =	spop (v2sf)  }
0x1de: {  	(xrf0) =	vadd.scan.msk.s32 $0xffff, v10;
	v11 =	vsel vm0, $0x1, v0;
	s17 =	sadd.s32 $0x0, s25  }
0x1df: {  	(xrf0) =	vadd.scan.msk.s32 $0xffff, v11;
	v9 =	vadd.s32 s17, v9  }
0x1e0: {  	v7 =	vsel vm0, $0x0, v7;
	vm14 =	vge.s32 v9, v5  }
0x1e1: {  	(xrf0) =	vadd.scan.msk.s32 $0xffff, v7;
	v8 =	vsel vm14, $0x0, v8  }
0x1e2: {  	(xrf0) =	vadd.scan.msk.s32 $0xffff, v6;
	v7 =	vsel vm14, $0x1, v0  }
0x1e3: {  	(xrf0) =	vadd.scan.msk.s32 $0xffff, v7  }
0x1e4: {  	(xrf0) =	vadd.scan.msk.s32 $0xffff, v8;
	v8, _, _ =	vpop (xrf0)  }
0x1e5: {  	v9, _, _ =	vpop (xrf0);
	(v2sf) =	vpush v8, $0xF  }
0x1e6: {  	s31 =	spop (v2sf);
	(v2sf) =	vpush v9, $0xF  }
0x1e7: {  	s26 =	simm.s32 $0x8040  }
0x1e8: {  	v7 =	vld [tilespmem:s26+$0x0];
	s26 =	sadd.s32 s17, s31;
	v11, _, _ =	vpop (xrf0)  }
0x1e9: {  	v9 =	vadd.s32 s26, v8;
	(v2sf) =	vpush v11, $0xF;
	_ =	sdelay $0x1  }
0x1ea: {  	v8, _, _ =	vpop (xrf0)  }
0x1eb: {  	vm15 =	vge.s32 v9, v5;
	(v2sf) =	vpush v8, $0xF;
	v9, _, _ =	vpop (xrf0)  }
0x1ec: {  	(v2sf) =	vpush v9, $0xF;
	v9, _, _ =	vpop (xrf0)  }
0x1ed: {  	(v2sf) =	vpush v9, $0xF  }
0x1ee: {  	s21 =	simm.s32 $0x10;
	s22 =	simm.s32 $0x20  }
0x1ef: {  	s20 =	simm.s32 $0x30;
	s19 =	simm.s32 $0x40;
	s28 =	simm.s32 $0x8050;
	(xrf0) =	vadd.scan.msk.s32 $0xffff, v7;
	v11 =	vsel vm15, $0x1, v0  }
0x1f0: {  	s30 =	simm.s32 $0x60;
	s29 =	smov.u32 s14;
	s16 =	simm.s32 $0x50;
	v10 =	vsel vm15, $0x0, v10;
	(xrf0) =	vadd.scan.msk.s32 $0xffff, v11  }
0x1f1: {  	s24 =	simm.s32 $0x0;
	s25 =	simm.s32 $0x0;
	s23 =	smov.u32 s26;
	(xrf0) =	vadd.scan.msk.s32 $0xffff, v10  }
.LBB2_20:
0x1f2: {  	s0 =	smov.u32 s29;
	s29 =	smov.u32 s18  }
0x1f3: {  	p1 =	seq.s32 s30, $0x100;
	s31 =	smov.u32 s16;
	v9 =	vld [tilespmem:s28+$0x0];
	s18 =	spop (v2sf)  }
0x1f4: {  	s1 =	spop (v2sf)  }
0x1f5: {  	s16 =	smov.u32 s30;
	s4 =	sxor.u32 $0x1, s24;
	p2 =	sgt.s32 s1, $0x0  }
0x1f6: {  	s26 =	sadd.s32 s26, s18;
	v10, _, _ =	vpop (xrf0);
	s4 =	simm.s32 @!p2 $0x0  }
0x1f7: {  	v11 =	vadd.s32 s26, v8;
	s18 =	ssub.s32 s21, s1;
	(v2sf) =	vpush v10, $0xF;
	v12, _, _ =	vpop (xrf0);
	s1 =	spop (v2sf);
	v8 =	vmov v10;
	p2 =	seq.s32 s4, $0x0  }
.Ltmp12:
0x1f8: {  	vm0 =	vge.s32 v11, v5;
	(v2sf) =	vpush v12, $0xF;
	v10, _, _ =	vpop (xrf0);
	s1 =	sadd.s32 s1, s25;
	s24 =	sor.u32 s24, s4;
	(pc) =	sbr.rel @!p1 .LBB2_20-.Ltmp12, $4  }
0x1f9: {  	v11 =	vsel vm0, $0x1, v0;
	v12 =	vsel vm0, $0x0, v6;
	v6 =	vmovc v7;
	s25 =	smov.u32 s17;
	(xrf0) =	vadd.scan.msk.s32 $0xffff, v9;
	s18 =	smov.u32 @p2 s29;
	s29 =	ssub.s32 s14, s1;
	v7 =	vmov v9  }
0x1fa: {  	s17 =	smov.u32 s23;
	s23 =	smov.u32 s26;
	(xrf0) =	vadd.scan.msk.s32 $0xffff, v11;
	(v2sf) =	vpush v10, $0xF;
	s29 =	smov.u32 @p2 s0  }
0x1fb: {  	s21 =	smov.u32 s22;
	s22 =	smov.u32 s20;
	s20 =	smov.u32 s19;
	(xrf0) =	vadd.scan.msk.s32 $0xffff, v12  }
0x1fc: {  	s30 =	sadd.s32 $0x10, s30;
	s28 =	sadd.s32 $0x10, s28;
	s19 =	smov.u32 s31  }
0x1fd: {  	_ =	sdelay $0x4  }
0x1fe: {  	s0 =	spop (v2sf)  }
0x1ff: {  	s28 =	sadd.s32 s26, s0  }
0x200: {  	s31 =	spop (v2sf);
	v8 =	vadd.s32 s28, v8  }
0x201: {  	s1 =	spop (v2sf);
	vm0 =	vge.s32 v8, v5  }
0x202: {  	v8 =	vsel vm0, $0x1, v0;
	s4 =	spop (v2sf)  }
0x203: {  	v9, _, _ =	vpop (xrf0);
	v6 =	vsel vm0, $0x0, v6;
	(xrf0) =	vadd.scan.msk.s32 $0xffff, v8;
	s26 =	sadd.s32 s28, s4  }
0x204: {  	v63, _, _ =	vpop (xrf0);
	(xrf0) =	vadd.scan.msk.s32 $0xffff, v6;
	v62 =	vadd.s32 s26, v9  }
0x205: {  	(v2sf) =	vpush v9, $0xF;
	vm15 =	vge.s32 v62, v5  }
0x206: {  	(v2sf) =	vpush v63, $0xF;
	v6, _, _ =	vpop (xrf0);
	v5 =	vsel vm15, $0x1, v0  }
0x207: {  	(v2sf) =	vpush v6, $0xF;
	v7 =	vsel vm15, $0x0, v7;
	(xrf0) =	vadd.scan.msk.s32 $0xffff, v5  }
0x208: {  	(xrf0) =	vadd.scan.msk.s32 $0xffff, v7  }
0x209: {  	v5, _, _ =	vpop (xrf0)  }
0x20a: {  	(v2sf) =	vpush v5, $0xF;
	v5, _, _ =	vpop (xrf0)  }
0x20b: {  	(v2sf) =	vpush v5, $0xF;
	_ =	sdelay $0x1  }
0x20c: {  	p1 =	sgt.s32 s31, $0x0;
	s4 =	sxor.u32 $0x1, s24;
	v5, _, _ =	vpop (xrf0)  }
0x20d: {  	s1 =	sadd.s32 s1, s25;
	s4 =	simm.s32 @!p1 $0x0;
	(v2sf) =	vpush v5, $0xF;
	v5, _, _ =	vpop (xrf0)  }
0x20e: {  	s0 =	ssub.s32 s21, s31;
	s1 =	ssub.s32 s14, s1;
	p1 =	seq.s32 s4, $0x0;
	(v2sf) =	vpush v5, $0xF  }
0x20f: {  	s21 =	spop (v2sf);
	s4 =	sor.u32 s24, s4;
	s0 =	smov.u32 @p1 s18  }
0x210: {  	s1 =	smov.u32 @p1 s29;
	s18 =	sxor.u32 $0x1, s4;
	p1 =	sgt.s32 s21, $0x0  }
0x211: {  	s30 =	spop (v2sf);
	s18 =	simm.s32 @!p1 $0x0  }
0x212: {  	s21 =	ssub.s32 s22, s21;
	s17 =	sadd.s32 s30, s17;
	p1 =	seq.s32 s18, $0x0  }
0x213: {  	s21 =	smov.u32 @p1 s0;
	s0 =	ssub.s32 s14, s17;
	s31 =	spop (v2sf)  }
0x214: {  	s4 =	sor.u32 s4, s18;
	s0 =	smov.u32 @p1 s1;
	s18 =	spop (v2sf)  }
0x215: {  	s1 =	sxor.u32 $0x1, s4;
	p1 =	sgt.s32 s18, $0x0;
	s22 =	spop (v2sf)  }
0x216: {  	s17 =	ssub.s32 s20, s18;
	s1 =	simm.s32 @!p1 $0x0;
	s18 =	sadd.s32 s22, s23  }
0x217: {  	p1 =	seq.s32 s1, $0x0;
	s1 =	sor.u32 s4, s1;
	s4 =	ssub.s32 s14, s18  }
0x218: {  	s17 =	smov.u32 @p1 s21;
	s4 =	smov.u32 @p1 s0;
	s24 =	spop (v2sf)  }
0x219: {  	s0 =	sxor.u32 $0x1, s1;
	p1 =	sgt.s32 s24, $0x0;
	s25 =	spop (v2sf)  }
0x21a: {  	s18 =	ssub.s32 s19, s24;
	s0 =	simm.s32 @!p1 $0x0;
	s19 =	sadd.s32 s25, s28  }
0x21b: {  	p1 =	seq.s32 s0, $0x0;
	s0 =	sor.u32 s1, s0;
	s1 =	ssub.s32 s14, s19  }
.Ltmp13:
0x21c: {  	s18 =	smov.u32 @p1 s17;
	s29 =	spop (v2sf);
	(pc) =	sbr.rel @p0 .LBB2_22-.Ltmp13, $4  }
0x21d: {  	s0 =	sxor.u32 $0x1, s0;
	p2 =	sgt.s32 s29, $0x0;
	s30 =	spop (v2sf)  }
0x21e: {  	s1 =	smov.u32 @p1 s4;
	s0 =	simm.s32 @!p2 $0x0;
	s31 =	sadd.s32 s30, s26  }
0x21f: {  	s16 =	ssub.s32 s16, s29;
	p1 =	seq.s32 s0, $0x0;
	s14 =	ssub.s32 s14, s31  }
0x220: {  	s16 =	smov.u32 @p1 s18;
	s14 =	smov.u32 @p1 s1  }
0x221: {  	s18 =	simm.s32 $0x8100  }
0x222: {  	v6 =	vld [tilespmem:s18+$0x0];
	_ =	sdelay $0x4  }
0x223: {  	v5 =	vmov s16;
	s17 =	simm.s32 $0xA180;
	s16 =	simm.s32 $0x0;
	v8 =	vshra.s32 v6, v4  }
0x224: {  	v9 =	vor.u32 s16, v2;
	v7 =	vld [tilespmem:s17+$0x0];
	v8 =	vand.u32 $0xFF, v8  }
0x225: {  	vm0 =	vlt.s32 v9, v3;
	vm1 =	vlt.s32 v8, v5  }
0x226: {  	vm1 =	vmand vm0, vm1  }
0x227: {  	p1 =	sne.s32 s15, $0x1  }
.Ltmp14:
0x228: {  	_ = 	snop;
	(pc) =	sbr.rel @!p1 .LBB2_24-.Ltmp14, $4  }
0x229: {  	vm2 =	veq.s32 v8, v5  }
0x22a: {  	vm0 =	vmand vm0, vm2  }
0x22b: {  	v8 =	vsel vm0, $0x1, v0  }
0x22c: {  	s19 =	sadd.s32 $0xFFFFFFFF, s15;
	p0 =	por $0x0, $0x0;
	(xrf0) =	vadd.scan.msk.s32 $0xffff, v8;
	[tilespmem:v7+s11+$0x0] =	vst.idx.msk vm1, v1  }
0x22d: {  	_ =	sdelay $0x4  }
0x22e: {  	[tilespmem:v7+s12+$0x0] =	vst.idx.msk vm1, v0  }
0x22f: {  	[tilespmem:s16+$0xC200] =	vst.msk vm0, v6;
	v6, _, _ =	vpop (xrf0)  }
0x230: {  	s15 =	simm.s32 $0x8110;
	[tilespmem:s16+$0xE280] =	vst.msk vm0, v7;
	(v2sf) =	vpush v6, $0xF  }
0x231: {  	v6 =	vld [tilespmem:s15+$0x0];
	_ =	sdelay $0x4  }
0x232: {  	s17 =	simm.s32 $0xA190;
	s18 =	simm.s32 $0x10;
	v8 =	vshra.s32 v6, v4  }
0x233: {  	v9 =	vor.u32 s18, v2;
	v7 =	vld [tilespmem:s17+$0x0];
	v8 =	vand.u32 $0xFF, v8  }
0x234: {  	vm0 =	vlt.s32 v9, v3;
	vm1 =	vlt.s32 v8, v5;
	vm2 =	veq.s32 v8, v5  }
0x235: {  	vm1 =	vmand vm0, vm1;
	vm0 =	vmand vm0, vm2  }
0x236: {  	p1 =	sne.s32 s19, $0x1;
	v8 =	vsel vm0, $0x1, v0  }
.Ltmp15:
0x237: {  	(xrf0) =	vadd.scan.msk.s32 $0xffff, v8;
	(pc) =	sbr.rel @!p1 .LBB2_26-.Ltmp15, $3  }
0x238: {  	_ =	sdelay $0x1  }
0x239: {  	s20 =	sadd.s32 $0xFFFFFFFF, s19  }
0x23a: {  	p0 =	por $0x1, $0x1;
	s19 =	simm.s32 $0x0;
	[tilespmem:v7+s11+$0x0] =	vst.idx.msk vm1, v1;
	s21 =	spop (v2sf)  }
.LBB2_27:
0x23b: {  	p1 =	sne.s32 s20, $0x1;
	s20 =	sadd.s32 $0xFFFFFFFF, s20;
	[tilespmem:v7+s12+$0x0] =	vst.idx.msk vm1, v0;
	s19 =	sadd.s32 s19, s21  }
0x23c: {  	[tilespmem:s19+$0xC200] =	vst.msk vm0, v6;
	v6, _, _ =	vpop (xrf0)  }
0x23d: {  	s15 =	sadd.s32 $0x10, s15;
	[tilespmem:s19+$0xE280] =	vst.msk vm0, v7;
	(v2sf) =	vpush v6, $0xF  }
0x23e: {  	v6 =	vld [tilespmem:s15+$0x0];
	_ =	sdelay $0x4  }
0x23f: {  	s17 =	sadd.s32 $0x10, s17;
	s18 =	sadd.s32 $0x10, s18;
	v8 =	vshra.s32 v6, v4  }
0x240: {  	v9 =	vor.u32 s18, v2;
	v7 =	vld [tilespmem:s17+$0x0];
	v8 =	vand.u32 $0xFF, v8  }
0x241: {  	vm0 =	vlt.s32 v9, v3;
	vm1 =	vlt.s32 v8, v5;
	vm2 =	veq.s32 v8, v5  }
0x242: {  	vm1 =	vmand vm0, vm1;
	vm0 =	vmand vm0, vm2  }
0x243: {  	v8 =	vsel vm0, $0x1, v0  }
.Ltmp16:
0x244: {  	(xrf0) =	vadd.scan.msk.s32 $0xffff, v8;
	(pc) =	sbr.rel @p1 .LBB2_27-.Ltmp16, $2  }
0x245: {  	_ =	sdelay $0x2  }
0x246: {  	[tilespmem:v7+s11+$0x0] =	vst.idx.msk vm1, v1;
	s21 =	spop (v2sf)  }
.LBB2_28:
0x247: {  	_ = 	snop  }
0x248: {  	v3, _, _ =	vpop (xrf0)  }
0x249: {  	(v2sf) =	vpush v3, $0xF;
	_ =	sdelay $0xb  }
.Ltmp17:
0x24a: {  	_ = 	snop;
	(pc) =	sbr.rel .LBB2_29-.Ltmp17, $4  }
0x24b: {  	s0 =	sadd.s32 @p0 s19, s21  }
0x24c: {  	[tilespmem:v7+s12+$0x0] =	vst.idx.msk vm1, v0;
	s16 =	smov.u32 @p0 s0  }
0x24d: {  	[tilespmem:s16+$0xC200] =	vst.msk vm0, v6;
	s31 =	spop (v2sf)  }
0x24e: {  	[tilespmem:s16+$0xE280] =	vst.msk vm0, v7;
	s16 =	sadd.s32 s16, s31  }
.LBB2_22:
0x24f: {  	s16 =	simm.s32 $0x0  }
.LBB2_29:
0x250: {  	[tilespmem:$0x8000] =	vst v0  }
0x251: {  	[tilespmem:$0x8010] =	vst v0  }
0x252: {  	[tilespmem:$0x8020] =	vst v0  }
0x253: {  	[tilespmem:$0x8030] =	vst v0;
	s0 =	sadd.s32 $0xF, s16  }
0x254: {  	[tilespmem:$0x8040] =	vst v0;
	s1 =	sand.u32 $0xF, s0  }
0x255: {  	[tilespmem:$0x8050] =	vst v0;
	s30 =	sshra.s32 s0, $0x1F;
	p1 =	slt.s32 s0, $0x1;
	p0 =	sne.s32 s1, $0x0  }
0x256: {  	[tilespmem:$0x8060] =	vst v0;
	s1 =	sshrl.u32 s30, $0x1C;
	p0 =	por !p1, !p0  }
0x257: {  	[tilespmem:$0x8070] =	vst v0;
	s0 =	sadd.s32 s1, s0;
	s1 =	simm.s32 $0x1;
	p0 =	por !p0, !p0  }
0x258: {  	[tilespmem:$0x8080] =	vst v0;
	s0 =	sshra.s32 s0, $0x4;
	s1 =	simm.s32 @!p0 $0x0  }
0x259: {  	[tilespmem:$0x8090] =	vst v0;
	s15 =	ssub.s32 s0, s1  }
0x25a: {  	[tilespmem:$0x80A0] =	vst v0;
	p0 =	slt.s32 s15, $0x1  }
.Ltmp18:
0x25b: {  	[tilespmem:$0x80B0] =	vst v0;
	(pc) =	sbr.rel @p0 .LBB2_36-.Ltmp18, $4  }
0x25c: {  	[tilespmem:$0x80C0] =	vst v0;
	p1 =	sgt.s32 s13, $0x10  }
0x25d: {  	[tilespmem:$0x80D0] =	vst v0;
	s13 =	simm.s32 @!p1 $0x10  }
0x25e: {  	[tilespmem:$0x80E0] =	vst v0;
	s31 =	sadd.s32 $0xFFFFFFF0, s13  }
0x25f: {  	[tilespmem:$0x80F0] =	vst v0;
	v3 =	vmov s16;
	v4 =	vmov s31  }
0x260: {  	p2 =	seq.s32 s15, $0x1  }
.Ltmp19:
0x261: {  	_ = 	snop;
	(pc) =	sbr.rel @p2 .LBB2_31-.Ltmp19, $3  }
0x262: {  	_ =	sdelay $0x1  }
0x263: {  	s16 =	simm.s32 $0xC200  }
0x264: {  	s13 =	simm.s32 $0x0;
	p1 =	por $0x0, $0x0;
	v5 =	vld [tilespmem:s16+$0x0];
	s16 =	sadd.s32 $0xFFFFFFFF, s15  }
0x265: {  	_ =	sdelay $0x2  }
0x266: {  	v6 =	vor.u32 s13, v2  }
0x267: {  	vm0 =	vlt.s32 v6, v3;
	v5 =	vshra.s32 v5, v4  }
0x268: {  	v5 =	vand.u32 $0xFF, v5  }
0x269: {  	p2 =	seq.s32 s16, $0x1  }
.Ltmp20:
0x26a: {  	_ = 	snop;
	(pc) =	sbr.rel @p2 .LBB2_33-.Ltmp20, $3  }
0x26b: {  	_ =	sdelay $0x1  }
0x26c: {  	s17 =	simm.s32 $0xC210;
	[tilespmem:v5+s10+$0x0] =	vst.idx.add.s32.msk vm0, v1  }
0x26d: {  	s18 =	sadd.s32 $0xFFFFFFFF, s16;
	p1 =	por $0x1, $0x1;
	s16 =	simm.s32 $0x0;
	v5 =	vld [tilespmem:s17+$0x0]  }
.LBB2_34:
0x26e: {  	p2 =	seq.s32 s18, $0x1;
	_ =	sdelay $0x1  }
0x26f: {  	s16 =	sadd.s32 $0x10, s16  }
0x270: {  	v6 =	vor.u32 s16, v2  }
0x271: {  	vm0 =	vlt.s32 v6, v3;
	v5 =	vshra.s32 v5, v4  }
0x272: {  	v5 =	vand.u32 $0xFF, v5;
	_ =	sdelay $0x1  }
.Ltmp21:
0x273: {  	(pc) =	sbr.rel @!p2 .LBB2_34-.Ltmp21, $3  }
0x274: {  	_ =	sdelay $0x1  }
0x275: {  	s17 =	sadd.s32 $0x10, s17;
	[tilespmem:v5+s10+$0x0] =	vst.idx.add.s32.msk vm0, v1  }
0x276: {  	s18 =	sadd.s32 $0xFFFFFFFF, s18;
	v5 =	vld [tilespmem:s17+$0x0]  }
.LBB2_35:
0x277: {  	_ = 	snop  }
0x278: {  	s0 =	sadd.s32 @p1 $0x10, s16  }
0x279: {  	s13 =	smov.u32 @p1 s0  }
0x27a: {  	v6 =	vor.u32 s13, v2  }
0x27b: {  	vm0 =	vlt.s32 v6, v3;
	v5 =	vshra.s32 v5, v4  }
0x27c: {  	v5 =	vand.u32 $0xFF, v5;
	_ =	sdelay $0x4  }
0x27d: {  	[tilespmem:v5+s10+$0x0] =	vst.idx.add.s32.msk vm0, v1  }
.LBB2_36:
0x27e: {  	s13 =	simm.s32 $0x8000  }
0x27f: {  	v7 =	vld [tilespmem:s13+$0x0];
	_ =	sdelay $0x4  }
0x280: {  	(xrf0) =	vadd.scan.msk.s32 $0xffff, v7;
	_ =	sdelay $0x2  }
0x281: {  	s0 =	simm.s32 $0x8010  }
0x282: {  	v8 =	vld [tilespmem:s0+$0x0];
	_ =	sdelay $0x1  }
0x283: {  	v6, _, _ =	vpop (xrf0)  }
0x284: {  	(v2sf) =	vpush v6, $0xF;
	_ =	sdelay $0x1  }
0x285: {  	(xrf0) =	vadd.scan.msk.s32 $0xffff, v8;
	_ =	sdelay $0x5  }
0x286: {  	v9, _, _ =	vpop (xrf0)  }
0x287: {  	(v2sf) =	vpush v9, $0xF  }
0x288: {  	s24 =	simm.s32 $0x8020  }
0x289: {  	v10 =	vld [tilespmem:s24+$0x0];
	_ =	sdelay $0x1  }
0x28a: {  	s17 =	simm.s32 $0x0  }
0x28b: {  	v5 =	vmov s14;
	s25 =	simm.s32 $0x8030;
	v11 =	vadd.s32 s17, v6  }
0x28c: {  	v6 =	vld [tilespmem:s25+$0x0];
	vm0 =	vge.s32 v11, v5;
	s26 =	spop (v2sf)  }
0x28d: {  	(xrf0) =	vadd.scan.msk.s32 $0xffff, v10;
	v11 =	vsel vm0, $0x1, v0;
	s16 =	sadd.s32 $0x0, s26  }
0x28e: {  	(xrf0) =	vadd.scan.msk.s32 $0xffff, v11;
	v9 =	vadd.s32 s16, v9  }
0x28f: {  	v7 =	vsel vm0, $0x0, v7;
	vm14 =	vge.s32 v9, v5  }
0x290: {  	(xrf0) =	vadd.scan.msk.s32 $0xffff, v7;
	v8 =	vsel vm14, $0x0, v8  }
0x291: {  	(xrf0) =	vadd.scan.msk.s32 $0xffff, v6;
	v7 =	vsel vm14, $0x1, v0  }
0x292: {  	(xrf0) =	vadd.scan.msk.s32 $0xffff, v7  }
0x293: {  	(xrf0) =	vadd.scan.msk.s32 $0xffff, v8;
	v8, _, _ =	vpop (xrf0)  }
0x294: {  	v9, _, _ =	vpop (xrf0);
	(v2sf) =	vpush v8, $0xF  }
0x295: {  	s31 =	spop (v2sf);
	(v2sf) =	vpush v9, $0xF;
	_ =	sdelay $0x1  }
0x296: {  	s25 =	sadd.s32 s16, s31;
	v11, _, _ =	vpop (xrf0)  }
0x297: {  	v9 =	vadd.s32 s25, v8;
	(v2sf) =	vpush v11, $0xF  }
0x298: {  	s30 =	simm.s32 $0x8040  }
0x299: {  	v7 =	vld [tilespmem:s30+$0x0];
	v8, _, _ =	vpop (xrf0)  }
0x29a: {  	vm15 =	vge.s32 v9, v5;
	(v2sf) =	vpush v8, $0xF;
	v9, _, _ =	vpop (xrf0)  }
0x29b: {  	(v2sf) =	vpush v9, $0xF;
	v9, _, _ =	vpop (xrf0)  }
0x29c: {  	(v2sf) =	vpush v9, $0xF  }
0x29d: {  	s20 =	simm.s32 $0x10;
	s21 =	simm.s32 $0x20  }
0x29e: {  	s19 =	simm.s32 $0x30;
	s18 =	simm.s32 $0x40;
	s29 =	simm.s32 $0x60;
	(xrf0) =	vadd.scan.msk.s32 $0xffff, v7;
	v11 =	vsel vm15, $0x1, v0  }
0x29f: {  	s23 =	simm.s32 $0x0;
	s28 =	smov.u32 s14;
	s13 =	simm.s32 $0x50;
	v10 =	vsel vm15, $0x0, v10;
	(xrf0) =	vadd.scan.msk.s32 $0xffff, v11  }
0x2a0: {  	s24 =	simm.s32 $0x0;
	s26 =	simm.s32 $0x8050;
	s22 =	smov.u32 s25;
	(xrf0) =	vadd.scan.msk.s32 $0xffff, v10  }
.LBB2_37:
0x2a1: {  	s0 =	smov.u32 s28;
	s1 =	smov.u32 s17  }
0x2a2: {  	p1 =	seq.s32 s29, $0x100;
	s30 =	smov.u32 s13;
	v9 =	vld [tilespmem:s26+$0x0];
	s4 =	spop (v2sf)  }
0x2a3: {  	s13 =	smov.u32 s29;
	s17 =	spop (v2sf)  }
0x2a4: {  	s25 =	sadd.s32 s25, s4;
	s4 =	sxor.u32 $0x1, s23;
	p2 =	sgt.s32 s17, $0x0  }
0x2a5: {  	v10, _, _ =	vpop (xrf0);
	s4 =	simm.s32 @!p2 $0x0  }
0x2a6: {  	v11 =	vadd.s32 s25, v8;
	s17 =	ssub.s32 s20, s17;
	(v2sf) =	vpush v10, $0xF;
	v12, _, _ =	vpop (xrf0);
	s20 =	spop (v2sf);
	v8 =	vmov v10;
	p2 =	seq.s32 s4, $0x0  }
.Ltmp22:
0x2a7: {  	vm0 =	vge.s32 v11, v5;
	(v2sf) =	vpush v12, $0xF;
	v10, _, _ =	vpop (xrf0);
	s20 =	sadd.s32 s20, s24;
	s23 =	sor.u32 s23, s4;
	(pc) =	sbr.rel @!p1 .LBB2_37-.Ltmp22, $4  }
0x2a8: {  	v11 =	vsel vm0, $0x1, v0;
	v12 =	vsel vm0, $0x0, v6;
	v6 =	vmovc v7;
	s24 =	smov.u32 s16;
	(xrf0) =	vadd.scan.msk.s32 $0xffff, v9;
	s17 =	smov.u32 @p2 s1;
	s28 =	ssub.s32 s14, s20;
	v7 =	vmov v9  }
0x2a9: {  	s16 =	smov.u32 s22;
	s22 =	smov.u32 s25;
	(xrf0) =	vadd.scan.msk.s32 $0xffff, v11;
	(v2sf) =	vpush v10, $0xF;
	s28 =	smov.u32 @p2 s0  }
0x2aa: {  	s20 =	smov.u32 s21;
	s21 =	smov.u32 s19;
	s19 =	smov.u32 s18;
	(xrf0) =	vadd.scan.msk.s32 $0xffff, v12  }
0x2ab: {  	s29 =	sadd.s32 $0x10, s29;
	s26 =	sadd.s32 $0x10, s26;
	s18 =	smov.u32 s30  }
0x2ac: {  	_ =	sdelay $0x4  }
0x2ad: {  	s0 =	spop (v2sf)  }
0x2ae: {  	s26 =	sadd.s32 s25, s0  }
0x2af: {  	s31 =	spop (v2sf);
	v8 =	vadd.s32 s26, v8  }
0x2b0: {  	s1 =	spop (v2sf);
	vm0 =	vge.s32 v8, v5  }
0x2b1: {  	v8 =	vsel vm0, $0x1, v0;
	s4 =	spop (v2sf)  }
0x2b2: {  	v9, _, _ =	vpop (xrf0);
	v6 =	vsel vm0, $0x0, v6;
	(xrf0) =	vadd.scan.msk.s32 $0xffff, v8;
	s25 =	sadd.s32 s26, s4  }
0x2b3: {  	v63, _, _ =	vpop (xrf0);
	(xrf0) =	vadd.scan.msk.s32 $0xffff, v6;
	v62 =	vadd.s32 s25, v9  }
0x2b4: {  	(v2sf) =	vpush v9, $0xF;
	vm15 =	vge.s32 v62, v5  }
0x2b5: {  	(v2sf) =	vpush v63, $0xF;
	v6, _, _ =	vpop (xrf0);
	v5 =	vsel vm15, $0x1, v0  }
0x2b6: {  	(v2sf) =	vpush v6, $0xF;
	v7 =	vsel vm15, $0x0, v7;
	(xrf0) =	vadd.scan.msk.s32 $0xffff, v5  }
0x2b7: {  	(xrf0) =	vadd.scan.msk.s32 $0xffff, v7  }
0x2b8: {  	v5, _, _ =	vpop (xrf0)  }
0x2b9: {  	(v2sf) =	vpush v5, $0xF;
	v5, _, _ =	vpop (xrf0)  }
0x2ba: {  	(v2sf) =	vpush v5, $0xF;
	_ =	sdelay $0x1  }
0x2bb: {  	p1 =	sgt.s32 s31, $0x0;
	s4 =	sxor.u32 $0x1, s23;
	v5, _, _ =	vpop (xrf0)  }
0x2bc: {  	s1 =	sadd.s32 s1, s24;
	s4 =	simm.s32 @!p1 $0x0;
	(v2sf) =	vpush v5, $0xF;
	v5, _, _ =	vpop (xrf0)  }
0x2bd: {  	s0 =	ssub.s32 s20, s31;
	s1 =	ssub.s32 s14, s1;
	p1 =	seq.s32 s4, $0x0;
	(v2sf) =	vpush v5, $0xF  }
0x2be: {  	s29 =	spop (v2sf);
	s4 =	sor.u32 s23, s4;
	s0 =	smov.u32 @p1 s17  }
0x2bf: {  	s1 =	smov.u32 @p1 s28;
	s17 =	sxor.u32 $0x1, s4;
	p1 =	sgt.s32 s29, $0x0  }
0x2c0: {  	s30 =	spop (v2sf);
	s17 =	simm.s32 @!p1 $0x0  }
0x2c1: {  	s20 =	ssub.s32 s21, s29;
	s16 =	sadd.s32 s30, s16;
	p1 =	seq.s32 s17, $0x0  }
0x2c2: {  	s20 =	smov.u32 @p1 s0;
	s0 =	ssub.s32 s14, s16;
	s31 =	spop (v2sf)  }
0x2c3: {  	s4 =	sor.u32 s4, s17;
	s0 =	smov.u32 @p1 s1;
	s21 =	spop (v2sf)  }
0x2c4: {  	s1 =	sxor.u32 $0x1, s4;
	p1 =	sgt.s32 s21, $0x0;
	s23 =	spop (v2sf)  }
0x2c5: {  	s16 =	ssub.s32 s19, s21;
	s1 =	simm.s32 @!p1 $0x0;
	s17 =	sadd.s32 s23, s22  }
0x2c6: {  	p1 =	seq.s32 s1, $0x0;
	s1 =	sor.u32 s4, s1;
	s4 =	ssub.s32 s14, s17  }
0x2c7: {  	s16 =	smov.u32 @p1 s20;
	s4 =	smov.u32 @p1 s0;
	s24 =	spop (v2sf)  }
0x2c8: {  	s0 =	sxor.u32 $0x1, s1;
	p1 =	sgt.s32 s24, $0x0;
	s28 =	spop (v2sf)  }
0x2c9: {  	s17 =	ssub.s32 s18, s24;
	s0 =	simm.s32 @!p1 $0x0;
	s18 =	sadd.s32 s28, s26  }
0x2ca: {  	p1 =	seq.s32 s0, $0x0;
	s0 =	sor.u32 s1, s0;
	s1 =	ssub.s32 s14, s18  }
.Ltmp23:
0x2cb: {  	s17 =	smov.u32 @p1 s16;
	s29 =	spop (v2sf);
	(pc) =	sbr.rel @p0 .LBB2_39-.Ltmp23, $4  }
0x2cc: {  	s0 =	sxor.u32 $0x1, s0;
	p2 =	sgt.s32 s29, $0x0;
	s30 =	spop (v2sf)  }
0x2cd: {  	s1 =	smov.u32 @p1 s4;
	s0 =	simm.s32 @!p2 $0x0;
	s31 =	sadd.s32 s30, s25  }
0x2ce: {  	s16 =	ssub.s32 s13, s29;
	p1 =	seq.s32 s0, $0x0;
	s13 =	ssub.s32 s14, s31  }
0x2cf: {  	s16 =	smov.u32 @p1 s17;
	s13 =	smov.u32 @p1 s1  }
0x2d0: {  	s17 =	simm.s32 $0xC200  }
0x2d1: {  	v6 =	vld [tilespmem:s17+$0x0];
	_ =	sdelay $0x4  }
0x2d2: {  	s31 =	simm.s32 $0xE280;
	s14 =	simm.s32 $0x0;
	v8 =	vshra.s32 v6, v4  }
0x2d3: {  	v5 =	vmov s16;
	v9 =	vor.u32 s14, v2;
	v7 =	vld [tilespmem:s31+$0x0];
	v8 =	vand.u32 $0xFF, v8  }
0x2d4: {  	vm0 =	vlt.s32 v9, v3;
	vm1 =	vlt.s32 v8, v5  }
0x2d5: {  	vm1 =	vmand vm0, vm1  }
0x2d6: {  	p1 =	sne.s32 s15, $0x1  }
.Ltmp24:
0x2d7: {  	_ = 	snop;
	(pc) =	sbr.rel @!p1 .LBB2_41-.Ltmp24, $4  }
0x2d8: {  	vm2 =	veq.s32 v8, v5  }
0x2d9: {  	vm0 =	vmand vm0, vm2  }
0x2da: {  	v8 =	vsel vm0, $0x1, v0  }
0x2db: {  	s18 =	sadd.s32 $0xFFFFFFFF, s15;
	p0 =	por $0x0, $0x0;
	(xrf0) =	vadd.scan.msk.s32 $0xffff, v8;
	[tilespmem:v7+s11+$0x0] =	vst.idx.msk vm1, v1  }
0x2dc: {  	_ =	sdelay $0x4  }
0x2dd: {  	[tilespmem:v7+s12+$0x0] =	vst.idx.msk vm1, v0  }
0x2de: {  	[tilespmem:s14+$0x8100] =	vst.msk vm0, v6;
	v6, _, _ =	vpop (xrf0)  }
0x2df: {  	s15 =	simm.s32 $0xC210;
	[tilespmem:s14+$0xA180] =	vst.msk vm0, v7;
	(v2sf) =	vpush v6, $0xF  }
0x2e0: {  	v6 =	vld [tilespmem:s15+$0x0];
	_ =	sdelay $0x4  }
0x2e1: {  	s16 =	simm.s32 $0xE290;
	s17 =	simm.s32 $0x10;
	v8 =	vshra.s32 v6, v4  }
0x2e2: {  	v9 =	vor.u32 s17, v2;
	v7 =	vld [tilespmem:s16+$0x0];
	v8 =	vand.u32 $0xFF, v8  }
0x2e3: {  	vm0 =	vlt.s32 v9, v3;
	vm1 =	vlt.s32 v8, v5;
	vm2 =	veq.s32 v8, v5  }
0x2e4: {  	vm1 =	vmand vm0, vm1;
	vm0 =	vmand vm0, vm2  }
0x2e5: {  	p1 =	sne.s32 s18, $0x1;
	v8 =	vsel vm0, $0x1, v0  }
.Ltmp25:
0x2e6: {  	(xrf0) =	vadd.scan.msk.s32 $0xffff, v8;
	(pc) =	sbr.rel @!p1 .LBB2_43-.Ltmp25, $3  }
0x2e7: {  	_ =	sdelay $0x1  }
0x2e8: {  	s19 =	sadd.s32 $0xFFFFFFFF, s18  }
0x2e9: {  	p0 =	por $0x1, $0x1;
	s18 =	simm.s32 $0x0;
	[tilespmem:v7+s11+$0x0] =	vst.idx.msk vm1, v1;
	s20 =	spop (v2sf)  }
.LBB2_44:
0x2ea: {  	p1 =	sne.s32 s19, $0x1;
	s19 =	sadd.s32 $0xFFFFFFFF, s19;
	[tilespmem:v7+s12+$0x0] =	vst.idx.msk vm1, v0;
	s18 =	sadd.s32 s18, s20  }
0x2eb: {  	[tilespmem:s18+$0x8100] =	vst.msk vm0, v6;
	v6, _, _ =	vpop (xrf0)  }
0x2ec: {  	s15 =	sadd.s32 $0x10, s15;
	[tilespmem:s18+$0xA180] =	vst.msk vm0, v7;
	(v2sf) =	vpush v6, $0xF  }
0x2ed: {  	v6 =	vld [tilespmem:s15+$0x0];
	_ =	sdelay $0x4  }
0x2ee: {  	s16 =	sadd.s32 $0x10, s16;
	s17 =	sadd.s32 $0x10, s17;
	v8 =	vshra.s32 v6, v4  }
0x2ef: {  	v9 =	vor.u32 s17, v2;
	v7 =	vld [tilespmem:s16+$0x0];
	v8 =	vand.u32 $0xFF, v8  }
0x2f0: {  	vm0 =	vlt.s32 v9, v3;
	vm1 =	vlt.s32 v8, v5;
	vm2 =	veq.s32 v8, v5  }
0x2f1: {  	vm1 =	vmand vm0, vm1;
	vm0 =	vmand vm0, vm2  }
0x2f2: {  	v8 =	vsel vm0, $0x1, v0  }
.Ltmp26:
0x2f3: {  	(xrf0) =	vadd.scan.msk.s32 $0xffff, v8;
	(pc) =	sbr.rel @p1 .LBB2_44-.Ltmp26, $2  }
0x2f4: {  	_ =	sdelay $0x2  }
0x2f5: {  	[tilespmem:v7+s11+$0x0] =	vst.idx.msk vm1, v1;
	s20 =	spop (v2sf)  }
.LBB2_45:
0x2f6: {  	_ = 	snop  }
0x2f7: {  	v3, _, _ =	vpop (xrf0)  }
0x2f8: {  	(v2sf) =	vpush v3, $0xF;
	_ =	sdelay $0xb  }
.Ltmp27:
0x2f9: {  	_ = 	snop;
	(pc) =	sbr.rel .LBB2_46-.Ltmp27, $4  }
0x2fa: {  	s0 =	sadd.s32 @p0 s18, s20  }
0x2fb: {  	[tilespmem:v7+s12+$0x0] =	vst.idx.msk vm1, v0;
	s14 =	smov.u32 @p0 s0  }
0x2fc: {  	[tilespmem:s14+$0x8100] =	vst.msk vm0, v6;
	s31 =	spop (v2sf)  }
0x2fd: {  	[tilespmem:s14+$0xA180] =	vst.msk vm0, v7;
	s15 =	sadd.s32 s14, s31  }
.LBB2_39:
0x2fe: {  	s15 =	simm.s32 $0x0  }
.LBB2_46:
0x2ff: {  	[tilespmem:$0x8000] =	vst v0  }
0x300: {  	[tilespmem:$0x8010] =	vst v0  }
0x301: {  	[tilespmem:$0x8020] =	vst v0  }
0x302: {  	[tilespmem:$0x8030] =	vst v0;
	s0 =	sadd.s32 $0xF, s15  }
0x303: {  	[tilespmem:$0x8040] =	vst v0;
	s1 =	sand.u32 $0xF, s0  }
0x304: {  	[tilespmem:$0x8050] =	vst v0;
	s31 =	sshra.s32 s0, $0x1F;
	p1 =	slt.s32 s0, $0x1;
	p0 =	sne.s32 s1, $0x0  }
0x305: {  	[tilespmem:$0x8060] =	vst v0;
	s1 =	sshrl.u32 s31, $0x1C;
	p0 =	por !p1, !p0  }
0x306: {  	[tilespmem:$0x8070] =	vst v0;
	s0 =	sadd.s32 s1, s0;
	s1 =	simm.s32 $0x1;
	p0 =	por !p0, !p0  }
0x307: {  	[tilespmem:$0x8080] =	vst v0;
	s0 =	sshra.s32 s0, $0x4;
	s1 =	simm.s32 @!p0 $0x0  }
0x308: {  	[tilespmem:$0x8090] =	vst v0;
	s14 =	ssub.s32 s0, s1  }
0x309: {  	[tilespmem:$0x80A0] =	vst v0;
	p0 =	slt.s32 s14, $0x1  }
.Ltmp28:
0x30a: {  	[tilespmem:$0x80B0] =	vst v0;
	(pc) =	sbr.rel @p0 .LBB2_53-.Ltmp28, $4  }
0x30b: {  	[tilespmem:$0x80C0] =	vst v0  }
0x30c: {  	[tilespmem:$0x80D0] =	vst v0  }
0x30d: {  	[tilespmem:$0x80E0] =	vst v0  }
0x30e: {  	[tilespmem:$0x80F0] =	vst v0;
	v3 =	vmov s15  }
0x30f: {  	p2 =	seq.s32 s14, $0x1  }
.Ltmp29:
0x310: {  	_ = 	snop;
	(pc) =	sbr.rel @p2 .LBB2_48-.Ltmp29, $3  }
0x311: {  	_ =	sdelay $0x1  }
0x312: {  	s16 =	simm.s32 $0x8100  }
0x313: {  	s15 =	simm.s32 $0x0;
	p1 =	por $0x0, $0x0;
	v4 =	vld [tilespmem:s16+$0x0];
	s16 =	sadd.s32 $0xFFFFFFFF, s14  }
0x314: {  	_ =	sdelay $0x1  }
0x315: {  	v5 =	vor.u32 s15, v2  }
0x316: {  	vm0 =	vlt.s32 v5, v3  }
0x317: {  	v4 =	vand.u32 $0xFF, v4  }
0x318: {  	p2 =	seq.s32 s16, $0x1  }
.Ltmp30:
0x319: {  	_ = 	snop;
	(pc) =	sbr.rel @p2 .LBB2_50-.Ltmp30, $3  }
0x31a: {  	_ =	sdelay $0x1  }
0x31b: {  	s17 =	simm.s32 $0x8110;
	[tilespmem:v4+s10+$0x0] =	vst.idx.add.s32.msk vm0, v1  }
0x31c: {  	s18 =	sadd.s32 $0xFFFFFFFF, s16;
	p1 =	por $0x1, $0x1;
	s16 =	simm.s32 $0x0;
	v4 =	vld [tilespmem:s17+$0x0]  }
.LBB2_51:
0x31d: {  	p2 =	seq.s32 s18, $0x1  }
0x31e: {  	s16 =	sadd.s32 $0x10, s16  }
0x31f: {  	v5 =	vor.u32 s16, v2  }
0x320: {  	vm0 =	vlt.s32 v5, v3  }
0x321: {  	v4 =	vand.u32 $0xFF, v4;
	_ =	sdelay $0x1  }
.Ltmp31:
0x322: {  	(pc) =	sbr.rel @!p2 .LBB2_51-.Ltmp31, $3  }
0x323: {  	_ =	sdelay $0x1  }
0x324: {  	s17 =	sadd.s32 $0x10, s17;
	[tilespmem:v4+s10+$0x0] =	vst.idx.add.s32.msk vm0, v1  }
0x325: {  	s18 =	sadd.s32 $0xFFFFFFFF, s18;
	v4 =	vld [tilespmem:s17+$0x0]  }
.LBB2_52:
0x326: {  	s0 =	sadd.s32 @p1 $0x10, s16  }
0x327: {  	s15 =	smov.u32 @p1 s0  }
0x328: {  	v5 =	vor.u32 s15, v2  }
0x329: {  	vm0 =	vlt.s32 v5, v3  }
0x32a: {  	v4 =	vand.u32 $0xFF, v4;
	_ =	sdelay $0x4  }
0x32b: {  	[tilespmem:v4+s10+$0x0] =	vst.idx.add.s32.msk vm0, v1  }
.LBB2_53:
0x32c: {  	s15 =	simm.s32 $0x8000  }
0x32d: {  	v6 =	vld [tilespmem:s15+$0x0];
	_ =	sdelay $0x4  }
0x32e: {  	(xrf0) =	vadd.scan.msk.s32 $0xffff, v6;
	_ =	sdelay $0x2  }
0x32f: {  	s0 =	simm.s32 $0x8010  }
0x330: {  	v7 =	vld [tilespmem:s0+$0x0];
	_ =	sdelay $0x1  }
0x331: {  	v5, _, _ =	vpop (xrf0)  }
0x332: {  	(v2sf) =	vpush v5, $0xF;
	_ =	sdelay $0x1  }
0x333: {  	(xrf0) =	vadd.scan.msk.s32 $0xffff, v7;
	_ =	sdelay $0x5  }
0x334: {  	v8, _, _ =	vpop (xrf0)  }
0x335: {  	(v2sf) =	vpush v8, $0xF  }
0x336: {  	s24 =	simm.s32 $0x8020  }
0x337: {  	v9 =	vld [tilespmem:s24+$0x0];
	_ =	sdelay $0x1  }
0x338: {  	s17 =	simm.s32 $0x0  }
0x339: {  	v4 =	vmov s13;
	s25 =	simm.s32 $0x8030;
	v10 =	vadd.s32 s17, v5  }
0x33a: {  	v5 =	vld [tilespmem:s25+$0x0];
	vm0 =	vge.s32 v10, v4;
	s26 =	spop (v2sf)  }
0x33b: {  	(xrf0) =	vadd.scan.msk.s32 $0xffff, v9;
	v10 =	vsel vm0, $0x1, v0;
	s16 =	sadd.s32 $0x0, s26  }
0x33c: {  	(xrf0) =	vadd.scan.msk.s32 $0xffff, v10;
	v8 =	vadd.s32 s16, v8  }
0x33d: {  	v6 =	vsel vm0, $0x0, v6;
	vm14 =	vge.s32 v8, v4  }
0x33e: {  	(xrf0) =	vadd.scan.msk.s32 $0xffff, v6;
	v7 =	vsel vm14, $0x0, v7  }
0x33f: {  	(xrf0) =	vadd.scan.msk.s32 $0xffff, v5;
	v6 =	vsel vm14, $0x1, v0  }
0x340: {  	(xrf0) =	vadd.scan.msk.s32 $0xffff, v6  }
0x341: {  	(xrf0) =	vadd.scan.msk.s32 $0xffff, v7;
	v7, _, _ =	vpop (xrf0)  }
0x342: {  	v8, _, _ =	vpop (xrf0);
	(v2sf) =	vpush v7, $0xF  }
0x343: {  	s31 =	spop (v2sf);
	(v2sf) =	vpush v8, $0xF;
	_ =	sdelay $0x1  }
0x344: {  	s25 =	sadd.s32 s16, s31;
	v62, _, _ =	vpop (xrf0)  }
0x345: {  	v8 =	vadd.s32 s25, v7;
	(v2sf) =	vpush v62, $0xF  }
0x346: {  	s30 =	simm.s32 $0x8040  }
0x347: {  	v6 =	vld [tilespmem:s30+$0x0];
	v7, _, _ =	vpop (xrf0)  }
0x348: {  	vm15 =	vge.s32 v8, v4;
	(v2sf) =	vpush v7, $0xF;
	v8, _, _ =	vpop (xrf0)  }
0x349: {  	(v2sf) =	vpush v8, $0xF;
	v8, _, _ =	vpop (xrf0)  }
0x34a: {  	(v2sf) =	vpush v8, $0xF  }
0x34b: {  	s20 =	simm.s32 $0x10;
	s21 =	simm.s32 $0x20  }
0x34c: {  	s19 =	simm.s32 $0x30;
	s18 =	simm.s32 $0x40;
	s29 =	simm.s32 $0x60;
	(xrf0) =	vadd.scan.msk.s32 $0xffff, v6;
	v63 =	vsel vm15, $0x1, v0  }
0x34d: {  	s23 =	simm.s32 $0x0;
	s28 =	smov.u32 s13;
	s15 =	simm.s32 $0x50;
	v9 =	vsel vm15, $0x0, v9;
	(xrf0) =	vadd.scan.msk.s32 $0xffff, v63  }
0x34e: {  	s24 =	simm.s32 $0x0;
	s26 =	simm.s32 $0x8050;
	s22 =	smov.u32 s25;
	(xrf0) =	vadd.scan.msk.s32 $0xffff, v9  }
.LBB2_54:
0x34f: {  	s0 =	smov.u32 s28;
	s1 =	smov.u32 s17  }
0x350: {  	p1 =	seq.s32 s29, $0x100;
	s30 =	smov.u32 s15;
	v8 =	vld [tilespmem:s26+$0x0];
	s4 =	spop (v2sf)  }
0x351: {  	s15 =	smov.u32 s29;
	s17 =	spop (v2sf)  }
0x352: {  	s25 =	sadd.s32 s25, s4;
	s4 =	sxor.u32 $0x1, s23;
	p2 =	sgt.s32 s17, $0x0  }
0x353: {  	v9, _, _ =	vpop (xrf0);
	s4 =	simm.s32 @!p2 $0x0  }
0x354: {  	v10 =	vadd.s32 s25, v7;
	s17 =	ssub.s32 s20, s17;
	(v2sf) =	vpush v9, $0xF;
	v11, _, _ =	vpop (xrf0);
	s20 =	spop (v2sf);
	v7 =	vmov v9;
	p2 =	seq.s32 s4, $0x0  }
.Ltmp32:
0x355: {  	vm0 =	vge.s32 v10, v4;
	(v2sf) =	vpush v11, $0xF;
	v9, _, _ =	vpop (xrf0);
	s20 =	sadd.s32 s20, s24;
	s23 =	sor.u32 s23, s4;
	(pc) =	sbr.rel @!p1 .LBB2_54-.Ltmp32, $4  }
0x356: {  	v10 =	vsel vm0, $0x1, v0;
	v11 =	vsel vm0, $0x0, v5;
	v5 =	vmovc v6;
	s24 =	smov.u32 s16;
	(xrf0) =	vadd.scan.msk.s32 $0xffff, v8;
	s17 =	smov.u32 @p2 s1;
	s28 =	ssub.s32 s13, s20;
	v6 =	vmov v8  }
0x357: {  	s16 =	smov.u32 s22;
	s22 =	smov.u32 s25;
	(xrf0) =	vadd.scan.msk.s32 $0xffff, v10;
	(v2sf) =	vpush v9, $0xF;
	s28 =	smov.u32 @p2 s0  }
0x358: {  	s20 =	smov.u32 s21;
	s21 =	smov.u32 s19;
	s19 =	smov.u32 s18;
	(xrf0) =	vadd.scan.msk.s32 $0xffff, v11  }
0x359: {  	s29 =	sadd.s32 $0x10, s29;
	s26 =	sadd.s32 $0x10, s26;
	s18 =	smov.u32 s30  }
0x35a: {  	_ =	sdelay $0x4  }
0x35b: {  	s0 =	spop (v2sf)  }
0x35c: {  	s26 =	sadd.s32 s25, s0  }
0x35d: {  	s31 =	spop (v2sf);
	v7 =	vadd.s32 s26, v7  }
0x35e: {  	s1 =	spop (v2sf);
	vm0 =	vge.s32 v7, v4  }
0x35f: {  	v7 =	vsel vm0, $0x1, v0;
	s4 =	spop (v2sf)  }
0x360: {  	v8, _, _ =	vpop (xrf0);
	v5 =	vsel vm0, $0x0, v5;
	(xrf0) =	vadd.scan.msk.s32 $0xffff, v7;
	s25 =	sadd.s32 s26, s4  }
0x361: {  	v63, _, _ =	vpop (xrf0);
	(xrf0) =	vadd.scan.msk.s32 $0xffff, v5;
	v62 =	vadd.s32 s25, v8  }
0x362: {  	(v2sf) =	vpush v8, $0xF;
	vm15 =	vge.s32 v62, v4  }
0x363: {  	(v2sf) =	vpush v63, $0xF;
	v5, _, _ =	vpop (xrf0);
	v4 =	vsel vm15, $0x1, v0  }
0x364: {  	(v2sf) =	vpush v5, $0xF;
	v6 =	vsel vm15, $0x0, v6;
	(xrf0) =	vadd.scan.msk.s32 $0xffff, v4  }
0x365: {  	(xrf0) =	vadd.scan.msk.s32 $0xffff, v6  }
0x366: {  	v4, _, _ =	vpop (xrf0)  }
0x367: {  	(v2sf) =	vpush v4, $0xF;
	v4, _, _ =	vpop (xrf0)  }
0x368: {  	(v2sf) =	vpush v4, $0xF;
	_ =	sdelay $0x1  }
0x369: {  	p1 =	sgt.s32 s31, $0x0;
	s4 =	sxor.u32 $0x1, s23;
	v4, _, _ =	vpop (xrf0)  }
0x36a: {  	s1 =	sadd.s32 s1, s24;
	s4 =	simm.s32 @!p1 $0x0;
	(v2sf) =	vpush v4, $0xF;
	v4, _, _ =	vpop (xrf0)  }
0x36b: {  	s0 =	ssub.s32 s20, s31;
	s1 =	ssub.s32 s13, s1;
	p1 =	seq.s32 s4, $0x0;
	(v2sf) =	vpush v4, $0xF  }
0x36c: {  	s29 =	spop (v2sf);
	s4 =	sor.u32 s23, s4;
	s0 =	smov.u32 @p1 s17  }
0x36d: {  	s1 =	smov.u32 @p1 s28;
	s17 =	sxor.u32 $0x1, s4;
	p1 =	sgt.s32 s29, $0x0  }
0x36e: {  	s30 =	spop (v2sf);
	s17 =	simm.s32 @!p1 $0x0  }
0x36f: {  	s20 =	ssub.s32 s21, s29;
	s16 =	sadd.s32 s30, s16;
	p1 =	seq.s32 s17, $0x0  }
0x370: {  	s20 =	smov.u32 @p1 s0;
	s0 =	ssub.s32 s13, s16;
	s31 =	spop (v2sf)  }
0x371: {  	s4 =	sor.u32 s4, s17;
	s0 =	smov.u32 @p1 s1;
	s21 =	spop (v2sf)  }
0x372: {  	s1 =	sxor.u32 $0x1, s4;
	p1 =	sgt.s32 s21, $0x0;
	s23 =	spop (v2sf)  }
0x373: {  	s16 =	ssub.s32 s19, s21;
	s1 =	simm.s32 @!p1 $0x0;
	s17 =	sadd.s32 s23, s22  }
0x374: {  	p1 =	seq.s32 s1, $0x0;
	s1 =	sor.u32 s4, s1;
	s4 =	ssub.s32 s13, s17  }
0x375: {  	s16 =	smov.u32 @p1 s20;
	s4 =	smov.u32 @p1 s0;
	s24 =	spop (v2sf)  }
0x376: {  	s0 =	sxor.u32 $0x1, s1;
	p1 =	sgt.s32 s24, $0x0;
	s28 =	spop (v2sf)  }
0x377: {  	s17 =	ssub.s32 s18, s24;
	s0 =	simm.s32 @!p1 $0x0;
	s18 =	sadd.s32 s28, s26  }
0x378: {  	p1 =	seq.s32 s0, $0x0;
	s0 =	sor.u32 s1, s0;
	s1 =	ssub.s32 s13, s18  }
.Ltmp33:
0x379: {  	s17 =	smov.u32 @p1 s16;
	s29 =	spop (v2sf);
	(pc) =	sbr.rel @p0 .LBB2_56-.Ltmp33, $4  }
0x37a: {  	s0 =	sxor.u32 $0x1, s0;
	p2 =	sgt.s32 s29, $0x0;
	s30 =	spop (v2sf)  }
0x37b: {  	s1 =	smov.u32 @p1 s4;
	s0 =	simm.s32 @!p2 $0x0;
	s31 =	sadd.s32 s30, s25  }
0x37c: {  	s15 =	ssub.s32 s15, s29;
	p1 =	seq.s32 s0, $0x0;
	s13 =	ssub.s32 s13, s31  }
0x37d: {  	s15 =	smov.u32 @p1 s17;
	s13 =	smov.u32 @p1 s1  }
0x37e: {  	s17 =	simm.s32 $0x8100  }
0x37f: {  	v5 =	vld [tilespmem:s17+$0x0];
	_ =	sdelay $0x3  }
0x380: {  	v4 =	vmov s15;
	s16 =	simm.s32 $0xA180;
	s15 =	simm.s32 $0x0  }
0x381: {  	v7 =	vor.u32 s15, v2;
	v6 =	vld [tilespmem:s16+$0x0];
	v8 =	vand.u32 $0xFF, v5  }
0x382: {  	vm0 =	vlt.s32 v7, v3;
	vm1 =	vlt.s32 v8, v4  }
0x383: {  	vm1 =	vmand vm0, vm1  }
0x384: {  	p1 =	sne.s32 s14, $0x1  }
.Ltmp34:
0x385: {  	_ = 	snop;
	(pc) =	sbr.rel @!p1 .LBB2_58-.Ltmp34, $4  }
0x386: {  	vm2 =	veq.s32 v8, v4  }
0x387: {  	vm0 =	vmand vm0, vm2  }
0x388: {  	v7 =	vsel vm0, $0x1, v0  }
0x389: {  	s18 =	sadd.s32 $0xFFFFFFFF, s14;
	p0 =	por $0x0, $0x0;
	(xrf0) =	vadd.scan.msk.s32 $0xffff, v7;
	[tilespmem:v6+s11+$0x0] =	vst.idx.msk vm1, v1  }
0x38a: {  	_ =	sdelay $0x4  }
0x38b: {  	[tilespmem:v6+s12+$0x0] =	vst.idx.msk vm1, v0;
	v7, _, _ =	vpop (xrf0)  }
0x38c: {  	[tilespmem:s15+$0xC200] =	vst.msk vm0, v5;
	(v2sf) =	vpush v7, $0xF  }
0x38d: {  	s14 =	simm.s32 $0x8110;
	[tilespmem:s15+$0xE280] =	vst.msk vm0, v6  }
0x38e: {  	v5 =	vld [tilespmem:s14+$0x0];
	_ =	sdelay $0x3  }
0x38f: {  	s16 =	simm.s32 $0xA190;
	s17 =	simm.s32 $0x10  }
0x390: {  	v6 =	vld [tilespmem:s16+$0x0];
	v7 =	vor.u32 s17, v2;
	v8 =	vand.u32 $0xFF, v5  }
0x391: {  	vm0 =	vlt.s32 v7, v3;
	vm1 =	vlt.s32 v8, v4;
	vm2 =	veq.s32 v8, v4  }
0x392: {  	vm1 =	vmand vm0, vm1;
	vm0 =	vmand vm0, vm2  }
0x393: {  	p1 =	sne.s32 s18, $0x1;
	v7 =	vsel vm0, $0x1, v0  }
.Ltmp35:
0x394: {  	(xrf0) =	vadd.scan.msk.s32 $0xffff, v7;
	(pc) =	sbr.rel @!p1 .LBB2_60-.Ltmp35, $3  }
0x395: {  	_ =	sdelay $0x1  }
0x396: {  	s19 =	sadd.s32 $0xFFFFFFFF, s18  }
0x397: {  	p0 =	por $0x1, $0x1;
	s18 =	simm.s32 $0x0;
	[tilespmem:v6+s11+$0x0] =	vst.idx.msk vm1, v1;
	s20 =	spop (v2sf)  }
.LBB2_61:
0x398: {  	p1 =	sne.s32 s19, $0x1;
	s19 =	sadd.s32 $0xFFFFFFFF, s19;
	s18 =	sadd.s32 s18, s20  }
0x399: {  	[tilespmem:v6+s12+$0x0] =	vst.idx.msk vm1, v0;
	v7, _, _ =	vpop (xrf0)  }
0x39a: {  	[tilespmem:s18+$0xC200] =	vst.msk vm0, v5;
	(v2sf) =	vpush v7, $0xF  }
0x39b: {  	s14 =	sadd.s32 $0x10, s14;
	[tilespmem:s18+$0xE280] =	vst.msk vm0, v6  }
0x39c: {  	v5 =	vld [tilespmem:s14+$0x0];
	_ =	sdelay $0x3  }
0x39d: {  	s16 =	sadd.s32 $0x10, s16;
	s17 =	sadd.s32 $0x10, s17  }
0x39e: {  	v7 =	vor.u32 s17, v2;
	v6 =	vld [tilespmem:s16+$0x0];
	v8 =	vand.u32 $0xFF, v5  }
0x39f: {  	vm0 =	vlt.s32 v7, v3;
	vm1 =	vlt.s32 v8, v4;
	vm2 =	veq.s32 v8, v4  }
0x3a0: {  	vm1 =	vmand vm0, vm1;
	vm0 =	vmand vm0, vm2  }
0x3a1: {  	v7 =	vsel vm0, $0x1, v0  }
.Ltmp36:
0x3a2: {  	(xrf0) =	vadd.scan.msk.s32 $0xffff, v7;
	(pc) =	sbr.rel @p1 .LBB2_61-.Ltmp36, $2  }
0x3a3: {  	_ =	sdelay $0x2  }
0x3a4: {  	[tilespmem:v6+s11+$0x0] =	vst.idx.msk vm1, v1;
	s20 =	spop (v2sf)  }
.LBB2_62:
0x3a5: {  	_ = 	snop  }
0x3a6: {  	v3, _, _ =	vpop (xrf0)  }
0x3a7: {  	(v2sf) =	vpush v3, $0xF;
	_ =	sdelay $0xb  }
.Ltmp37:
0x3a8: {  	_ = 	snop;
	(pc) =	sbr.rel .LBB2_63-.Ltmp37, $4  }
0x3a9: {  	s0 =	sadd.s32 @p0 s18, s20  }
0x3aa: {  	[tilespmem:v6+s12+$0x0] =	vst.idx.msk vm1, v0;
	s15 =	smov.u32 @p0 s0  }
0x3ab: {  	[tilespmem:s15+$0xC200] =	vst.msk vm0, v5;
	s31 =	spop (v2sf)  }
0x3ac: {  	[tilespmem:s15+$0xE280] =	vst.msk vm0, v6;
	s15 =	sadd.s32 s15, s31  }
.LBB2_56:
0x3ad: {  	s15 =	simm.s32 $0x0  }
.LBB2_63:
0x3ae: {  	[tilespmem:$0x8000] =	vst v0  }
0x3af: {  	[tilespmem:$0x8010] =	vst v0  }
0x3b0: {  	[tilespmem:$0x8020] =	vst v0  }
0x3b1: {  	[tilespmem:$0x8030] =	vst v0;
	s0 =	sadd.s32 $0xF, s15  }
0x3b2: {  	[tilespmem:$0x8040] =	vst v0;
	s1 =	sand.u32 $0xF, s0  }
0x3b3: {  	[tilespmem:$0x8050] =	vst v0;
	s31 =	sshra.s32 s0, $0x1F;
	p1 =	slt.s32 s0, $0x1;
	p0 =	sne.s32 s1, $0x0  }
0x3b4: {  	[tilespmem:$0x8060] =	vst v0;
	s1 =	sshrl.u32 s31, $0x1C;
	p0 =	por !p1, !p0  }
0x3b5: {  	[tilespmem:$0x8070] =	vst v0;
	s0 =	sadd.s32 s1, s0;
	s1 =	simm.s32 $0x1;
	p0 =	por !p0, !p0  }
0x3b6: {  	[tilespmem:$0x8080] =	vst v0;
	s0 =	sshra.s32 s0, $0x4;
	s1 =	simm.s32 @!p0 $0x0  }
0x3b7: {  	[tilespmem:$0x8090] =	vst v0;
	s14 =	ssub.s32 s0, s1  }
0x3b8: {  	[tilespmem:$0x80A0] =	vst v0;
	p0 =	slt.s32 s14, $0x1  }
.Ltmp38:
0x3b9: {  	[tilespmem:$0x80B0] =	vst v0;
	(pc) =	sbr.rel @p0 .LBB2_70-.Ltmp38, $4  }
0x3ba: {  	[tilespmem:$0x80C0] =	vst v0  }
0x3bb: {  	[tilespmem:$0x80D0] =	vst v0  }
0x3bc: {  	[tilespmem:$0x80E0] =	vst v0  }
0x3bd: {  	[tilespmem:$0x80F0] =	vst v0;
	v3 =	vmov s15  }
0x3be: {  	p2 =	seq.s32 s14, $0x1  }
.Ltmp39:
0x3bf: {  	_ = 	snop;
	(pc) =	sbr.rel @p2 .LBB2_65-.Ltmp39, $3  }
0x3c0: {  	_ =	sdelay $0x1  }
0x3c1: {  	s16 =	simm.s32 $0xE280  }
0x3c2: {  	s15 =	simm.s32 $0x0;
	p1 =	por $0x0, $0x0;
	v4 =	vld [tilespmem:s16+$0x0];
	s16 =	sadd.s32 $0xFFFFFFFF, s14  }
0x3c3: {  	_ =	sdelay $0x2  }
0x3c4: {  	v5 =	vor.u32 s15, v2  }
0x3c5: {  	vm0 =	vlt.s32 v5, v3;
	v4 =	vshrl.u32 v4, $0x8  }
0x3c6: {  	v4 =	vand.u32 $0xFF, v4  }
0x3c7: {  	p2 =	seq.s32 s16, $0x1  }
.Ltmp40:
0x3c8: {  	_ = 	snop;
	(pc) =	sbr.rel @p2 .LBB2_67-.Ltmp40, $3  }
0x3c9: {  	_ =	sdelay $0x1  }
0x3ca: {  	s17 =	simm.s32 $0xE290;
	[tilespmem:v4+s10+$0x0] =	vst.idx.add.s32.msk vm0, v1  }
0x3cb: {  	s18 =	sadd.s32 $0xFFFFFFFF, s16;
	p1 =	por $0x1, $0x1;
	s16 =	simm.s32 $0x0;
	v4 =	vld [tilespmem:s17+$0x0]  }
.LBB2_68:
0x3cc: {  	p2 =	seq.s32 s18, $0x1;
	_ =	sdelay $0x1  }
0x3cd: {  	s16 =	sadd.s32 $0x10, s16  }
0x3ce: {  	v5 =	vor.u32 s16, v2  }
0x3cf: {  	vm0 =	vlt.s32 v5, v3;
	v4 =	vshrl.u32 v4, $0x8  }
0x3d0: {  	v4 =	vand.u32 $0xFF, v4;
	_ =	sdelay $0x1  }
.Ltmp41:
0x3d1: {  	(pc) =	sbr.rel @!p2 .LBB2_68-.Ltmp41, $3  }
0x3d2: {  	_ =	sdelay $0x1  }
0x3d3: {  	s17 =	sadd.s32 $0x10, s17;
	[tilespmem:v4+s10+$0x0] =	vst.idx.add.s32.msk vm0, v1  }
0x3d4: {  	s18 =	sadd.s32 $0xFFFFFFFF, s18;
	v4 =	vld [tilespmem:s17+$0x0]  }
.LBB2_69:
0x3d5: {  	_ = 	snop  }
0x3d6: {  	s0 =	sadd.s32 @p1 $0x10, s16  }
0x3d7: {  	s15 =	smov.u32 @p1 s0  }
0x3d8: {  	v5 =	vor.u32 s15, v2  }
0x3d9: {  	vm0 =	vlt.s32 v5, v3;
	v4 =	vshrl.u32 v4, $0x8  }
0x3da: {  	v4 =	vand.u32 $0xFF, v4;
	_ =	sdelay $0x4  }
0x3db: {  	[tilespmem:v4+s10+$0x0] =	vst.idx.add.s32.msk vm0, v1  }
.LBB2_70:
0x3dc: {  	s15 =	simm.s32 $0x8000  }
0x3dd: {  	v6 =	vld [tilespmem:s15+$0x0];
	_ =	sdelay $0x4  }
0x3de: {  	(xrf0) =	vadd.scan.msk.s32 $0xffff, v6;
	_ =	sdelay $0x2  }
0x3df: {  	s0 =	simm.s32 $0x8010  }
0x3e0: {  	v7 =	vld [tilespmem:s0+$0x0];
	_ =	sdelay $0x1  }
0x3e1: {  	v5, _, _ =	vpop (xrf0)  }
0x3e2: {  	(v2sf) =	vpush v5, $0xF;
	_ =	sdelay $0x1  }
0x3e3: {  	(xrf0) =	vadd.scan.msk.s32 $0xffff, v7;
	_ =	sdelay $0x5  }
0x3e4: {  	v8, _, _ =	vpop (xrf0)  }
0x3e5: {  	(v2sf) =	vpush v8, $0xF  }
0x3e6: {  	s24 =	simm.s32 $0x8020  }
0x3e7: {  	v9 =	vld [tilespmem:s24+$0x0];
	_ =	sdelay $0x1  }
0x3e8: {  	s17 =	simm.s32 $0x0  }
0x3e9: {  	v4 =	vmov s13;
	s25 =	simm.s32 $0x8030;
	v10 =	vadd.s32 s17, v5  }
0x3ea: {  	v5 =	vld [tilespmem:s25+$0x0];
	vm0 =	vge.s32 v10, v4;
	s26 =	spop (v2sf)  }
0x3eb: {  	(xrf0) =	vadd.scan.msk.s32 $0xffff, v9;
	v10 =	vsel vm0, $0x1, v0;
	s16 =	sadd.s32 $0x0, s26  }
0x3ec: {  	(xrf0) =	vadd.scan.msk.s32 $0xffff, v10;
	v8 =	vadd.s32 s16, v8  }
0x3ed: {  	v6 =	vsel vm0, $0x0, v6;
	vm14 =	vge.s32 v8, v4  }
0x3ee: {  	(xrf0) =	vadd.scan.msk.s32 $0xffff, v6;
	v7 =	vsel vm14, $0x0, v7  }
0x3ef: {  	(xrf0) =	vadd.scan.msk.s32 $0xffff, v5;
	v6 =	vsel vm14, $0x1, v0  }
0x3f0: {  	(xrf0) =	vadd.scan.msk.s32 $0xffff, v6  }
0x3f1: {  	(xrf0) =	vadd.scan.msk.s32 $0xffff, v7;
	v7, _, _ =	vpop (xrf0)  }
0x3f2: {  	v8, _, _ =	vpop (xrf0);
	(v2sf) =	vpush v7, $0xF  }
0x3f3: {  	s31 =	spop (v2sf);
	(v2sf) =	vpush v8, $0xF;
	_ =	sdelay $0x1  }
0x3f4: {  	s25 =	sadd.s32 s16, s31;
	v62, _, _ =	vpop (xrf0)  }
0x3f5: {  	v8 =	vadd.s32 s25, v7;
	(v2sf) =	vpush v62, $0xF  }
0x3f6: {  	s30 =	simm.s32 $0x8040  }
0x3f7: {  	v6 =	vld [tilespmem:s30+$0x0];
	v7, _, _ =	vpop (xrf0)  }
0x3f8: {  	vm15 =	vge.s32 v8, v4;
	(v2sf) =	vpush v7, $0xF;
	v8, _, _ =	vpop (xrf0)  }
0x3f9: {  	(v2sf) =	vpush v8, $0xF;
	v8, _, _ =	vpop (xrf0)  }
0x3fa: {  	(v2sf) =	vpush v8, $0xF  }
0x3fb: {  	s20 =	simm.s32 $0x10;
	s21 =	simm.s32 $0x20  }
0x3fc: {  	s19 =	simm.s32 $0x30;
	s18 =	simm.s32 $0x40;
	s29 =	simm.s32 $0x60;
	(xrf0) =	vadd.scan.msk.s32 $0xffff, v6;
	v63 =	vsel vm15, $0x1, v0  }
0x3fd: {  	s23 =	simm.s32 $0x0;
	s28 =	smov.u32 s13;
	s15 =	simm.s32 $0x50;
	v9 =	vsel vm15, $0x0, v9;
	(xrf0) =	vadd.scan.msk.s32 $0xffff, v63  }
0x3fe: {  	s24 =	simm.s32 $0x0;
	s26 =	simm.s32 $0x8050;
	s22 =	smov.u32 s25;
	(xrf0) =	vadd.scan.msk.s32 $0xffff, v9  }
.LBB2_71:
0x3ff: {  	s0 =	smov.u32 s28;
	s1 =	smov.u32 s17  }
0x400: {  	p1 =	sne.s32 s29, $0x100;
	s30 =	smov.u32 s15;
	v8 =	vld [tilespmem:s26+$0x0];
	s4 =	spop (v2sf)  }
0x401: {  	s15 =	smov.u32 s29;
	s17 =	spop (v2sf)  }
0x402: {  	s25 =	sadd.s32 s25, s4;
	s4 =	sxor.u32 $0x1, s23;
	p2 =	sgt.s32 s17, $0x0  }
0x403: {  	v9, _, _ =	vpop (xrf0);
	s4 =	simm.s32 @!p2 $0x0  }
0x404: {  	v10 =	vadd.s32 s25, v7;
	s17 =	ssub.s32 s20, s17;
	(v2sf) =	vpush v9, $0xF;
	v11, _, _ =	vpop (xrf0);
	s20 =	spop (v2sf);
	v7 =	vmov v9;
	p2 =	seq.s32 s4, $0x0  }
.Ltmp42:
0x405: {  	vm0 =	vge.s32 v10, v4;
	(v2sf) =	vpush v11, $0xF;
	v9, _, _ =	vpop (xrf0);
	s20 =	sadd.s32 s20, s24;
	s23 =	sor.u32 s23, s4;
	(pc) =	sbr.rel @p1 .LBB2_71-.Ltmp42, $4  }
0x406: {  	v10 =	vsel vm0, $0x1, v0;
	v11 =	vsel vm0, $0x0, v5;
	v5 =	vmovc v6;
	s24 =	smov.u32 s16;
	(xrf0) =	vadd.scan.msk.s32 $0xffff, v8;
	s17 =	smov.u32 @p2 s1;
	s28 =	ssub.s32 s13, s20;
	v6 =	vmov v8  }
0x407: {  	s16 =	smov.u32 s22;
	s22 =	smov.u32 s25;
	(xrf0) =	vadd.scan.msk.s32 $0xffff, v10;
	(v2sf) =	vpush v9, $0xF;
	s28 =	smov.u32 @p2 s0  }
0x408: {  	s20 =	smov.u32 s21;
	s21 =	smov.u32 s19;
	s19 =	smov.u32 s18;
	(xrf0) =	vadd.scan.msk.s32 $0xffff, v11  }
0x409: {  	s29 =	sadd.s32 $0x10, s29;
	s26 =	sadd.s32 $0x10, s26;
	s18 =	smov.u32 s30  }
0x40a: {  	_ =	sdelay $0x4  }
0x40b: {  	s0 =	spop (v2sf)  }
0x40c: {  	s26 =	sadd.s32 s25, s0  }
0x40d: {  	s31 =	spop (v2sf);
	v7 =	vadd.s32 s26, v7  }
0x40e: {  	s1 =	spop (v2sf);
	vm0 =	vge.s32 v7, v4  }
0x40f: {  	v7 =	vsel vm0, $0x1, v0;
	s4 =	spop (v2sf)  }
0x410: {  	v8, _, _ =	vpop (xrf0);
	v5 =	vsel vm0, $0x0, v5;
	(xrf0) =	vadd.scan.msk.s32 $0xffff, v7;
	s25 =	sadd.s32 s26, s4  }
0x411: {  	v63, _, _ =	vpop (xrf0);
	(xrf0) =	vadd.scan.msk.s32 $0xffff, v5;
	v62 =	vadd.s32 s25, v8  }
0x412: {  	(v2sf) =	vpush v8, $0xF;
	vm15 =	vge.s32 v62, v4  }
0x413: {  	(v2sf) =	vpush v63, $0xF;
	v5, _, _ =	vpop (xrf0);
	v4 =	vsel vm15, $0x1, v0  }
0x414: {  	(v2sf) =	vpush v5, $0xF;
	v6 =	vsel vm15, $0x0, v6;
	(xrf0) =	vadd.scan.msk.s32 $0xffff, v4  }
0x415: {  	(xrf0) =	vadd.scan.msk.s32 $0xffff, v6  }
0x416: {  	v4, _, _ =	vpop (xrf0)  }
0x417: {  	(v2sf) =	vpush v4, $0xF;
	v4, _, _ =	vpop (xrf0)  }
0x418: {  	(v2sf) =	vpush v4, $0xF;
	_ =	sdelay $0x1  }
0x419: {  	p1 =	sgt.s32 s31, $0x0;
	s4 =	sxor.u32 $0x1, s23;
	v4, _, _ =	vpop (xrf0)  }
0x41a: {  	s1 =	sadd.s32 s1, s24;
	s4 =	simm.s32 @!p1 $0x0;
	(v2sf) =	vpush v4, $0xF;
	v4, _, _ =	vpop (xrf0)  }
0x41b: {  	s0 =	ssub.s32 s20, s31;
	s1 =	ssub.s32 s13, s1;
	p1 =	seq.s32 s4, $0x0;
	(v2sf) =	vpush v4, $0xF  }
0x41c: {  	s29 =	spop (v2sf);
	s4 =	sor.u32 s23, s4;
	s0 =	smov.u32 @p1 s17  }
0x41d: {  	s1 =	smov.u32 @p1 s28;
	s17 =	sxor.u32 $0x1, s4;
	p1 =	sgt.s32 s29, $0x0  }
0x41e: {  	s30 =	spop (v2sf);
	s17 =	simm.s32 @!p1 $0x0  }
0x41f: {  	s20 =	ssub.s32 s21, s29;
	s16 =	sadd.s32 s30, s16;
	p1 =	seq.s32 s17, $0x0  }
0x420: {  	s20 =	smov.u32 @p1 s0;
	s0 =	ssub.s32 s13, s16;
	s31 =	spop (v2sf)  }
0x421: {  	s4 =	sor.u32 s4, s17;
	s0 =	smov.u32 @p1 s1;
	s21 =	spop (v2sf)  }
0x422: {  	s1 =	sxor.u32 $0x1, s4;
	p1 =	sgt.s32 s21, $0x0;
	s23 =	spop (v2sf)  }
0x423: {  	s16 =	ssub.s32 s19, s21;
	s1 =	simm.s32 @!p1 $0x0;
	s17 =	sadd.s32 s23, s22  }
0x424: {  	p1 =	seq.s32 s1, $0x0;
	s1 =	sor.u32 s4, s1;
	s4 =	ssub.s32 s13, s17  }
0x425: {  	s16 =	smov.u32 @p1 s20;
	s4 =	smov.u32 @p1 s0;
	s24 =	spop (v2sf)  }
0x426: {  	s0 =	sxor.u32 $0x1, s1;
	p1 =	sgt.s32 s24, $0x0;
	s28 =	spop (v2sf)  }
0x427: {  	s17 =	ssub.s32 s18, s24;
	s0 =	simm.s32 @!p1 $0x0;
	s18 =	sadd.s32 s28, s26  }
0x428: {  	p1 =	seq.s32 s0, $0x0;
	s0 =	sor.u32 s1, s0;
	s1 =	ssub.s32 s13, s18  }
.Ltmp43:
0x429: {  	s17 =	smov.u32 @p1 s16;
	s29 =	spop (v2sf);
	(pc) =	sbr.rel @p0 .LBB2_73-.Ltmp43, $4  }
0x42a: {  	s0 =	sxor.u32 $0x1, s0;
	p2 =	sgt.s32 s29, $0x0;
	s30 =	spop (v2sf)  }
0x42b: {  	s1 =	smov.u32 @p1 s4;
	s0 =	simm.s32 @!p2 $0x0;
	s31 =	sadd.s32 s30, s25  }
0x42c: {  	s15 =	ssub.s32 s15, s29;
	p1 =	seq.s32 s0, $0x0;
	s16 =	ssub.s32 s13, s31  }
0x42d: {  	s15 =	smov.u32 @p1 s17;
	s16 =	smov.u32 @p1 s1  }
0x42e: {  	s0 =	simm.s32 $0xE280  }
0x42f: {  	v4 =	vld [tilespmem:s0+$0x0];
	_ =	sdelay $0x4  }
0x430: {  	s13 =	simm.s32 $0x0;
	v6 =	vshrl.u32 v4, $0x8  }
0x431: {  	v5 =	vmov s15;
	v7 =	vor.u32 s13, v2;
	v6 =	vand.u32 $0xFF, v6  }
0x432: {  	vm0 =	vlt.s32 v7, v3;
	vm1 =	vlt.s32 v6, v5  }
0x433: {  	vm1 =	vmand vm0, vm1  }
0x434: {  	p1 =	sne.s32 s14, $0x1  }
.Ltmp44:
0x435: {  	_ = 	snop;
	(pc) =	sbr.rel @!p1 .LBB2_75-.Ltmp44, $4  }
0x436: {  	vm2 =	veq.s32 v6, v5  }
0x437: {  	vm0 =	vmand vm0, vm2  }
0x438: {  	s31 =	simm.s32 $0xC200;
	v7 =	vsel vm0, $0x1, v0  }
0x439: {  	s19 =	sadd.s32 $0xFFFFFFFF, s14;
	p0 =	por $0x0, $0x0;
	v6 =	vld [tilespmem:s31+$0x0];
	(xrf0) =	vadd.scan.msk.s32 $0xffff, v7;
	[tilespmem:v4+s11+$0x0] =	vst.idx.msk vm1, v1  }
0x43a: {  	_ =	sdelay $0x4  }
0x43b: {  	[tilespmem:v4+s12+$0x0] =	vst.idx.msk vm1, v0  }
0x43c: {  	[tilespmem:s13+$0x8100] =	vst.msk vm0, v6;
	v6, _, _ =	vpop (xrf0)  }
0x43d: {  	s14 =	simm.s32 $0xE290;
	[tilespmem:s13+$0xA180] =	vst.msk vm0, v4;
	(v2sf) =	vpush v6, $0xF  }
0x43e: {  	v4 =	vld [tilespmem:s14+$0x0];
	_ =	sdelay $0x4  }
0x43f: {  	s17 =	simm.s32 $0x10;
	v6 =	vshrl.u32 v4, $0x8  }
0x440: {  	v7 =	vor.u32 s17, v2;
	v6 =	vand.u32 $0xFF, v6  }
0x441: {  	vm0 =	vlt.s32 v7, v3;
	vm1 =	vlt.s32 v6, v5;
	vm2 =	veq.s32 v6, v5  }
0x442: {  	vm1 =	vmand vm0, vm1;
	vm0 =	vmand vm0, vm2  }
0x443: {  	p1 =	sne.s32 s19, $0x1;
	v7 =	vsel vm0, $0x1, v0  }
.Ltmp45:
0x444: {  	s18 =	simm.s32 $0xC210;
	(xrf0) =	vadd.scan.msk.s32 $0xffff, v7;
	(pc) =	sbr.rel @!p1 .LBB2_77-.Ltmp45, $3  }
0x445: {  	v6 =	vld [tilespmem:s18+$0x0];
	_ =	sdelay $0x1  }
0x446: {  	s20 =	sadd.s32 $0xFFFFFFFF, s19  }
0x447: {  	p0 =	por $0x1, $0x1;
	s19 =	simm.s32 $0x0;
	[tilespmem:v4+s11+$0x0] =	vst.idx.msk vm1, v1;
	s21 =	spop (v2sf)  }
.LBB2_78:
0x448: {  	p1 =	sne.s32 s20, $0x1;
	s20 =	sadd.s32 $0xFFFFFFFF, s20;
	[tilespmem:v4+s12+$0x0] =	vst.idx.msk vm1, v0;
	s19 =	sadd.s32 s19, s21  }
0x449: {  	[tilespmem:s19+$0x8100] =	vst.msk vm0, v6;
	v6, _, _ =	vpop (xrf0)  }
0x44a: {  	s14 =	sadd.s32 $0x10, s14;
	[tilespmem:s19+$0xA180] =	vst.msk vm0, v4;
	(v2sf) =	vpush v6, $0xF  }
0x44b: {  	v4 =	vld [tilespmem:s14+$0x0];
	_ =	sdelay $0x4  }
0x44c: {  	s17 =	sadd.s32 $0x10, s17;
	v6 =	vshrl.u32 v4, $0x8  }
0x44d: {  	v7 =	vor.u32 s17, v2;
	v6 =	vand.u32 $0xFF, v6  }
0x44e: {  	vm0 =	vlt.s32 v7, v3;
	vm1 =	vlt.s32 v6, v5;
	vm2 =	veq.s32 v6, v5  }
0x44f: {  	vm1 =	vmand vm0, vm1;
	vm0 =	vmand vm0, vm2  }
0x450: {  	v6 =	vsel vm0, $0x1, v0  }
.Ltmp46:
0x451: {  	s18 =	sadd.s32 $0x10, s18;
	(xrf0) =	vadd.scan.msk.s32 $0xffff, v6;
	(pc) =	sbr.rel @p1 .LBB2_78-.Ltmp46, $2  }
0x452: {  	v6 =	vld [tilespmem:s18+$0x0];
	_ =	sdelay $0x2  }
0x453: {  	[tilespmem:v4+s11+$0x0] =	vst.idx.msk vm1, v1;
	s21 =	spop (v2sf)  }
.LBB2_79:
0x454: {  	_ = 	snop  }
0x455: {  	v3, _, _ =	vpop (xrf0)  }
0x456: {  	(v2sf) =	vpush v3, $0xF;
	_ =	sdelay $0xb  }
.Ltmp47:
0x457: {  	_ = 	snop;
	(pc) =	sbr.rel .LBB2_80-.Ltmp47, $4  }
0x458: {  	s0 =	sadd.s32 @p0 s19, s21  }
0x459: {  	[tilespmem:v4+s12+$0x0] =	vst.idx.msk vm1, v0;
	s13 =	smov.u32 @p0 s0  }
0x45a: {  	[tilespmem:s13+$0x8100] =	vst.msk vm0, v6;
	s31 =	spop (v2sf)  }
0x45b: {  	[tilespmem:s13+$0xA180] =	vst.msk vm0, v4;
	s13 =	sadd.s32 s13, s31  }
.LBB2_73:
0x45c: {  	s13 =	simm.s32 $0x0  }
.LBB2_80:
0x45d: {  	[tilespmem:$0x8000] =	vst v0  }
0x45e: {  	[tilespmem:$0x8010] =	vst v0  }
0x45f: {  	[tilespmem:$0x8020] =	vst v0  }
0x460: {  	[tilespmem:$0x8030] =	vst v0;
	s0 =	sadd.s32 $0xF, s13  }
0x461: {  	[tilespmem:$0x8040] =	vst v0;
	s1 =	sand.u32 $0xF, s0  }
0x462: {  	[tilespmem:$0x8050] =	vst v0;
	s31 =	sshra.s32 s0, $0x1F;
	p1 =	slt.s32 s0, $0x1;
	p0 =	sne.s32 s1, $0x0  }
0x463: {  	[tilespmem:$0x8060] =	vst v0;
	s1 =	sshrl.u32 s31, $0x1C;
	p0 =	por !p1, !p0  }
0x464: {  	[tilespmem:$0x8070] =	vst v0;
	s0 =	sadd.s32 s1, s0;
	s1 =	simm.s32 $0x1;
	p0 =	por !p0, !p0  }
0x465: {  	[tilespmem:$0x8080] =	vst v0;
	s0 =	sshra.s32 s0, $0x4;
	s1 =	simm.s32 @!p0 $0x0  }
0x466: {  	[tilespmem:$0x8090] =	vst v0;
	s14 =	ssub.s32 s0, s1  }
0x467: {  	[tilespmem:$0x80A0] =	vst v0;
	p0 =	slt.s32 s14, $0x1  }
.Ltmp48:
0x468: {  	[tilespmem:$0x80B0] =	vst v0;
	(pc) =	sbr.rel @p0 .LBB2_87-.Ltmp48, $4  }
0x469: {  	[tilespmem:$0x80C0] =	vst v0  }
0x46a: {  	[tilespmem:$0x80D0] =	vst v0  }
0x46b: {  	[tilespmem:$0x80E0] =	vst v0  }
0x46c: {  	[tilespmem:$0x80F0] =	vst v0;
	v3 =	vmov s13  }
0x46d: {  	p2 =	seq.s32 s14, $0x1  }
.Ltmp49:
0x46e: {  	_ = 	snop;
	(pc) =	sbr.rel @p2 .LBB2_82-.Ltmp49, $3  }
0x46f: {  	_ =	sdelay $0x1  }
0x470: {  	s17 =	simm.s32 $0xA180  }
0x471: {  	s13 =	simm.s32 $0x0;
	p1 =	por $0x0, $0x0;
	v4 =	vld [tilespmem:s17+$0x0];
	s17 =	sadd.s32 $0xFFFFFFFF, s14  }
0x472: {  	_ =	sdelay $0x1  }
0x473: {  	v5 =	vor.u32 s13, v2  }
0x474: {  	vm0 =	vlt.s32 v5, v3  }
0x475: {  	v4 =	vand.u32 $0xFF, v4  }
0x476: {  	p2 =	seq.s32 s17, $0x1  }
.Ltmp50:
0x477: {  	_ = 	snop;
	(pc) =	sbr.rel @p2 .LBB2_84-.Ltmp50, $3  }
0x478: {  	_ =	sdelay $0x1  }
0x479: {  	s18 =	simm.s32 $0xA190;
	[tilespmem:v4+s10+$0x0] =	vst.idx.add.s32.msk vm0, v1  }
0x47a: {  	s19 =	sadd.s32 $0xFFFFFFFF, s17;
	p1 =	por $0x1, $0x1;
	s17 =	simm.s32 $0x0;
	v4 =	vld [tilespmem:s18+$0x0]  }
.LBB2_85:
0x47b: {  	p2 =	seq.s32 s19, $0x1  }
0x47c: {  	s17 =	sadd.s32 $0x10, s17  }
0x47d: {  	v5 =	vor.u32 s17, v2  }
0x47e: {  	vm0 =	vlt.s32 v5, v3  }
0x47f: {  	v4 =	vand.u32 $0xFF, v4;
	_ =	sdelay $0x1  }
.Ltmp51:
0x480: {  	(pc) =	sbr.rel @!p2 .LBB2_85-.Ltmp51, $3  }
0x481: {  	_ =	sdelay $0x1  }
0x482: {  	s18 =	sadd.s32 $0x10, s18;
	[tilespmem:v4+s10+$0x0] =	vst.idx.add.s32.msk vm0, v1  }
0x483: {  	s19 =	sadd.s32 $0xFFFFFFFF, s19;
	v4 =	vld [tilespmem:s18+$0x0]  }
.LBB2_86:
0x484: {  	s0 =	sadd.s32 @p1 $0x10, s17  }
0x485: {  	s13 =	smov.u32 @p1 s0  }
0x486: {  	v5 =	vor.u32 s13, v2  }
0x487: {  	vm0 =	vlt.s32 v5, v3  }
0x488: {  	v4 =	vand.u32 $0xFF, v4;
	_ =	sdelay $0x4  }
0x489: {  	[tilespmem:v4+s10+$0x0] =	vst.idx.add.s32.msk vm0, v1  }
.LBB2_87:
0x48a: {  	s17 =	simm.s32 $0x8000  }
0x48b: {  	v5 =	vld [tilespmem:s17+$0x0];
	_ =	sdelay $0x4  }
0x48c: {  	(xrf0) =	vadd.scan.msk.s32 $0xffff, v5;
	_ =	sdelay $0x2  }
0x48d: {  	s0 =	simm.s32 $0x8010  }
0x48e: {  	v5 =	vld [tilespmem:s0+$0x0];
	_ =	sdelay $0x1  }
0x48f: {  	v6, _, _ =	vpop (xrf0)  }
0x490: {  	(v2sf) =	vpush v6, $0xF;
	_ =	sdelay $0x1  }
0x491: {  	(xrf0) =	vadd.scan.msk.s32 $0xffff, v5;
	_ =	sdelay $0x5  }
0x492: {  	v5, _, _ =	vpop (xrf0)  }
0x493: {  	(v2sf) =	vpush v5, $0xF  }
0x494: {  	s28 =	simm.s32 $0x8020  }
0x495: {  	v7 =	vld [tilespmem:s28+$0x0];
	_ =	sdelay $0x1  }
0x496: {  	v4 =	vmov s16;
	s16 =	simm.s32 $0x0  }
0x497: {  	v6 =	vadd.s32 s16, v6  }
0x498: {  	s29 =	simm.s32 $0x8030;
	vm0 =	vge.s32 v6, v4;
	s30 =	spop (v2sf)  }
0x499: {  	v8 =	vld [tilespmem:s29+$0x0];
	(xrf0) =	vadd.scan.msk.s32 $0xffff, v7;
	v6 =	vsel vm0, $0x1, v0;
	s0 =	sadd.s32 $0x0, s30  }
0x49a: {  	(xrf0) =	vadd.scan.msk.s32 $0xffff, v6;
	v5 =	vadd.s32 s0, v5  }
0x49b: {  	vm14 =	vge.s32 v5, v4  }
0x49c: {  	v5 =	vsel vm14, $0x1, v0;
	_ =	sdelay $0x1  }
0x49d: {  	(xrf0) =	vadd.scan.msk.s32 $0xffff, v8  }
0x49e: {  	(xrf0) =	vadd.scan.msk.s32 $0xffff, v5;
	v5, _, _ =	vpop (xrf0)  }
0x49f: {  	v7, _, _ =	vpop (xrf0);
	(v2sf) =	vpush v5, $0xF  }
0x4a0: {  	s31 =	spop (v2sf);
	(v2sf) =	vpush v7, $0xF;
	_ =	sdelay $0x3  }
0x4a1: {  	s1 =	simm.s32 $0x8040;
	s22 =	sadd.s32 s0, s31  }
0x4a2: {  	v6 =	vld [tilespmem:s1+$0x0];
	v63 =	vadd.s32 s22, v5;
	v5, _, _ =	vpop (xrf0)  }
0x4a3: {  	(v2sf) =	vpush v5, $0xF;
	v7, _, _ =	vpop (xrf0)  }
0x4a4: {  	(v2sf) =	vpush v7, $0xF;
	_ =	sdelay $0x1  }
0x4a5: {  	vm15 =	vge.s32 v63, v4  }
0x4a6: {  	s13 =	sshll.u32 s15, $0x8;
	s15 =	simm.s32 $0x10;
	s20 =	simm.s32 $0x20;
	(xrf0) =	vadd.scan.msk.s32 $0xffff, v6;
	v6 =	vsel vm15, $0x1, v0  }
0x4a7: {  	s19 =	simm.s32 $0x30;
	s18 =	simm.s32 $0x40;
	s23 =	simm.s32 $0x8050;
	(xrf0) =	vadd.scan.msk.s32 $0xffff, v6  }
0x4a8: {  	s24 =	simm.s32 $0x60;
	s21 =	simm.s32 $0x0;
	s17 =	simm.s32 $0x50  }
.LBB2_88:
0x4a9: {  	s0 =	smov.u32 s16  }
0x4aa: {  	p1 =	sne.s32 s24, $0x100;
	v6 =	vld [tilespmem:s23+$0x0];
	s1 =	spop (v2sf)  }
0x4ab: {  	s4 =	spop (v2sf)  }
0x4ac: {  	s22 =	sadd.s32 s22, s1;
	s1 =	sxor.u32 $0x1, s21;
	v7, _, _ =	vpop (xrf0);
	p2 =	sgt.s32 s4, $0x0  }
0x4ad: {  	v8 =	vadd.s32 s22, v5;
	s16 =	ssub.s32 s15, s4;
	s15 =	smov.u32 s20;
	(v2sf) =	vpush v7, $0xF;
	v9, _, _ =	vpop (xrf0);
	s1 =	simm.s32 @!p2 $0x0;
	v5 =	vmov v7  }
.Ltmp52:
0x4ae: {  	vm0 =	vge.s32 v8, v4;
	(v2sf) =	vpush v9, $0xF;
	p2 =	seq.s32 s1, $0x0;
	s21 =	sor.u32 s21, s1;
	(pc) =	sbr.rel @p1 .LBB2_88-.Ltmp52, $3  }
0x4af: {  	s20 =	smov.u32 s19;
	s19 =	smov.u32 s18;
	(xrf0) =	vadd.scan.msk.s32 $0xffff, v6;
	v6 =	vsel vm0, $0x1, v0;
	s16 =	smov.u32 @p2 s0  }
0x4b0: {  	s18 =	smov.u32 s17;
	s17 =	smov.u32 s24;
	(xrf0) =	vadd.scan.msk.s32 $0xffff, v6;
	_ =	sdelay $0x1  }
0x4b1: {  	s23 =	sadd.s32 $0x10, s23;
	s24 =	sadd.s32 $0x10, s24  }
0x4b2: {  	_ =	sdelay $0x4  }
0x4b3: {  	s0 =	spop (v2sf)  }
0x4b4: {  	s0 =	sadd.s32 s22, s0  }
0x4b5: {  	v5 =	vadd.s32 s0, v5  }
0x4b6: {  	s1 =	spop (v2sf)  }
0x4b7: {  	vm0 =	vge.s32 v5, v4;
	s4 =	spop (v2sf)  }
0x4b8: {  	v6 =	vsel vm0, $0x1, v0;
	v5, _, _ =	vpop (xrf0);
	s0 =	sadd.s32 s0, s4  }
0x4b9: {  	(xrf0) =	vadd.scan.msk.s32 $0xffff, v6;
	v63 =	vadd.s32 s0, v5  }
0x4ba: {  	vm15 =	vge.s32 v63, v4  }
0x4bb: {  	v4 =	vsel vm15, $0x1, v0  }
0x4bc: {  	(v2sf) =	vpush v5, $0xF;
	v5, _, _ =	vpop (xrf0);
	(xrf0) =	vadd.scan.msk.s32 $0xffff, v4  }
0x4bd: {  	(v2sf) =	vpush v5, $0xF;
	_ =	sdelay $0x1  }
0x4be: {  	v4, _, _ =	vpop (xrf0)  }
0x4bf: {  	(v2sf) =	vpush v4, $0xF;
	_ =	sdelay $0x1  }
0x4c0: {  	v4, _, _ =	vpop (xrf0)  }
0x4c1: {  	(v2sf) =	vpush v4, $0xF;
	_ =	sdelay $0x3  }
0x4c2: {  	p1 =	sgt.s32 s1, $0x0;
	s0 =	sxor.u32 $0x1, s21  }
0x4c3: {  	s0 =	simm.s32 @!p1 $0x0  }
0x4c4: {  	s24 =	spop (v2sf);
	s25 =	sor.u32 s21, s0  }
0x4c5: {  	p1 =	sgt.s32 s24, $0x0;
	s22 =	sxor.u32 $0x1, s25  }
0x4c6: {  	s22 =	simm.s32 @!p1 $0x0;
	s23 =	spop (v2sf)  }
0x4c7: {  	s1 =	ssub.s32 s15, s1;
	s26 =	sor.u32 s25, s22;
	s28 =	spop (v2sf)  }
0x4c8: {  	p1 =	seq.s32 s0, $0x0;
	s0 =	sxor.u32 $0x1, s26;
	p2 =	sgt.s32 s28, $0x0  }
0x4c9: {  	s4 =	ssub.s32 s20, s24;
	s1 =	smov.u32 @p1 s16;
	s0 =	simm.s32 @!p2 $0x0  }
0x4ca: {  	p1 =	seq.s32 s22, $0x0;
	s15 =	sor.u32 s26, s0;
	s29 =	spop (v2sf)  }
0x4cb: {  	s4 =	smov.u32 @p1 s1;
	s20 =	sxor.u32 $0x1, s15;
	p2 =	sgt.s32 s29, $0x0  }
0x4cc: {  	s1 =	ssub.s32 s19, s28;
	p1 =	seq.s32 s0, $0x0;
	s20 =	simm.s32 @!p2 $0x0  }
.Ltmp53:
0x4cd: {  	s30 =	sor.u32 s15, s20;
	s31 =	spop (v2sf);
	(pc) =	sbr.rel @p0 .LBB2_90-.Ltmp53, $4  }
0x4ce: {  	s1 =	smov.u32 @p1 s4;
	s0 =	sxor.u32 $0x1, s30;
	p1 =	sgt.s32 s31, $0x0  }
0x4cf: {  	s4 =	ssub.s32 s18, s29;
	s0 =	simm.s32 @!p1 $0x0;
	p1 =	seq.s32 s20, $0x0  }
0x4d0: {  	s15 =	ssub.s32 s17, s31;
	s4 =	smov.u32 @p1 s1;
	p1 =	seq.s32 s0, $0x0  }
0x4d1: {  	s15 =	smov.u32 @p1 s4  }
0x4d2: {  	s0 =	simm.s32 $0xA180  }
0x4d3: {  	v4 =	vld [tilespmem:s0+$0x0];
	_ =	sdelay $0x3  }
0x4d4: {  	s16 =	simm.s32 $0x0  }
0x4d5: {  	v5 =	vmov s15;
	v6 =	vor.u32 s16, v2;
	v7 =	vand.u32 $0xFF, v4  }
0x4d6: {  	vm0 =	vlt.s32 v6, v3;
	vm1 =	vlt.s32 v7, v5  }
0x4d7: {  	vm1 =	vmand vm0, vm1  }
0x4d8: {  	p1 =	sne.s32 s14, $0x1  }
.Ltmp54:
0x4d9: {  	_ = 	snop;
	(pc) =	sbr.rel @!p1 .LBB2_92-.Ltmp54, $4  }
0x4da: {  	vm2 =	veq.s32 v7, v5  }
0x4db: {  	vm0 =	vmand vm0, vm2  }
0x4dc: {  	s31 =	simm.s32 $0x8100;
	v7 =	vsel vm0, $0x1, v0  }
0x4dd: {  	s19 =	sadd.s32 $0xFFFFFFFF, s14;
	p0 =	por $0x0, $0x0;
	v6 =	vld [tilespmem:s31+$0x0];
	(xrf0) =	vadd.scan.msk.s32 $0xffff, v7;
	[tilespmem:v4+s11+$0x0] =	vst.idx.msk vm1, v1  }
0x4de: {  	_ =	sdelay $0x4  }
0x4df: {  	[tilespmem:v4+s12+$0x0] =	vst.idx.msk vm1, v0;
	v7, _, _ =	vpop (xrf0)  }
0x4e0: {  	[tilespmem:s16+$0xC200] =	vst.msk vm0, v6;
	(v2sf) =	vpush v7, $0xF  }
0x4e1: {  	s14 =	simm.s32 $0xA190;
	[tilespmem:s16+$0xE280] =	vst.msk vm0, v4  }
0x4e2: {  	v4 =	vld [tilespmem:s14+$0x0];
	_ =	sdelay $0x3  }
0x4e3: {  	s17 =	simm.s32 $0x10  }
0x4e4: {  	v6 =	vor.u32 s17, v2;
	v7 =	vand.u32 $0xFF, v4  }
0x4e5: {  	vm0 =	vlt.s32 v6, v3;
	vm1 =	vlt.s32 v7, v5;
	vm2 =	veq.s32 v7, v5  }
0x4e6: {  	vm1 =	vmand vm0, vm1;
	vm0 =	vmand vm0, vm2  }
0x4e7: {  	p1 =	sne.s32 s19, $0x1;
	v7 =	vsel vm0, $0x1, v0  }
.Ltmp55:
0x4e8: {  	(xrf0) =	vadd.scan.msk.s32 $0xffff, v7;
	(pc) =	sbr.rel @!p1 .LBB2_94-.Ltmp55, $4  }
0x4e9: {  	s18 =	simm.s32 $0x8110  }
0x4ea: {  	v6 =	vld [tilespmem:s18+$0x0]  }
0x4eb: {  	s20 =	sadd.s32 $0xFFFFFFFF, s19  }
0x4ec: {  	p0 =	por $0x1, $0x1;
	s19 =	simm.s32 $0x0;
	[tilespmem:v4+s11+$0x0] =	vst.idx.msk vm1, v1;
	s21 =	spop (v2sf)  }
.LBB2_95:
0x4ed: {  	p1 =	sne.s32 s20, $0x1;
	s20 =	sadd.s32 $0xFFFFFFFF, s20;
	s19 =	sadd.s32 s19, s21  }
0x4ee: {  	[tilespmem:v4+s12+$0x0] =	vst.idx.msk vm1, v0;
	v7, _, _ =	vpop (xrf0)  }
0x4ef: {  	[tilespmem:s19+$0xC200] =	vst.msk vm0, v6;
	(v2sf) =	vpush v7, $0xF  }
0x4f0: {  	s14 =	sadd.s32 $0x10, s14;
	[tilespmem:s19+$0xE280] =	vst.msk vm0, v4  }
0x4f1: {  	v4 =	vld [tilespmem:s14+$0x0];
	_ =	sdelay $0x3  }
0x4f2: {  	s17 =	sadd.s32 $0x10, s17  }
0x4f3: {  	v6 =	vor.u32 s17, v2;
	v7 =	vand.u32 $0xFF, v4  }
0x4f4: {  	vm0 =	vlt.s32 v6, v3;
	vm1 =	vlt.s32 v7, v5;
	vm2 =	veq.s32 v7, v5  }
0x4f5: {  	vm1 =	vmand vm0, vm1;
	vm0 =	vmand vm0, vm2  }
0x4f6: {  	v6 =	vsel vm0, $0x1, v0  }
.Ltmp56:
0x4f7: {  	(xrf0) =	vadd.scan.msk.s32 $0xffff, v6;
	(pc) =	sbr.rel @p1 .LBB2_95-.Ltmp56, $3  }
0x4f8: {  	s18 =	sadd.s32 $0x10, s18  }
0x4f9: {  	v6 =	vld [tilespmem:s18+$0x0];
	_ =	sdelay $0x1  }
0x4fa: {  	[tilespmem:v4+s11+$0x0] =	vst.idx.msk vm1, v1;
	s21 =	spop (v2sf)  }
.LBB2_96:
0x4fb: {  	_ = 	snop  }
0x4fc: {  	v3, _, _ =	vpop (xrf0)  }
0x4fd: {  	(v2sf) =	vpush v3, $0xF;
	_ =	sdelay $0xb  }
.Ltmp57:
0x4fe: {  	_ = 	snop;
	(pc) =	sbr.rel .LBB2_97-.Ltmp57, $4  }
0x4ff: {  	s0 =	sadd.s32 @p0 s19, s21  }
0x500: {  	[tilespmem:v4+s12+$0x0] =	vst.idx.msk vm1, v0;
	s16 =	smov.u32 @p0 s0  }
0x501: {  	[tilespmem:s16+$0xC200] =	vst.msk vm0, v6;
	s31 =	spop (v2sf)  }
0x502: {  	[tilespmem:s16+$0xE280] =	vst.msk vm0, v4;
	s14 =	sadd.s32 s16, s31  }
.LBB2_90:
0x503: {  	s14 =	simm.s32 $0x0  }
.LBB2_97:
0x504: {  	s0 =	sadd.s32 $0xF, s14  }
0x505: {  	s1 =	sand.u32 $0xF, s0  }
0x506: {  	s4 =	sshra.s32 s0, $0x1F;
	p0 =	slt.s32 s0, $0x1;
	p1 =	sne.s32 s1, $0x0  }
0x507: {  	s31 =	sshrl.u32 s4, $0x1C;
	p0 =	por !p0, !p1  }
0x508: {  	s1 =	simm.s32 $0x1;
	s0 =	sadd.s32 s31, s0;
	p0 =	por !p0, !p0  }
0x509: {  	s0 =	sshra.s32 s0, $0x4;
	s1 =	simm.s32 @!p0 $0x0  }
0x50a: {  	s16 =	ssub.s32 s0, s1  }
0x50b: {  	p0 =	slt.s32 s16, $0x1  }
.Ltmp58:
0x50c: {  	_ = 	snop;
	(pc) =	sbr.rel @p0 .LBB2_104-.Ltmp58, $1  }
0x50d: {  	_ =	sdelay $0x3  }
0x50e: {  	p1 =	sne.s32 s16, $0x1  }
.Ltmp59:
0x50f: {  	_ = 	snop;
	(pc) =	sbr.rel @!p1 .LBB2_99-.Ltmp59, $4  }
0x510: {  	_ = 	snop  }
0x511: {  	s1 =	simm.s32 $0xE280  }
0x512: {  	s0 =	sor.u32 s13, s15;
	v5 =	vld [tilespmem:s1+$0x0]  }
0x513: {  	v3 =	vmov s14;
	s13 =	simm.s32 $0x0;
	s14 =	sadd.s32 $0xFFFFFFFF, s16;
	p0 =	por $0x0, $0x0;
	v4 =	vmov s0  }
0x514: {  	_ =	sdelay $0x1  }
0x515: {  	v6 =	vor.u32 s13, v2  }
0x516: {  	vm0 =	vlt.s32 v6, v3;
	vm1 =	vle.s32 v5, v4  }
0x517: {  	vm0 =	vmand vm0, vm1;
	_ =	sdelay $0x3  }
0x518: {  	p1 =	sne.s32 s14, $0x1  }
.Ltmp60:
0x519: {  	_ = 	snop;
	(pc) =	sbr.rel @!p1 .LBB2_101-.Ltmp60, $4  }
0x51a: {  	[tilespmem:v5+s11+$0x0] =	vst.idx.msk vm0, v1  }
0x51b: {  	s15 =	simm.s32 $0xE290;
	[tilespmem:v5+s12+$0x0] =	vst.idx.msk vm0, v0  }
0x51c: {  	v5 =	vld [tilespmem:s15+$0x0]  }
0x51d: {  	s16 =	sadd.s32 $0xFFFFFFFF, s14;
	p0 =	por $0x1, $0x1;
	s14 =	simm.s32 $0x0  }
.LBB2_102:
0x51e: {  	p1 =	sne.s32 s16, $0x1  }
0x51f: {  	s14 =	sadd.s32 $0x10, s14  }
0x520: {  	v6 =	vor.u32 s14, v2  }
0x521: {  	vm1 =	vle.s32 v5, v4;
	vm0 =	vlt.s32 v6, v3  }
0x522: {  	vm0 =	vmand vm0, vm1;
	_ =	sdelay $0x4  }
.Ltmp61:
0x523: {  	(pc) =	sbr.rel @p1 .LBB2_102-.Ltmp61, $4  }
0x524: {  	[tilespmem:v5+s11+$0x0] =	vst.idx.msk vm0, v1  }
0x525: {  	s15 =	sadd.s32 $0x10, s15;
	[tilespmem:v5+s12+$0x0] =	vst.idx.msk vm0, v0  }
0x526: {  	v5 =	vld [tilespmem:s15+$0x0]  }
0x527: {  	s16 =	sadd.s32 $0xFFFFFFFF, s16  }
.Ltmp62:
0x528: {  	_ = 	snop;
	(pc) =	sbr.rel .LBB2_103-.Ltmp62, $1  }
0x529: {  	_ =	sdelay $0x3  }
.LBB2_14:
.Ltmp63:
0x52a: {  	(pc) =	sbr.rel .LBB2_18-.Ltmp63, $2  }
0x52b: {  	_ =	sdelay $0x2  }
0x52c: {  	s17 =	simm.s32 $0x0  }
.LBB2_24:
.Ltmp64:
0x52d: {  	(pc) =	sbr.rel .LBB2_28-.Ltmp64, $2  }
0x52e: {  	_ =	sdelay $0x2  }
0x52f: {  	s19 =	simm.s32 $0x0  }
.LBB2_31:
.Ltmp65:
0x530: {  	(pc) =	sbr.rel .LBB2_35-.Ltmp65, $2  }
0x531: {  	_ =	sdelay $0x2  }
0x532: {  	s16 =	simm.s32 $0x0  }
.LBB2_41:
.Ltmp66:
0x533: {  	(pc) =	sbr.rel .LBB2_45-.Ltmp66, $2  }
0x534: {  	_ =	sdelay $0x2  }
0x535: {  	s18 =	simm.s32 $0x0  }
.LBB2_48:
.Ltmp67:
0x536: {  	(pc) =	sbr.rel .LBB2_52-.Ltmp67, $2  }
0x537: {  	_ =	sdelay $0x2  }
0x538: {  	s16 =	simm.s32 $0x0  }
.LBB2_58:
.Ltmp68:
0x539: {  	(pc) =	sbr.rel .LBB2_62-.Ltmp68, $2  }
0x53a: {  	_ =	sdelay $0x2  }
0x53b: {  	s18 =	simm.s32 $0x0  }
.LBB2_65:
.Ltmp69:
0x53c: {  	(pc) =	sbr.rel .LBB2_69-.Ltmp69, $2  }
0x53d: {  	_ =	sdelay $0x2  }
0x53e: {  	s16 =	simm.s32 $0x0  }
.LBB2_75:
.Ltmp70:
0x53f: {  	(pc) =	sbr.rel .LBB2_79-.Ltmp70, $2  }
0x540: {  	_ =	sdelay $0x2  }
0x541: {  	s19 =	simm.s32 $0x0  }
.LBB2_82:
.Ltmp71:
0x542: {  	(pc) =	sbr.rel .LBB2_86-.Ltmp71, $2  }
0x543: {  	_ =	sdelay $0x2  }
0x544: {  	s17 =	simm.s32 $0x0  }
.LBB2_92:
.Ltmp72:
0x545: {  	(pc) =	sbr.rel .LBB2_96-.Ltmp72, $2  }
0x546: {  	_ =	sdelay $0x2  }
0x547: {  	s19 =	simm.s32 $0x0  }
.LBB2_16:
.Ltmp73:
0x548: {  	(pc) =	sbr.rel .LBB2_18-.Ltmp73, $2  }
0x549: {  	_ =	sdelay $0x2  }
0x54a: {  	s17 =	simm.s32 $0x0  }
.LBB2_26:
.Ltmp74:
0x54b: {  	(pc) =	sbr.rel .LBB2_28-.Ltmp74, $2  }
0x54c: {  	_ =	sdelay $0x2  }
0x54d: {  	s19 =	simm.s32 $0x0  }
.LBB2_33:
.Ltmp75:
0x54e: {  	(pc) =	sbr.rel .LBB2_35-.Ltmp75, $2  }
0x54f: {  	_ =	sdelay $0x2  }
0x550: {  	s16 =	simm.s32 $0x0  }
.LBB2_43:
.Ltmp76:
0x551: {  	(pc) =	sbr.rel .LBB2_45-.Ltmp76, $2  }
0x552: {  	_ =	sdelay $0x2  }
0x553: {  	s18 =	simm.s32 $0x0  }
.LBB2_50:
.Ltmp77:
0x554: {  	(pc) =	sbr.rel .LBB2_52-.Ltmp77, $2  }
0x555: {  	_ =	sdelay $0x2  }
0x556: {  	s16 =	simm.s32 $0x0  }
.LBB2_60:
.Ltmp78:
0x557: {  	(pc) =	sbr.rel .LBB2_62-.Ltmp78, $2  }
0x558: {  	_ =	sdelay $0x2  }
0x559: {  	s18 =	simm.s32 $0x0  }
.LBB2_67:
.Ltmp79:
0x55a: {  	(pc) =	sbr.rel .LBB2_69-.Ltmp79, $2  }
0x55b: {  	_ =	sdelay $0x2  }
0x55c: {  	s16 =	simm.s32 $0x0  }
.LBB2_77:
.Ltmp80:
0x55d: {  	(pc) =	sbr.rel .LBB2_79-.Ltmp80, $2  }
0x55e: {  	_ =	sdelay $0x2  }
0x55f: {  	s19 =	simm.s32 $0x0  }
.LBB2_84:
.Ltmp81:
0x560: {  	(pc) =	sbr.rel .LBB2_86-.Ltmp81, $2  }
0x561: {  	_ =	sdelay $0x2  }
0x562: {  	s17 =	simm.s32 $0x0  }
.LBB2_94:
.Ltmp82:
0x563: {  	(pc) =	sbr.rel .LBB2_96-.Ltmp82, $2  }
0x564: {  	_ =	sdelay $0x2  }
0x565: {  	s19 =	simm.s32 $0x0  }
.LBB2_101:
.Ltmp83:
0x566: {  	(pc) =	sbr.rel .LBB2_103-.Ltmp83, $2  }
0x567: {  	_ =	sdelay $0x2  }
0x568: {  	s14 =	simm.s32 $0x0  }
.LBB2_105:
0x569: {  	_ =	sfence.sel $0x180000  }
0x56a: {  	[bflag:$0x0] =	sbarrier.arrive $0xFFFF  }
0x56b: {  	_ =	strace $0x90000047  }
0x56c: {  	s0 =	stileid.u32;
	[bflag:$0x2] =	sbarrier.arrive $0xFFFF  }
0x56d: {  	p0 =	sne.s32 s0, $0x0;
	s0 =	rddreg [dreg:$0x2]  }
0x56e: {  	s0 =	sadd.s32 @!p0 $0x100000, s0  }
0x56f: {  	[sflag:s0] =	ssyncadd.tile.s32 @!p0 $0x1;
	_ =	shalt  }
.Lfunc_end2:
_tile_overlayer_lowered:
.L_overlay_start_2:
0x570: {  	(tag) =	ssettag $0x2  }
0x571: {  	s0 =	rddreg [dreg:$0x0];
	s2 =	stileid.u32  }
0x572: {  	s1 =	rddreg [dreg:$0x1];
	p0 =	sne.s32 s2, $0x0  }
0x573: {  	s3 =	rddreg [dreg:$0x2];
	[bflag:$0x3] =	sbarrier.arrive $0xFFFF;
	s2 =	simm.s32 @!p0 $0x1C01  }
0x574: {  	[timem:s3], [sflag:s2] =	dma.local @!p0 [hbm:s0], s1  }
0x575: {  	s0 =	simm.s32 @!p0 $0x1  }
0x576: {  	_ =	swait.ge @!p0 [sflag:s0], s1  }
0x577: {  	s1 =	ssub.s32 @!p0 $0x0, s1;
	[sflag:s0] =	ssyncset.done @!p0 $0x0  }
0x578: {  	[sflag:s0] =	ssyncadd.s32 @!p0 s1  }
0x579: {  	[bflag:$0x3] =	sbarrier.arrive $0xFFFF  }
0x57a: {  	_ =	shalt  }

</sc_bundles>
